<compile_context>
chip_gen: v7x
topology: tpu7x:2x2x1
jax: 0.10.2.dev20260603
libtpu: 0.0.44.dev20260713+nightly
codegen_flags: <defaults>
</compile_context>

<pallas_src>
import functools

import jax
import jax.numpy as jnp
from jax import lax
from jax.experimental import pallas as pl
from jax.experimental.pallas import tpu as pltpu
from jax.experimental.pallas import tpu_sc as plsc

N = 10000
E = 320000
F = 128
C = 64

NC = 2
NS = 16
K = 128
CH = 80
EP = NC * NS * CH * K
NP = 10240
RPT = NP // NS
NB = 2

_HIGH = lax.Precision.HIGHEST



@functools.lru_cache(maxsize=None)
def _sc_degree_kernel():
    mesh = plsc.VectorSubcoreMesh(core_axis_name="c", subcore_axis_name="s",
                                  num_cores=NC, num_subcores=NS)

    @functools.partial(
        pl.kernel,
        out_type=jax.ShapeDtypeStruct((NC, NP, F), jnp.float32),
        mesh=mesh,
        scratch_types=[
            pltpu.VMEM((CH, K), jnp.int32),
            pltpu.VMEM((K, F), jnp.float32),
            pltpu.VMEM((K, F), jnp.float32),
            pltpu.VMEM_SHARED((NP, F), jnp.float32),
        ],
    )
    def deg_kernel(dst_idx, ones_hbm, zeros_hbm, deg_out,
                   didx_v, ones_v, g_v, deg_sh):
        c = lax.axis_index("c")
        s = lax.axis_index("s")
        pltpu.sync_copy(dst_idx.at[c, s], didx_v)
        pltpu.sync_copy(ones_hbm, ones_v)
        pltpu.sync_copy(zeros_hbm, g_v)
        for k in range(RPT // K):
            pltpu.sync_copy(g_v, deg_sh.at[pl.ds(s * RPT + k * K, K)])
        plsc.subcore_barrier()

        def body(j, carry):
            pltpu.sync_copy(ones_v, deg_sh.at[didx_v.at[j]], add=True)
            return carry

        lax.fori_loop(0, CH, body, 0)
        plsc.subcore_barrier()
        for k in range(RPT // K):
            pltpu.sync_copy(deg_sh.at[pl.ds(s * RPT + k * K, K)], g_v)
            pltpu.sync_copy(g_v, deg_out.at[c, pl.ds(s * RPT + k * K, K)])

    return deg_kernel


def _sc_degree(dst_idx, ones_hbm, zeros_hbm):
    return _sc_degree_kernel()(dst_idx, ones_hbm, zeros_hbm)


@functools.lru_cache(maxsize=None)
def _sc_scatter_kernel():
    mesh = plsc.VectorSubcoreMesh(core_axis_name="c", subcore_axis_name="s",
                                  num_cores=NC, num_subcores=NS)

    @functools.partial(
        pl.kernel,
        out_type=jax.ShapeDtypeStruct((NC, NP, F), jnp.float32),
        mesh=mesh,
        scratch_types=[
            pltpu.VMEM((CH // 2, K), jnp.int32),
            pltpu.VMEM((CH // 2, K), jnp.int32),
            pltpu.VMEM((K, F), jnp.float32),
            pltpu.VMEM((K, F), jnp.float32),
            pltpu.VMEM_SHARED((NP, F), jnp.float32),
            pltpu.SemaphoreType.DMA,
            pltpu.SemaphoreType.DMA,
        ],
    )
    def scatter_kernel(src_idx, dst_idx, y_hbm, zeros_hbm, s_out,
                       sidx_v, didx_v, buf0_v, buf1_v, s_sh, gsem, ssem):
        c = lax.axis_index("c")
        s = lax.axis_index("s")
        hch = CH // 2

        pltpu.sync_copy(zeros_hbm, buf0_v)
        for k in range(RPT // K):
            pltpu.sync_copy(buf0_v, s_sh.at[pl.ds(s * RPT + k * K, K)])
        plsc.subcore_barrier()

        for h in range(2):
            pltpu.sync_copy(src_idx.at[c, s, pl.ds(h * hch, hch)], sidx_v)
            pltpu.sync_copy(dst_idx.at[c, s, pl.ds(h * hch, hch)], didx_v)
            pltpu.async_copy(y_hbm.at[sidx_v.at[0]], buf0_v, gsem)
            pltpu.async_copy(y_hbm.at[sidx_v.at[1]], buf1_v, gsem)

            def body(j, carry):
                a = 2 * j
                b = a + 1
                pltpu.make_async_copy(y_hbm.at[sidx_v.at[a]], buf0_v,
                                      gsem).wait()
                pltpu.async_copy(buf0_v, s_sh.at[didx_v.at[a]], ssem,
                                 add=True)
                pltpu.make_async_copy(y_hbm.at[sidx_v.at[b]], buf1_v,
                                      gsem).wait()
                pltpu.async_copy(buf1_v, s_sh.at[didx_v.at[b]], ssem,
                                 add=True)
                pltpu.make_async_copy(buf0_v, s_sh.at[pl.ds(0, K)],
                                      ssem).wait()
                pltpu.make_async_copy(buf1_v, s_sh.at[pl.ds(0, K)],
                                      ssem).wait()

                @pl.when(a + 2 < hch)
                def _():
                    pltpu.async_copy(y_hbm.at[sidx_v.at[a + 2]], buf0_v, gsem)

                @pl.when(b + 2 < hch)
                def _():
                    pltpu.async_copy(y_hbm.at[sidx_v.at[b + 2]], buf1_v, gsem)

                return carry

            lax.fori_loop(0, hch // 2, body, 0)
        plsc.subcore_barrier()
        for k in range(RPT // K):
            pltpu.sync_copy(s_sh.at[pl.ds(s * RPT + k * K, K)], buf0_v)
            pltpu.sync_copy(buf0_v, s_out.at[c, pl.ds(s * RPT + k * K, K)])

    return scatter_kernel


def _sc_scatter(src_idx, dst_idx, y, zeros):
    return _sc_scatter_kernel()(src_idx, dst_idx, y, zeros)



_BR = 256
_G = NP // _BR


def _dinv_block(deg_ref):
    d = deg_ref[0, :, 0:1] + deg_ref[1, :, 0:1] + 1.0
    return lax.rsqrt(d)


def _tc1_body(deg_ref, x_ref, w_ref, y_ref):
    dinv = _dinv_block(deg_ref)
    y_ref[...] = jnp.dot(x_ref[...], w_ref[...], precision=_HIGH) * dinv


def _tc2_body(deg_ref, sp_ref, y_ref, b_ref, w_ref, y2_ref):
    dinv = _dinv_block(deg_ref)
    st = sp_ref[0] + sp_ref[1] + y_ref[...]
    h = jnp.maximum(st * dinv + b_ref[...], 0.0)
    y2_ref[...] = jnp.dot(h, w_ref[...], precision=_HIGH) * dinv


def _tc3_body(deg_ref, sp_ref, y_ref, b_ref, w_ref, b3_ref, logp_ref, h_ref):
    dinv = _dinv_block(deg_ref)
    st = sp_ref[0] + sp_ref[1] + y_ref[...]
    h = jnp.maximum(st * dinv + b_ref[...], 0.0)
    h_ref[...] = h
    z = jnp.dot(h, w_ref[...], precision=_HIGH) + b3_ref[...]
    m = jnp.max(z, axis=1, keepdims=True)
    e = jnp.exp(z - m)
    lse = jnp.log(jnp.sum(e, axis=1, keepdims=True))
    logp_ref[...] = z - m - lse


def _row_spec(w):
    return pl.BlockSpec((_BR, w), lambda i: (i, 0))


_DEG_SPEC = pl.BlockSpec((NC, _BR, F), lambda i: (0, i, 0))
_SP_SPEC = pl.BlockSpec((NC, _BR, F), lambda i: (0, i, 0))


def _full(shape):
    return pl.BlockSpec(shape, lambda i: tuple(0 for _ in shape))


def _tc1(deg, x, w):
    return pl.pallas_call(
        _tc1_body,
        grid=(_G,),
        in_specs=[_DEG_SPEC, _row_spec(F), _full((F, F))],
        out_specs=_row_spec(F),
        out_shape=jax.ShapeDtypeStruct((NP, F), jnp.float32),
    )(deg, x, w)


def _tc2(deg, sp, y, b, w):
    return pl.pallas_call(
        _tc2_body,
        grid=(_G,),
        in_specs=[_DEG_SPEC, _SP_SPEC, _row_spec(F), _full((1, F)),
                  _full((F, F))],
        out_specs=_row_spec(F),
        out_shape=jax.ShapeDtypeStruct((NP, F), jnp.float32),
    )(deg, sp, y, b, w)


def _tc3(deg, sp, y, b, w, b3):
    return pl.pallas_call(
        _tc3_body,
        grid=(_G,),
        in_specs=[_DEG_SPEC, _SP_SPEC, _row_spec(F), _full((1, F)),
                  _full((F, C)), _full((1, C))],
        out_specs=[_row_spec(C), _row_spec(F)],
        out_shape=[jax.ShapeDtypeStruct((NP, C), jnp.float32),
                   jax.ShapeDtypeStruct((NP, F), jnp.float32)],
    )(deg, sp, y, b, w, b3)



def kernel(x, edge_index, W1, b1, W2, b2, W3, b3):
    src = jnp.pad(edge_index[0], (0, EP - E), constant_values=N)
    dst = jnp.pad(edge_index[1], (0, EP - E), constant_values=N)
    src_idx = src.reshape(NC, NS, CH, K)
    dst_idx = dst.reshape(NC, NS, CH, K)

    x_pad = jnp.pad(x, ((0, NP - N), (0, 0)))
    zerosF = jnp.zeros((K, F), jnp.float32)

    ones128 = jnp.ones((K, F), jnp.float32)
    deg = _sc_degree(dst_idx, ones128, zerosF)
    y1 = _tc1(deg, x_pad, W1)
    s1 = _sc_scatter(src_idx, dst_idx, y1, zerosF)
    y2 = _tc2(deg, s1, y1, b1.reshape(1, F), W2)
    s2 = _sc_scatter(src_idx, dst_idx, y2, zerosF)
    logp, h = _tc3(deg, s2, y2, b2.reshape(1, F), W3, b3.reshape(1, C))
    return (logp[:N], h[:N])

# --- scband reference (transcript-rebuilt; emitter-appended) ---
"""Pipeline reference for scband-net1-3899830305164 (READ-ONLY COPY).

The authoritative reference and input builder live on the scoring server;
editing this copy changes nothing except your own understanding.
"""

import jax, jax.numpy as jnp
import numpy as np

N = 10000
E = 320000
F_IN = 128
H = 128
C = 64


def setup_inputs(seed: int = 0):
    key = jax.random.key(seed)
    ks = jax.random.split(key, 8)
    x = jax.random.normal(ks[0], (N, F_IN), dtype=jnp.float32)
    # int64 in the torch harness; int32 here for default-jax compatibility
    edge_index = jax.random.randint(ks[1], (2, E), 0, N, dtype=jnp.int32)
    W1 = jax.random.normal(ks[2], (F_IN, H), dtype=jnp.float32) * (1.0 / np.sqrt(F_IN))
    b1 = jnp.zeros((H,), dtype=jnp.float32)
    W2 = jax.random.normal(ks[3], (H, H), dtype=jnp.float32) * (1.0 / np.sqrt(H))
    b2 = jnp.zeros((H,), dtype=jnp.float32)
    W3 = jax.random.normal(ks[4], (H, C), dtype=jnp.float32) * (1.0 / np.sqrt(H))
    b3 = jnp.zeros((C,), dtype=jnp.float32)
    return {"x": x, "edge_index": edge_index, "W1": W1, "b1": b1,
            "W2": W2, "b2": b2, "W3": W3, "b3": b3}


def gcn_conv(x, edge_index, W, b):
    # Faithful GCNConv: linear transform, add self-loops, symmetric normalization,
    # scatter-add aggregation over dst nodes, then bias.
    n = x.shape[0]
    src = edge_index[0]
    dst = edge_index[1]
    loop = jnp.arange(n, dtype=src.dtype)
    src = jnp.concatenate([src, loop], axis=0)
    dst = jnp.concatenate([dst, loop], axis=0)
    xw = x @ W
    deg = jnp.zeros((n,), dtype=x.dtype).at[dst].add(1.0)
    dinv = jnp.where(deg > 0, deg ** -0.5, 0.0)
    norm = dinv[src] * dinv[dst]
    msg = xw[src] * norm[:, None]
    out = jnp.zeros((n, W.shape[1]), dtype=x.dtype).at[dst].add(msg)
    return out + b


def reference(x, edge_index, W1, b1, W2, b2, W3, b3):
    h = gcn_conv(x, edge_index, W1, b1)
    h = jax.nn.relu(h)
    # dropout is identity in eval mode (training=False)
    h = gcn_conv(h, edge_index, W2, b2)
    h = jax.nn.relu(h)
    z = h @ W3 + b3
    return (jax.nn.log_softmax(z, axis=1), h)

if __name__ == "__main__":
    import jax
    _d = setup_inputs()
    print(jax.jit(kernel)(*tuple(_d.values())))

</pallas_src>

<mosaic_0001>
#map = affine_map<(d0, d1) -> (0, 0, 0, 0)>
#map1 = affine_map<(d0, d1) -> (0, 0)>
#map2 = affine_map<(d0, d1) -> (0, 0, 0)>
module attributes {stable_mosaic.version = 14 : i64} {
  func.func @scatter_kernel(%arg0: i32, %arg1: i32, %arg2: memref<2x16x80x128xi32, #tpu.memory_space<hbm>>, %arg3: memref<2x16x80x128xi32, #tpu.memory_space<hbm>>, %arg4: memref<10240x128xf32, #tpu.memory_space<hbm>>, %arg5: memref<128x128xf32, #tpu.memory_space<hbm>>, %arg6: memref<2x10240x128xf32, #tpu.memory_space<hbm>>, %arg7: memref<40x128xi32, #tpu.memory_space<vmem>>, %arg8: memref<40x128xi32, #tpu.memory_space<vmem>>, %arg9: memref<128x128xf32, #tpu.memory_space<vmem>>, %arg10: memref<128x128xf32, #tpu.memory_space<vmem>>, %arg11: memref<10240x128xf32, #tpu.memory_space<vmem_shared>>, %arg12: memref<!tpu.dma_semaphore, #tpu.memory_space<semaphore_mem>>, %arg13: memref<!tpu.dma_semaphore, #tpu.memory_space<semaphore_mem>>) attributes {dimension_semantics = [#tpu.dimension_semantics<core_parallel>, #tpu.dimension_semantics<subcore_parallel>], iteration_bounds = array<i64: 2, 16>, scalar_prefetch = 0 : i64, scratch_operands = 7 : i64, tpu.core_type = #tpu.core_type<sc_vector_subcore>, window_params = [{transform_indices = #map}, {transform_indices = #map}, {transform_indices = #map1}, {transform_indices = #map1}, {transform_indices = #map2}]} {
    "tpu.region"() ({
      %run_scoped3A = tpu.sem_alloc : memref<!tpu.dma_semaphore, #tpu.memory_space<semaphore_mem>>
      tpu.enqueue_dma source(%arg5 : memref<128x128xf32, #tpu.memory_space<hbm>>) target(%arg9 : memref<128x128xf32, #tpu.memory_space<vmem>>) target_semaphore(%run_scoped3A : memref<!tpu.dma_semaphore, #tpu.memory_space<semaphore_mem>>)
      tpu.wait_dma2 semaphore(%run_scoped3A : memref<!tpu.dma_semaphore, #tpu.memory_space<semaphore_mem>>) src(%arg5 : memref<128x128xf32, #tpu.memory_space<hbm>>) dst(%arg9 : memref<128x128xf32, #tpu.memory_space<vmem>>)
      tpu.yield
    }) : () -> ()
    %mul3A = arith.constant 640 : i32
    %mul3A_0 = arith.muli %arg1, %mul3A : i32
    %add3A = arith.constant 0 : i32
    %add3A_1 = arith.addi %mul3A_0, %add3A : i32
    "tpu.region"() ({
      %run_scoped3A = tpu.sem_alloc : memref<!tpu.dma_semaphore, #tpu.memory_space<semaphore_mem>>
      %dma_start3A_97 = arith.constant 0 : i32
      %dma_start3A_98 = tpu.memref_slice %arg11[%add3A_1, %dma_start3A_97] : memref<10240x128xf32, #tpu.memory_space<vmem_shared>> -> memref<128x128xf32, #tpu.memory_space<vmem_shared>>
      %dma_start3A_99 = arith.constant 0 : i32
      %dma_start3A_100 = tpu.memref_slice %arg11[%add3A_1, %dma_start3A_99] : memref<10240x128xf32, #tpu.memory_space<vmem_shared>> -> memref<128x128xf32, #tpu.memory_space<vmem_shared>>
      tpu.enqueue_dma source(%arg9 : memref<128x128xf32, #tpu.memory_space<vmem>>) target(%dma_start3A_100 : memref<128x128xf32, #tpu.memory_space<vmem_shared>>) target_semaphore(%run_scoped3A : memref<!tpu.dma_semaphore, #tpu.memory_space<semaphore_mem>>)
      %dma_wait3A = arith.constant 0 : i32
      %dma_wait3A_101 = tpu.memref_slice %arg11[%add3A_1, %dma_wait3A] : memref<10240x128xf32, #tpu.memory_space<vmem_shared>> -> memref<128x128xf32, #tpu.memory_space<vmem_shared>>
      %dma_wait3A_102 = arith.constant 0 : i32
      %dma_wait3A_103 = tpu.memref_slice %arg11[%add3A_1, %dma_wait3A_102] : memref<10240x128xf32, #tpu.memory_space<vmem_shared>> -> memref<128x128xf32, #tpu.memory_space<vmem_shared>>
      tpu.wait_dma2 semaphore(%run_scoped3A : memref<!tpu.dma_semaphore, #tpu.memory_space<semaphore_mem>>) src(%arg9 : memref<128x128xf32, #tpu.memory_space<vmem>>) dst(%dma_wait3A_103 : memref<128x128xf32, #tpu.memory_space<vmem_shared>>)
      tpu.yield
    }) : () -> ()
    %mul3A_2 = arith.constant 640 : i32
    %mul3A_3 = arith.muli %arg1, %mul3A_2 : i32
    %add3A_4 = arith.constant 128 : i32
    %add3A_5 = arith.addi %mul3A_3, %add3A_4 : i32
    "tpu.region"() ({
      %run_scoped3A = tpu.sem_alloc : memref<!tpu.dma_semaphore, #tpu.memory_space<semaphore_mem>>
      %dma_start3A_97 = arith.constant 0 : i32
      %dma_start3A_98 = tpu.memref_slice %arg11[%add3A_5, %dma_start3A_97] : memref<10240x128xf32, #tpu.memory_space<vmem_shared>> -> memref<128x128xf32, #tpu.memory_space<vmem_shared>>
      %dma_start3A_99 = arith.constant 0 : i32
      %dma_start3A_100 = tpu.memref_slice %arg11[%add3A_5, %dma_start3A_99] : memref<10240x128xf32, #tpu.memory_space<vmem_shared>> -> memref<128x128xf32, #tpu.memory_space<vmem_shared>>
      tpu.enqueue_dma source(%arg9 : memref<128x128xf32, #tpu.memory_space<vmem>>) target(%dma_start3A_100 : memref<128x128xf32, #tpu.memory_space<vmem_shared>>) target_semaphore(%run_scoped3A : memref<!tpu.dma_semaphore, #tpu.memory_space<semaphore_mem>>)
      %dma_wait3A = arith.constant 0 : i32
      %dma_wait3A_101 = tpu.memref_slice %arg11[%add3A_5, %dma_wait3A] : memref<10240x128xf32, #tpu.memory_space<vmem_shared>> -> memref<128x128xf32, #tpu.memory_space<vmem_shared>>
      %dma_wait3A_102 = arith.constant 0 : i32
      %dma_wait3A_103 = tpu.memref_slice %arg11[%add3A_5, %dma_wait3A_102] : memref<10240x128xf32, #tpu.memory_space<vmem_shared>> -> memref<128x128xf32, #tpu.memory_space<vmem_shared>>
      tpu.wait_dma2 semaphore(%run_scoped3A : memref<!tpu.dma_semaphore, #tpu.memory_space<semaphore_mem>>) src(%arg9 : memref<128x128xf32, #tpu.memory_space<vmem>>) dst(%dma_wait3A_103 : memref<128x128xf32, #tpu.memory_space<vmem_shared>>)
      tpu.yield
    }) : () -> ()
    %mul3A_6 = arith.constant 640 : i32
    %mul3A_7 = arith.muli %arg1, %mul3A_6 : i32
    %add3A_8 = arith.constant 256 : i32
    %add3A_9 = arith.addi %mul3A_7, %add3A_8 : i32
    "tpu.region"() ({
      %run_scoped3A = tpu.sem_alloc : memref<!tpu.dma_semaphore, #tpu.memory_space<semaphore_mem>>
      %dma_start3A_97 = arith.constant 0 : i32
      %dma_start3A_98 = tpu.memref_slice %arg11[%add3A_9, %dma_start3A_97] : memref<10240x128xf32, #tpu.memory_space<vmem_shared>> -> memref<128x128xf32, #tpu.memory_space<vmem_shared>>
      %dma_start3A_99 = arith.constant 0 : i32
      %dma_start3A_100 = tpu.memref_slice %arg11[%add3A_9, %dma_start3A_99] : memref<10240x128xf32, #tpu.memory_space<vmem_shared>> -> memref<128x128xf32, #tpu.memory_space<vmem_shared>>
      tpu.enqueue_dma source(%arg9 : memref<128x128xf32, #tpu.memory_space<vmem>>) target(%dma_start3A_100 : memref<128x128xf32, #tpu.memory_space<vmem_shared>>) target_semaphore(%run_scoped3A : memref<!tpu.dma_semaphore, #tpu.memory_space<semaphore_mem>>)
      %dma_wait3A = arith.constant 0 : i32
      %dma_wait3A_101 = tpu.memref_slice %arg11[%add3A_9, %dma_wait3A] : memref<10240x128xf32, #tpu.memory_space<vmem_shared>> -> memref<128x128xf32, #tpu.memory_space<vmem_shared>>
      %dma_wait3A_102 = arith.constant 0 : i32
      %dma_wait3A_103 = tpu.memref_slice %arg11[%add3A_9, %dma_wait3A_102] : memref<10240x128xf32, #tpu.memory_space<vmem_shared>> -> memref<128x128xf32, #tpu.memory_space<vmem_shared>>
      tpu.wait_dma2 semaphore(%run_scoped3A : memref<!tpu.dma_semaphore, #tpu.memory_space<semaphore_mem>>) src(%arg9 : memref<128x128xf32, #tpu.memory_space<vmem>>) dst(%dma_wait3A_103 : memref<128x128xf32, #tpu.memory_space<vmem_shared>>)
      tpu.yield
    }) : () -> ()
    %mul3A_10 = arith.constant 640 : i32
    %mul3A_11 = arith.muli %arg1, %mul3A_10 : i32
    %add3A_12 = arith.constant 384 : i32
    %add3A_13 = arith.addi %mul3A_11, %add3A_12 : i32
    "tpu.region"() ({
      %run_scoped3A = tpu.sem_alloc : memref<!tpu.dma_semaphore, #tpu.memory_space<semaphore_mem>>
      %dma_start3A_97 = arith.constant 0 : i32
      %dma_start3A_98 = tpu.memref_slice %arg11[%add3A_13, %dma_start3A_97] : memref<10240x128xf32, #tpu.memory_space<vmem_shared>> -> memref<128x128xf32, #tpu.memory_space<vmem_shared>>
      %dma_start3A_99 = arith.constant 0 : i32
      %dma_start3A_100 = tpu.memref_slice %arg11[%add3A_13, %dma_start3A_99] : memref<10240x128xf32, #tpu.memory_space<vmem_shared>> -> memref<128x128xf32, #tpu.memory_space<vmem_shared>>
      tpu.enqueue_dma source(%arg9 : memref<128x128xf32, #tpu.memory_space<vmem>>) target(%dma_start3A_100 : memref<128x128xf32, #tpu.memory_space<vmem_shared>>) target_semaphore(%run_scoped3A : memref<!tpu.dma_semaphore, #tpu.memory_space<semaphore_mem>>)
      %dma_wait3A = arith.constant 0 : i32
      %dma_wait3A_101 = tpu.memref_slice %arg11[%add3A_13, %dma_wait3A] : memref<10240x128xf32, #tpu.memory_space<vmem_shared>> -> memref<128x128xf32, #tpu.memory_space<vmem_shared>>
      %dma_wait3A_102 = arith.constant 0 : i32
      %dma_wait3A_103 = tpu.memref_slice %arg11[%add3A_13, %dma_wait3A_102] : memref<10240x128xf32, #tpu.memory_space<vmem_shared>> -> memref<128x128xf32, #tpu.memory_space<vmem_shared>>
      tpu.wait_dma2 semaphore(%run_scoped3A : memref<!tpu.dma_semaphore, #tpu.memory_space<semaphore_mem>>) src(%arg9 : memref<128x128xf32, #tpu.memory_space<vmem>>) dst(%dma_wait3A_103 : memref<128x128xf32, #tpu.memory_space<vmem_shared>>)
      tpu.yield
    }) : () -> ()
    %mul3A_14 = arith.constant 640 : i32
    %mul3A_15 = arith.muli %arg1, %mul3A_14 : i32
    %add3A_16 = arith.constant 512 : i32
    %add3A_17 = arith.addi %mul3A_15, %add3A_16 : i32
    "tpu.region"() ({
      %run_scoped3A = tpu.sem_alloc : memref<!tpu.dma_semaphore, #tpu.memory_space<semaphore_mem>>
      %dma_start3A_97 = arith.constant 0 : i32
      %dma_start3A_98 = tpu.memref_slice %arg11[%add3A_17, %dma_start3A_97] : memref<10240x128xf32, #tpu.memory_space<vmem_shared>> -> memref<128x128xf32, #tpu.memory_space<vmem_shared>>
      %dma_start3A_99 = arith.constant 0 : i32
      %dma_start3A_100 = tpu.memref_slice %arg11[%add3A_17, %dma_start3A_99] : memref<10240x128xf32, #tpu.memory_space<vmem_shared>> -> memref<128x128xf32, #tpu.memory_space<vmem_shared>>
      tpu.enqueue_dma source(%arg9 : memref<128x128xf32, #tpu.memory_space<vmem>>) target(%dma_start3A_100 : memref<128x128xf32, #tpu.memory_space<vmem_shared>>) target_semaphore(%run_scoped3A : memref<!tpu.dma_semaphore, #tpu.memory_space<semaphore_mem>>)
      %dma_wait3A = arith.constant 0 : i32
      %dma_wait3A_101 = tpu.memref_slice %arg11[%add3A_17, %dma_wait3A] : memref<10240x128xf32, #tpu.memory_space<vmem_shared>> -> memref<128x128xf32, #tpu.memory_space<vmem_shared>>
      %dma_wait3A_102 = arith.constant 0 : i32
      %dma_wait3A_103 = tpu.memref_slice %arg11[%add3A_17, %dma_wait3A_102] : memref<10240x128xf32, #tpu.memory_space<vmem_shared>> -> memref<128x128xf32, #tpu.memory_space<vmem_shared>>
      tpu.wait_dma2 semaphore(%run_scoped3A : memref<!tpu.dma_semaphore, #tpu.memory_space<semaphore_mem>>) src(%arg9 : memref<128x128xf32, #tpu.memory_space<vmem>>) dst(%dma_wait3A_103 : memref<128x128xf32, #tpu.memory_space<vmem_shared>>)
      tpu.yield
    }) : () -> ()
    %barrier3A = arith.constant 0 : index
    tpu.barrier barrier_id(%barrier3A)
    "tpu.region"() ({
      %run_scoped3A = tpu.sem_alloc : memref<!tpu.dma_semaphore, #tpu.memory_space<semaphore_mem>>
      %dma_start3A_97 = arith.constant 0 : i32
      %dma_start3A_98 = arith.constant 0 : i32
      %dma_start3A_99 = tpu.memref_slice %arg2[%arg0, %arg1, %dma_start3A_97, %dma_start3A_98] : memref<2x16x80x128xi32, #tpu.memory_space<hbm>> -> memref<1x1x40x128xi32, #tpu.memory_space<hbm>>
      %dma_start3A_100 = tpu.memref_squeeze %dma_start3A_99 : memref<1x1x40x128xi32, #tpu.memory_space<hbm>> -> memref<40x128xi32, #tpu.memory_space<hbm>>
      %dma_start3A_101 = arith.constant 0 : i32
      %dma_start3A_102 = arith.constant 0 : i32
      %dma_start3A_103 = tpu.memref_slice %arg2[%arg0, %arg1, %dma_start3A_101, %dma_start3A_102] : memref<2x16x80x128xi32, #tpu.memory_space<hbm>> -> memref<1x1x40x128xi32, #tpu.memory_space<hbm>>
      %dma_start3A_104 = tpu.memref_squeeze %dma_start3A_103 : memref<1x1x40x128xi32, #tpu.memory_space<hbm>> -> memref<40x128xi32, #tpu.memory_space<hbm>>
      tpu.enqueue_dma source(%dma_start3A_104 : memref<40x128xi32, #tpu.memory_space<hbm>>) target(%arg7 : memref<40x128xi32, #tpu.memory_space<vmem>>) target_semaphore(%run_scoped3A : memref<!tpu.dma_semaphore, #tpu.memory_space<semaphore_mem>>)
      %dma_wait3A = arith.constant 0 : i32
      %dma_wait3A_105 = arith.constant 0 : i32
      %dma_wait3A_106 = tpu.memref_slice %arg2[%arg0, %arg1, %dma_wait3A, %dma_wait3A_105] : memref<2x16x80x128xi32, #tpu.memory_space<hbm>> -> memref<1x1x40x128xi32, #tpu.memory_space<hbm>>
      %dma_wait3A_107 = tpu.memref_squeeze %dma_wait3A_106 : memref<1x1x40x128xi32, #tpu.memory_space<hbm>> -> memref<40x128xi32, #tpu.memory_space<hbm>>
      %dma_wait3A_108 = arith.constant 0 : i32
      %dma_wait3A_109 = arith.constant 0 : i32
      %dma_wait3A_110 = tpu.memref_slice %arg2[%arg0, %arg1, %dma_wait3A_108, %dma_wait3A_109] : memref<2x16x80x128xi32, #tpu.memory_space<hbm>> -> memref<1x1x40x128xi32, #tpu.memory_space<hbm>>
      %dma_wait3A_111 = tpu.memref_squeeze %dma_wait3A_110 : memref<1x1x40x128xi32, #tpu.memory_space<hbm>> -> memref<40x128xi32, #tpu.memory_space<hbm>>
      tpu.wait_dma2 semaphore(%run_scoped3A : memref<!tpu.dma_semaphore, #tpu.memory_space<semaphore_mem>>) src(%dma_wait3A_111 : memref<40x128xi32, #tpu.memory_space<hbm>>) dst(%arg7 : memref<40x128xi32, #tpu.memory_space<vmem>>)
      tpu.yield
    }) : () -> ()
    "tpu.region"() ({
      %run_scoped3A = tpu.sem_alloc : memref<!tpu.dma_semaphore, #tpu.memory_space<semaphore_mem>>
      %dma_start3A_97 = arith.constant 0 : i32
      %dma_start3A_98 = arith.constant 0 : i32
      %dma_start3A_99 = tpu.memref_slice %arg3[%arg0, %arg1, %dma_start3A_97, %dma_start3A_98] : memref<2x16x80x128xi32, #tpu.memory_space<hbm>> -> memref<1x1x40x128xi32, #tpu.memory_space<hbm>>
      %dma_start3A_100 = tpu.memref_squeeze %dma_start3A_99 : memref<1x1x40x128xi32, #tpu.memory_space<hbm>> -> memref<40x128xi32, #tpu.memory_space<hbm>>
      %dma_start3A_101 = arith.constant 0 : i32
      %dma_start3A_102 = arith.constant 0 : i32
      %dma_start3A_103 = tpu.memref_slice %arg3[%arg0, %arg1, %dma_start3A_101, %dma_start3A_102] : memref<2x16x80x128xi32, #tpu.memory_space<hbm>> -> memref<1x1x40x128xi32, #tpu.memory_space<hbm>>
      %dma_start3A_104 = tpu.memref_squeeze %dma_start3A_103 : memref<1x1x40x128xi32, #tpu.memory_space<hbm>> -> memref<40x128xi32, #tpu.memory_space<hbm>>
      tpu.enqueue_dma source(%dma_start3A_104 : memref<40x128xi32, #tpu.memory_space<hbm>>) target(%arg8 : memref<40x128xi32, #tpu.memory_space<vmem>>) target_semaphore(%run_scoped3A : memref<!tpu.dma_semaphore, #tpu.memory_space<semaphore_mem>>)
      %dma_wait3A = arith.constant 0 : i32
      %dma_wait3A_105 = arith.constant 0 : i32
      %dma_wait3A_106 = tpu.memref_slice %arg3[%arg0, %arg1, %dma_wait3A, %dma_wait3A_105] : memref<2x16x80x128xi32, #tpu.memory_space<hbm>> -> memref<1x1x40x128xi32, #tpu.memory_space<hbm>>
      %dma_wait3A_107 = tpu.memref_squeeze %dma_wait3A_106 : memref<1x1x40x128xi32, #tpu.memory_space<hbm>> -> memref<40x128xi32, #tpu.memory_space<hbm>>
      %dma_wait3A_108 = arith.constant 0 : i32
      %dma_wait3A_109 = arith.constant 0 : i32
      %dma_wait3A_110 = tpu.memref_slice %arg3[%arg0, %arg1, %dma_wait3A_108, %dma_wait3A_109] : memref<2x16x80x128xi32, #tpu.memory_space<hbm>> -> memref<1x1x40x128xi32, #tpu.memory_space<hbm>>
      %dma_wait3A_111 = tpu.memref_squeeze %dma_wait3A_110 : memref<1x1x40x128xi32, #tpu.memory_space<hbm>> -> memref<40x128xi32, #tpu.memory_space<hbm>>
      tpu.wait_dma2 semaphore(%run_scoped3A : memref<!tpu.dma_semaphore, #tpu.memory_space<semaphore_mem>>) src(%dma_wait3A_111 : memref<40x128xi32, #tpu.memory_space<hbm>>) dst(%arg8 : memref<40x128xi32, #tpu.memory_space<vmem>>)
      tpu.yield
    }) : () -> ()
    %dma_start3A = arith.constant 0 : i32
    %dma_start3A_18 = arith.constant 0 : i32
    %dma_start3A_19 = tpu.memref_slice %arg7[%dma_start3A, %dma_start3A_18] : memref<40x128xi32, #tpu.memory_space<vmem>> -> memref<1x128xi32, #tpu.memory_space<vmem>>
    %dma_start3A_20 = tpu.memref_squeeze %dma_start3A_19 : memref<1x128xi32, #tpu.memory_space<vmem>> -> memref<128xi32, #tpu.memory_space<vmem>>
    %dma_start3A_21 = arith.constant 0 : i32
    %dma_start3A_22 = arith.constant 0 : i32
    %dma_start3A_23 = tpu.memref_slice %arg4[%dma_start3A_21, %dma_start3A_22] : memref<10240x128xf32, #tpu.memory_space<hbm>> -> memref<10240x128xf32, #tpu.memory_space<hbm>>
    tpu.enqueue_indirect_dma source(%dma_start3A_23 : memref<10240x128xf32, #tpu.memory_space<hbm>>) target(%arg9 : memref<128x128xf32, #tpu.memory_space<vmem>>) offsets(%dma_start3A_20 : memref<128xi32, #tpu.memory_space<vmem>>) semaphore(%arg12 : memref<!tpu.dma_semaphore, #tpu.memory_space<semaphore_mem>>)
    %dma_start3A_24 = arith.constant 1 : i32
    %dma_start3A_25 = arith.constant 0 : i32
    %dma_start3A_26 = tpu.memref_slice %arg7[%dma_start3A_24, %dma_start3A_25] : memref<40x128xi32, #tpu.memory_space<vmem>> -> memref<1x128xi32, #tpu.memory_space<vmem>>
    %dma_start3A_27 = tpu.memref_squeeze %dma_start3A_26 : memref<1x128xi32, #tpu.memory_space<vmem>> -> memref<128xi32, #tpu.memory_space<vmem>>
    %dma_start3A_28 = arith.constant 0 : i32
    %dma_start3A_29 = arith.constant 0 : i32
    %dma_start3A_30 = tpu.memref_slice %arg4[%dma_start3A_28, %dma_start3A_29] : memref<10240x128xf32, #tpu.memory_space<hbm>> -> memref<10240x128xf32, #tpu.memory_space<hbm>>
    tpu.enqueue_indirect_dma source(%dma_start3A_30 : memref<10240x128xf32, #tpu.memory_space<hbm>>) target(%arg10 : memref<128x128xf32, #tpu.memory_space<vmem>>) offsets(%dma_start3A_27 : memref<128xi32, #tpu.memory_space<vmem>>) semaphore(%arg12 : memref<!tpu.dma_semaphore, #tpu.memory_space<semaphore_mem>>)
    %scan3A = arith.constant 0 : i32
    %scan3A_31 = arith.constant 0 : i32
    %scan3A_32 = arith.constant 20 : i32
    %scan3A_33 = arith.addi %scan3A_31, %scan3A_32 : i32
    %scan3A_34 = arith.constant 1 : i32
    scf.for %scan3A_97 = %scan3A_31 to %scan3A_33 step %scan3A_34  : i32 {
      %mul3A_98 = arith.constant 2 : i32
      %mul3A_99 = arith.muli %mul3A_98, %scan3A_97 : i32
      %add3A_100 = arith.constant 1 : i32
      %add3A_101 = arith.addi %mul3A_99, %add3A_100 : i32
      %dma_wait3A = arith.constant 0 : i32
      %dma_wait3A_102 = tpu.memref_slice %arg7[%mul3A_99, %dma_wait3A] : memref<40x128xi32, #tpu.memory_space<vmem>> -> memref<1x128xi32, #tpu.memory_space<vmem>>
      %dma_wait3A_103 = tpu.memref_squeeze %dma_wait3A_102 : memref<1x128xi32, #tpu.memory_space<vmem>> -> memref<128xi32, #tpu.memory_space<vmem>>
      %dma_wait3A_104 = arith.constant 0 : i32
      %dma_wait3A_105 = arith.constant 0 : i32
      %dma_wait3A_106 = tpu.memref_slice %arg4[%dma_wait3A_104, %dma_wait3A_105] : memref<10240x128xf32, #tpu.memory_space<hbm>> -> memref<10240x128xf32, #tpu.memory_space<hbm>>
      tpu.wait_indirect_dma semaphore(%arg12 : memref<!tpu.dma_semaphore, #tpu.memory_space<semaphore_mem>>) src(%dma_wait3A_106 : memref<10240x128xf32, #tpu.memory_space<hbm>>) dst(%arg9 : memref<128x128xf32, #tpu.memory_space<vmem>>)
      %dma_start3A_107 = arith.constant 0 : i32
      %dma_start3A_108 = tpu.memref_slice %arg8[%mul3A_99, %dma_start3A_107] : memref<40x128xi32, #tpu.memory_space<vmem>> -> memref<1x128xi32, #tpu.memory_space<vmem>>
      %dma_start3A_109 = tpu.memref_squeeze %dma_start3A_108 : memref<1x128xi32, #tpu.memory_space<vmem>> -> memref<128xi32, #tpu.memory_space<vmem>>
      %dma_start3A_110 = arith.constant 0 : i32
      %dma_start3A_111 = arith.constant 0 : i32
      %dma_start3A_112 = tpu.memref_slice %arg11[%dma_start3A_110, %dma_start3A_111] : memref<10240x128xf32, #tpu.memory_space<vmem_shared>> -> memref<10240x128xf32, #tpu.memory_space<vmem_shared>>
      tpu.enqueue_indirect_dma source(%arg9 : memref<128x128xf32, #tpu.memory_space<vmem>>) target(%dma_start3A_112 : memref<10240x128xf32, #tpu.memory_space<vmem_shared>>) offsets(%dma_start3A_109 : memref<128xi32, #tpu.memory_space<vmem>>) semaphore(%arg13 : memref<!tpu.dma_semaphore, #tpu.memory_space<semaphore_mem>>) {add = true}
      %dma_wait3A_113 = arith.constant 0 : i32
      %dma_wait3A_114 = tpu.memref_slice %arg7[%add3A_101, %dma_wait3A_113] : memref<40x128xi32, #tpu.memory_space<vmem>> -> memref<1x128xi32, #tpu.memory_space<vmem>>
      %dma_wait3A_115 = tpu.memref_squeeze %dma_wait3A_114 : memref<1x128xi32, #tpu.memory_space<vmem>> -> memref<128xi32, #tpu.memory_space<vmem>>
      %dma_wait3A_116 = arith.constant 0 : i32
      %dma_wait3A_117 = arith.constant 0 : i32
      %dma_wait3A_118 = tpu.memref_slice %arg4[%dma_wait3A_116, %dma_wait3A_117] : memref<10240x128xf32, #tpu.memory_space<hbm>> -> memref<10240x128xf32, #tpu.memory_space<hbm>>
      tpu.wait_indirect_dma semaphore(%arg12 : memref<!tpu.dma_semaphore, #tpu.memory_space<semaphore_mem>>) src(%dma_wait3A_118 : memref<10240x128xf32, #tpu.memory_space<hbm>>) dst(%arg10 : memref<128x128xf32, #tpu.memory_space<vmem>>)
      %dma_start3A_119 = arith.constant 0 : i32
      %dma_start3A_120 = tpu.memref_slice %arg8[%add3A_101, %dma_start3A_119] : memref<40x128xi32, #tpu.memory_space<vmem>> -> memref<1x128xi32, #tpu.memory_space<vmem>>
      %dma_start3A_121 = tpu.memref_squeeze %dma_start3A_120 : memref<1x128xi32, #tpu.memory_space<vmem>> -> memref<128xi32, #tpu.memory_space<vmem>>
      %dma_start3A_122 = arith.constant 0 : i32
      %dma_start3A_123 = arith.constant 0 : i32
      %dma_start3A_124 = tpu.memref_slice %arg11[%dma_start3A_122, %dma_start3A_123] : memref<10240x128xf32, #tpu.memory_space<vmem_shared>> -> memref<10240x128xf32, #tpu.memory_space<vmem_shared>>
      tpu.enqueue_indirect_dma source(%arg10 : memref<128x128xf32, #tpu.memory_space<vmem>>) target(%dma_start3A_124 : memref<10240x128xf32, #tpu.memory_space<vmem_shared>>) offsets(%dma_start3A_121 : memref<128xi32, #tpu.memory_space<vmem>>) semaphore(%arg13 : memref<!tpu.dma_semaphore, #tpu.memory_space<semaphore_mem>>) {add = true}
      %dma_wait3A_125 = arith.constant 0 : i32
      %dma_wait3A_126 = arith.constant 0 : i32
      %dma_wait3A_127 = tpu.memref_slice %arg11[%dma_wait3A_125, %dma_wait3A_126] : memref<10240x128xf32, #tpu.memory_space<vmem_shared>> -> memref<128x128xf32, #tpu.memory_space<vmem_shared>>
      %dma_wait3A_128 = arith.constant 0 : i32
      %dma_wait3A_129 = arith.constant 0 : i32
      %dma_wait3A_130 = tpu.memref_slice %arg11[%dma_wait3A_128, %dma_wait3A_129] : memref<10240x128xf32, #tpu.memory_space<vmem_shared>> -> memref<128x128xf32, #tpu.memory_space<vmem_shared>>
      tpu.wait_dma2 semaphore(%arg13 : memref<!tpu.dma_semaphore, #tpu.memory_space<semaphore_mem>>) src(%arg9 : memref<128x128xf32, #tpu.memory_space<vmem>>) dst(%dma_wait3A_130 : memref<128x128xf32, #tpu.memory_space<vmem_shared>>)
      %dma_wait3A_131 = arith.constant 0 : i32
      %dma_wait3A_132 = arith.constant 0 : i32
      %dma_wait3A_133 = tpu.memref_slice %arg11[%dma_wait3A_131, %dma_wait3A_132] : memref<10240x128xf32, #tpu.memory_space<vmem_shared>> -> memref<128x128xf32, #tpu.memory_space<vmem_shared>>
      %dma_wait3A_134 = arith.constant 0 : i32
      %dma_wait3A_135 = arith.constant 0 : i32
      %dma_wait3A_136 = tpu.memref_slice %arg11[%dma_wait3A_134, %dma_wait3A_135] : memref<10240x128xf32, #tpu.memory_space<vmem_shared>> -> memref<128x128xf32, #tpu.memory_space<vmem_shared>>
      tpu.wait_dma2 semaphore(%arg13 : memref<!tpu.dma_semaphore, #tpu.memory_space<semaphore_mem>>) src(%arg10 : memref<128x128xf32, #tpu.memory_space<vmem>>) dst(%dma_wait3A_136 : memref<128x128xf32, #tpu.memory_space<vmem_shared>>)
      %add3A_137 = arith.constant 2 : i32
      %add3A_138 = arith.addi %mul3A_99, %add3A_137 : i32
      %lt3A = arith.constant 40 : i32
      %lt3A_139 = arith.cmpi slt, %add3A_138, %lt3A : i32
      %convert_element_type3A = arith.extui %lt3A_139 : i1 to i32
      %cond3A = arith.constant 0 : i32
      %cond3A_140 = arith.cmpi ne, %convert_element_type3A, %cond3A : i32
      scf.if %cond3A_140 {
        %add3A_148 = arith.constant 2 : i32
        %add3A_149 = arith.addi %mul3A_99, %add3A_148 : i32
        %dma_start3A_150 = arith.constant 0 : i32
        %dma_start3A_151 = tpu.memref_slice %arg7[%add3A_149, %dma_start3A_150] : memref<40x128xi32, #tpu.memory_space<vmem>> -> memref<1x128xi32, #tpu.memory_space<vmem>>
        %dma_start3A_152 = tpu.memref_squeeze %dma_start3A_151 : memref<1x128xi32, #tpu.memory_space<vmem>> -> memref<128xi32, #tpu.memory_space<vmem>>
        %dma_start3A_153 = arith.constant 0 : i32
        %dma_start3A_154 = arith.constant 0 : i32
        %dma_start3A_155 = tpu.memref_slice %arg4[%dma_start3A_153, %dma_start3A_154] : memref<10240x128xf32, #tpu.memory_space<hbm>> -> memref<10240x128xf32, #tpu.memory_space<hbm>>
        tpu.enqueue_indirect_dma source(%dma_start3A_155 : memref<10240x128xf32, #tpu.memory_space<hbm>>) target(%arg9 : memref<128x128xf32, #tpu.memory_space<vmem>>) offsets(%dma_start3A_152 : memref<128xi32, #tpu.memory_space<vmem>>) semaphore(%arg12 : memref<!tpu.dma_semaphore, #tpu.memory_space<semaphore_mem>>)
      } else {
      }
      %add3A_141 = arith.constant 2 : i32
      %add3A_142 = arith.addi %add3A_101, %add3A_141 : i32
      %lt3A_143 = arith.constant 40 : i32
      %lt3A_144 = arith.cmpi slt, %add3A_142, %lt3A_143 : i32
      %convert_element_type3A_145 = arith.extui %lt3A_144 : i1 to i32
      %cond3A_146 = arith.constant 0 : i32
      %cond3A_147 = arith.cmpi ne, %convert_element_type3A_145, %cond3A_146 : i32
      scf.if %cond3A_147 {
        %add3A_148 = arith.constant 2 : i32
        %add3A_149 = arith.addi %add3A_101, %add3A_148 : i32
        %dma_start3A_150 = arith.constant 0 : i32
        %dma_start3A_151 = tpu.memref_slice %arg7[%add3A_149, %dma_start3A_150] : memref<40x128xi32, #tpu.memory_space<vmem>> -> memref<1x128xi32, #tpu.memory_space<vmem>>
        %dma_start3A_152 = tpu.memref_squeeze %dma_start3A_151 : memref<1x128xi32, #tpu.memory_space<vmem>> -> memref<128xi32, #tpu.memory_space<vmem>>
        %dma_start3A_153 = arith.constant 0 : i32
        %dma_start3A_154 = arith.constant 0 : i32
        %dma_start3A_155 = tpu.memref_slice %arg4[%dma_start3A_153, %dma_start3A_154] : memref<10240x128xf32, #tpu.memory_space<hbm>> -> memref<10240x128xf32, #tpu.memory_space<hbm>>
        tpu.enqueue_indirect_dma source(%dma_start3A_155 : memref<10240x128xf32, #tpu.memory_space<hbm>>) target(%arg10 : memref<128x128xf32, #tpu.memory_space<vmem>>) offsets(%dma_start3A_152 : memref<128xi32, #tpu.memory_space<vmem>>) semaphore(%arg12 : memref<!tpu.dma_semaphore, #tpu.memory_space<semaphore_mem>>)
      } else {
      }
    }
    %scan3A_35 = arith.constant 20 : i32
    "tpu.region"() ({
      %run_scoped3A = tpu.sem_alloc : memref<!tpu.dma_semaphore, #tpu.memory_space<semaphore_mem>>
      %dma_start3A_97 = arith.constant 40 : i32
      %dma_start3A_98 = arith.constant 0 : i32
      %dma_start3A_99 = tpu.memref_slice %arg2[%arg0, %arg1, %dma_start3A_97, %dma_start3A_98] : memref<2x16x80x128xi32, #tpu.memory_space<hbm>> -> memref<1x1x40x128xi32, #tpu.memory_space<hbm>>
      %dma_start3A_100 = tpu.memref_squeeze %dma_start3A_99 : memref<1x1x40x128xi32, #tpu.memory_space<hbm>> -> memref<40x128xi32, #tpu.memory_space<hbm>>
      %dma_start3A_101 = arith.constant 40 : i32
      %dma_start3A_102 = arith.constant 0 : i32
      %dma_start3A_103 = tpu.memref_slice %arg2[%arg0, %arg1, %dma_start3A_101, %dma_start3A_102] : memref<2x16x80x128xi32, #tpu.memory_space<hbm>> -> memref<1x1x40x128xi32, #tpu.memory_space<hbm>>
      %dma_start3A_104 = tpu.memref_squeeze %dma_start3A_103 : memref<1x1x40x128xi32, #tpu.memory_space<hbm>> -> memref<40x128xi32, #tpu.memory_space<hbm>>
      tpu.enqueue_dma source(%dma_start3A_104 : memref<40x128xi32, #tpu.memory_space<hbm>>) target(%arg7 : memref<40x128xi32, #tpu.memory_space<vmem>>) target_semaphore(%run_scoped3A : memref<!tpu.dma_semaphore, #tpu.memory_space<semaphore_mem>>)
      %dma_wait3A = arith.constant 40 : i32
      %dma_wait3A_105 = arith.constant 0 : i32
      %dma_wait3A_106 = tpu.memref_slice %arg2[%arg0, %arg1, %dma_wait3A, %dma_wait3A_105] : memref<2x16x80x128xi32, #tpu.memory_space<hbm>> -> memref<1x1x40x128xi32, #tpu.memory_space<hbm>>
      %dma_wait3A_107 = tpu.memref_squeeze %dma_wait3A_106 : memref<1x1x40x128xi32, #tpu.memory_space<hbm>> -> memref<40x128xi32, #tpu.memory_space<hbm>>
      %dma_wait3A_108 = arith.constant 40 : i32
      %dma_wait3A_109 = arith.constant 0 : i32
      %dma_wait3A_110 = tpu.memref_slice %arg2[%arg0, %arg1, %dma_wait3A_108, %dma_wait3A_109] : memref<2x16x80x128xi32, #tpu.memory_space<hbm>> -> memref<1x1x40x128xi32, #tpu.memory_space<hbm>>
      %dma_wait3A_111 = tpu.memref_squeeze %dma_wait3A_110 : memref<1x1x40x128xi32, #tpu.memory_space<hbm>> -> memref<40x128xi32, #tpu.memory_space<hbm>>
      tpu.wait_dma2 semaphore(%run_scoped3A : memref<!tpu.dma_semaphore, #tpu.memory_space<semaphore_mem>>) src(%dma_wait3A_111 : memref<40x128xi32, #tpu.memory_space<hbm>>) dst(%arg7 : memref<40x128xi32, #tpu.memory_space<vmem>>)
      tpu.yield
    }) : () -> ()
    "tpu.region"() ({
      %run_scoped3A = tpu.sem_alloc : memref<!tpu.dma_semaphore, #tpu.memory_space<semaphore_mem>>
      %dma_start3A_97 = arith.constant 40 : i32
      %dma_start3A_98 = arith.constant 0 : i32
      %dma_start3A_99 = tpu.memref_slice %arg3[%arg0, %arg1, %dma_start3A_97, %dma_start3A_98] : memref<2x16x80x128xi32, #tpu.memory_space<hbm>> -> memref<1x1x40x128xi32, #tpu.memory_space<hbm>>
      %dma_start3A_100 = tpu.memref_squeeze %dma_start3A_99 : memref<1x1x40x128xi32, #tpu.memory_space<hbm>> -> memref<40x128xi32, #tpu.memory_space<hbm>>
      %dma_start3A_101 = arith.constant 40 : i32
      %dma_start3A_102 = arith.constant 0 : i32
      %dma_start3A_103 = tpu.memref_slice %arg3[%arg0, %arg1, %dma_start3A_101, %dma_start3A_102] : memref<2x16x80x128xi32, #tpu.memory_space<hbm>> -> memref<1x1x40x128xi32, #tpu.memory_space<hbm>>
      %dma_start3A_104 = tpu.memref_squeeze %dma_start3A_103 : memref<1x1x40x128xi32, #tpu.memory_space<hbm>> -> memref<40x128xi32, #tpu.memory_space<hbm>>
      tpu.enqueue_dma source(%dma_start3A_104 : memref<40x128xi32, #tpu.memory_space<hbm>>) target(%arg8 : memref<40x128xi32, #tpu.memory_space<vmem>>) target_semaphore(%run_scoped3A : memref<!tpu.dma_semaphore, #tpu.memory_space<semaphore_mem>>)
      %dma_wait3A = arith.constant 40 : i32
      %dma_wait3A_105 = arith.constant 0 : i32
      %dma_wait3A_106 = tpu.memref_slice %arg3[%arg0, %arg1, %dma_wait3A, %dma_wait3A_105] : memref<2x16x80x128xi32, #tpu.memory_space<hbm>> -> memref<1x1x40x128xi32, #tpu.memory_space<hbm>>
      %dma_wait3A_107 = tpu.memref_squeeze %dma_wait3A_106 : memref<1x1x40x128xi32, #tpu.memory_space<hbm>> -> memref<40x128xi32, #tpu.memory_space<hbm>>
      %dma_wait3A_108 = arith.constant 40 : i32
      %dma_wait3A_109 = arith.constant 0 : i32
      %dma_wait3A_110 = tpu.memref_slice %arg3[%arg0, %arg1, %dma_wait3A_108, %dma_wait3A_109] : memref<2x16x80x128xi32, #tpu.memory_space<hbm>> -> memref<1x1x40x128xi32, #tpu.memory_space<hbm>>
      %dma_wait3A_111 = tpu.memref_squeeze %dma_wait3A_110 : memref<1x1x40x128xi32, #tpu.memory_space<hbm>> -> memref<40x128xi32, #tpu.memory_space<hbm>>
      tpu.wait_dma2 semaphore(%run_scoped3A : memref<!tpu.dma_semaphore, #tpu.memory_space<semaphore_mem>>) src(%dma_wait3A_111 : memref<40x128xi32, #tpu.memory_space<hbm>>) dst(%arg8 : memref<40x128xi32, #tpu.memory_space<vmem>>)
      tpu.yield
    }) : () -> ()
    %dma_start3A_36 = arith.constant 0 : i32
    %dma_start3A_37 = arith.constant 0 : i32
    %dma_start3A_38 = tpu.memref_slice %arg7[%dma_start3A_36, %dma_start3A_37] : memref<40x128xi32, #tpu.memory_space<vmem>> -> memref<1x128xi32, #tpu.memory_space<vmem>>
    %dma_start3A_39 = tpu.memref_squeeze %dma_start3A_38 : memref<1x128xi32, #tpu.memory_space<vmem>> -> memref<128xi32, #tpu.memory_space<vmem>>
    %dma_start3A_40 = arith.constant 0 : i32
    %dma_start3A_41 = arith.constant 0 : i32
    %dma_start3A_42 = tpu.memref_slice %arg4[%dma_start3A_40, %dma_start3A_41] : memref<10240x128xf32, #tpu.memory_space<hbm>> -> memref<10240x128xf32, #tpu.memory_space<hbm>>
    tpu.enqueue_indirect_dma source(%dma_start3A_42 : memref<10240x128xf32, #tpu.memory_space<hbm>>) target(%arg9 : memref<128x128xf32, #tpu.memory_space<vmem>>) offsets(%dma_start3A_39 : memref<128xi32, #tpu.memory_space<vmem>>) semaphore(%arg12 : memref<!tpu.dma_semaphore, #tpu.memory_space<semaphore_mem>>)
    %dma_start3A_43 = arith.constant 1 : i32
    %dma_start3A_44 = arith.constant 0 : i32
    %dma_start3A_45 = tpu.memref_slice %arg7[%dma_start3A_43, %dma_start3A_44] : memref<40x128xi32, #tpu.memory_space<vmem>> -> memref<1x128xi32, #tpu.memory_space<vmem>>
    %dma_start3A_46 = tpu.memref_squeeze %dma_start3A_45 : memref<1x128xi32, #tpu.memory_space<vmem>> -> memref<128xi32, #tpu.memory_space<vmem>>
    %dma_start3A_47 = arith.constant 0 : i32
    %dma_start3A_48 = arith.constant 0 : i32
    %dma_start3A_49 = tpu.memref_slice %arg4[%dma_start3A_47, %dma_start3A_48] : memref<10240x128xf32, #tpu.memory_space<hbm>> -> memref<10240x128xf32, #tpu.memory_space<hbm>>
    tpu.enqueue_indirect_dma source(%dma_start3A_49 : memref<10240x128xf32, #tpu.memory_space<hbm>>) target(%arg10 : memref<128x128xf32, #tpu.memory_space<vmem>>) offsets(%dma_start3A_46 : memref<128xi32, #tpu.memory_space<vmem>>) semaphore(%arg12 : memref<!tpu.dma_semaphore, #tpu.memory_space<semaphore_mem>>)
    %scan3A_50 = arith.constant 0 : i32
    %scan3A_51 = arith.constant 0 : i32
    %scan3A_52 = arith.constant 20 : i32
    %scan3A_53 = arith.addi %scan3A_51, %scan3A_52 : i32
    %scan3A_54 = arith.constant 1 : i32
    scf.for %scan3A_97 = %scan3A_51 to %scan3A_53 step %scan3A_54  : i32 {
      %mul3A_98 = arith.constant 2 : i32
      %mul3A_99 = arith.muli %mul3A_98, %scan3A_97 : i32
      %add3A_100 = arith.constant 1 : i32
      %add3A_101 = arith.addi %mul3A_99, %add3A_100 : i32
      %dma_wait3A = arith.constant 0 : i32
      %dma_wait3A_102 = tpu.memref_slice %arg7[%mul3A_99, %dma_wait3A] : memref<40x128xi32, #tpu.memory_space<vmem>> -> memref<1x128xi32, #tpu.memory_space<vmem>>
      %dma_wait3A_103 = tpu.memref_squeeze %dma_wait3A_102 : memref<1x128xi32, #tpu.memory_space<vmem>> -> memref<128xi32, #tpu.memory_space<vmem>>
      %dma_wait3A_104 = arith.constant 0 : i32
      %dma_wait3A_105 = arith.constant 0 : i32
      %dma_wait3A_106 = tpu.memref_slice %arg4[%dma_wait3A_104, %dma_wait3A_105] : memref<10240x128xf32, #tpu.memory_space<hbm>> -> memref<10240x128xf32, #tpu.memory_space<hbm>>
      tpu.wait_indirect_dma semaphore(%arg12 : memref<!tpu.dma_semaphore, #tpu.memory_space<semaphore_mem>>) src(%dma_wait3A_106 : memref<10240x128xf32, #tpu.memory_space<hbm>>) dst(%arg9 : memref<128x128xf32, #tpu.memory_space<vmem>>)
      %dma_start3A_107 = arith.constant 0 : i32
      %dma_start3A_108 = tpu.memref_slice %arg8[%mul3A_99, %dma_start3A_107] : memref<40x128xi32, #tpu.memory_space<vmem>> -> memref<1x128xi32, #tpu.memory_space<vmem>>
      %dma_start3A_109 = tpu.memref_squeeze %dma_start3A_108 : memref<1x128xi32, #tpu.memory_space<vmem>> -> memref<128xi32, #tpu.memory_space<vmem>>
      %dma_start3A_110 = arith.constant 0 : i32
      %dma_start3A_111 = arith.constant 0 : i32
      %dma_start3A_112 = tpu.memref_slice %arg11[%dma_start3A_110, %dma_start3A_111] : memref<10240x128xf32, #tpu.memory_space<vmem_shared>> -> memref<10240x128xf32, #tpu.memory_space<vmem_shared>>
      tpu.enqueue_indirect_dma source(%arg9 : memref<128x128xf32, #tpu.memory_space<vmem>>) target(%dma_start3A_112 : memref<10240x128xf32, #tpu.memory_space<vmem_shared>>) offsets(%dma_start3A_109 : memref<128xi32, #tpu.memory_space<vmem>>) semaphore(%arg13 : memref<!tpu.dma_semaphore, #tpu.memory_space<semaphore_mem>>) {add = true}
      %dma_wait3A_113 = arith.constant 0 : i32
      %dma_wait3A_114 = tpu.memref_slice %arg7[%add3A_101, %dma_wait3A_113] : memref<40x128xi32, #tpu.memory_space<vmem>> -> memref<1x128xi32, #tpu.memory_space<vmem>>
      %dma_wait3A_115 = tpu.memref_squeeze %dma_wait3A_114 : memref<1x128xi32, #tpu.memory_space<vmem>> -> memref<128xi32, #tpu.memory_space<vmem>>
      %dma_wait3A_116 = arith.constant 0 : i32
      %dma_wait3A_117 = arith.constant 0 : i32
      %dma_wait3A_118 = tpu.memref_slice %arg4[%dma_wait3A_116, %dma_wait3A_117] : memref<10240x128xf32, #tpu.memory_space<hbm>> -> memref<10240x128xf32, #tpu.memory_space<hbm>>
      tpu.wait_indirect_dma semaphore(%arg12 : memref<!tpu.dma_semaphore, #tpu.memory_space<semaphore_mem>>) src(%dma_wait3A_118 : memref<10240x128xf32, #tpu.memory_space<hbm>>) dst(%arg10 : memref<128x128xf32, #tpu.memory_space<vmem>>)
      %dma_start3A_119 = arith.constant 0 : i32
      %dma_start3A_120 = tpu.memref_slice %arg8[%add3A_101, %dma_start3A_119] : memref<40x128xi32, #tpu.memory_space<vmem>> -> memref<1x128xi32, #tpu.memory_space<vmem>>
      %dma_start3A_121 = tpu.memref_squeeze %dma_start3A_120 : memref<1x128xi32, #tpu.memory_space<vmem>> -> memref<128xi32, #tpu.memory_space<vmem>>
      %dma_start3A_122 = arith.constant 0 : i32
      %dma_start3A_123 = arith.constant 0 : i32
      %dma_start3A_124 = tpu.memref_slice %arg11[%dma_start3A_122, %dma_start3A_123] : memref<10240x128xf32, #tpu.memory_space<vmem_shared>> -> memref<10240x128xf32, #tpu.memory_space<vmem_shared>>
      tpu.enqueue_indirect_dma source(%arg10 : memref<128x128xf32, #tpu.memory_space<vmem>>) target(%dma_start3A_124 : memref<10240x128xf32, #tpu.memory_space<vmem_shared>>) offsets(%dma_start3A_121 : memref<128xi32, #tpu.memory_space<vmem>>) semaphore(%arg13 : memref<!tpu.dma_semaphore, #tpu.memory_space<semaphore_mem>>) {add = true}
      %dma_wait3A_125 = arith.constant 0 : i32
      %dma_wait3A_126 = arith.constant 0 : i32
      %dma_wait3A_127 = tpu.memref_slice %arg11[%dma_wait3A_125, %dma_wait3A_126] : memref<10240x128xf32, #tpu.memory_space<vmem_shared>> -> memref<128x128xf32, #tpu.memory_space<vmem_shared>>
      %dma_wait3A_128 = arith.constant 0 : i32
      %dma_wait3A_129 = arith.constant 0 : i32
      %dma_wait3A_130 = tpu.memref_slice %arg11[%dma_wait3A_128, %dma_wait3A_129] : memref<10240x128xf32, #tpu.memory_space<vmem_shared>> -> memref<128x128xf32, #tpu.memory_space<vmem_shared>>
      tpu.wait_dma2 semaphore(%arg13 : memref<!tpu.dma_semaphore, #tpu.memory_space<semaphore_mem>>) src(%arg9 : memref<128x128xf32, #tpu.memory_space<vmem>>) dst(%dma_wait3A_130 : memref<128x128xf32, #tpu.memory_space<vmem_shared>>)
      %dma_wait3A_131 = arith.constant 0 : i32
      %dma_wait3A_132 = arith.constant 0 : i32
      %dma_wait3A_133 = tpu.memref_slice %arg11[%dma_wait3A_131, %dma_wait3A_132] : memref<10240x128xf32, #tpu.memory_space<vmem_shared>> -> memref<128x128xf32, #tpu.memory_space<vmem_shared>>
      %dma_wait3A_134 = arith.constant 0 : i32
      %dma_wait3A_135 = arith.constant 0 : i32
      %dma_wait3A_136 = tpu.memref_slice %arg11[%dma_wait3A_134, %dma_wait3A_135] : memref<10240x128xf32, #tpu.memory_space<vmem_shared>> -> memref<128x128xf32, #tpu.memory_space<vmem_shared>>
      tpu.wait_dma2 semaphore(%arg13 : memref<!tpu.dma_semaphore, #tpu.memory_space<semaphore_mem>>) src(%arg10 : memref<128x128xf32, #tpu.memory_space<vmem>>) dst(%dma_wait3A_136 : memref<128x128xf32, #tpu.memory_space<vmem_shared>>)
      %add3A_137 = arith.constant 2 : i32
      %add3A_138 = arith.addi %mul3A_99, %add3A_137 : i32
      %lt3A = arith.constant 40 : i32
      %lt3A_139 = arith.cmpi slt, %add3A_138, %lt3A : i32
      %convert_element_type3A = arith.extui %lt3A_139 : i1 to i32
      %cond3A = arith.constant 0 : i32
      %cond3A_140 = arith.cmpi ne, %convert_element_type3A, %cond3A : i32
      scf.if %cond3A_140 {
        %add3A_148 = arith.constant 2 : i32
        %add3A_149 = arith.addi %mul3A_99, %add3A_148 : i32
        %dma_start3A_150 = arith.constant 0 : i32
        %dma_start3A_151 = tpu.memref_slice %arg7[%add3A_149, %dma_start3A_150] : memref<40x128xi32, #tpu.memory_space<vmem>> -> memref<1x128xi32, #tpu.memory_space<vmem>>
        %dma_start3A_152 = tpu.memref_squeeze %dma_start3A_151 : memref<1x128xi32, #tpu.memory_space<vmem>> -> memref<128xi32, #tpu.memory_space<vmem>>
        %dma_start3A_153 = arith.constant 0 : i32
        %dma_start3A_154 = arith.constant 0 : i32
        %dma_start3A_155 = tpu.memref_slice %arg4[%dma_start3A_153, %dma_start3A_154] : memref<10240x128xf32, #tpu.memory_space<hbm>> -> memref<10240x128xf32, #tpu.memory_space<hbm>>
        tpu.enqueue_indirect_dma source(%dma_start3A_155 : memref<10240x128xf32, #tpu.memory_space<hbm>>) target(%arg9 : memref<128x128xf32, #tpu.memory_space<vmem>>) offsets(%dma_start3A_152 : memref<128xi32, #tpu.memory_space<vmem>>) semaphore(%arg12 : memref<!tpu.dma_semaphore, #tpu.memory_space<semaphore_mem>>)
      } else {
      }
      %add3A_141 = arith.constant 2 : i32
      %add3A_142 = arith.addi %add3A_101, %add3A_141 : i32
      %lt3A_143 = arith.constant 40 : i32
      %lt3A_144 = arith.cmpi slt, %add3A_142, %lt3A_143 : i32
      %convert_element_type3A_145 = arith.extui %lt3A_144 : i1 to i32
      %cond3A_146 = arith.constant 0 : i32
      %cond3A_147 = arith.cmpi ne, %convert_element_type3A_145, %cond3A_146 : i32
      scf.if %cond3A_147 {
        %add3A_148 = arith.constant 2 : i32
        %add3A_149 = arith.addi %add3A_101, %add3A_148 : i32
        %dma_start3A_150 = arith.constant 0 : i32
        %dma_start3A_151 = tpu.memref_slice %arg7[%add3A_149, %dma_start3A_150] : memref<40x128xi32, #tpu.memory_space<vmem>> -> memref<1x128xi32, #tpu.memory_space<vmem>>
        %dma_start3A_152 = tpu.memref_squeeze %dma_start3A_151 : memref<1x128xi32, #tpu.memory_space<vmem>> -> memref<128xi32, #tpu.memory_space<vmem>>
        %dma_start3A_153 = arith.constant 0 : i32
        %dma_start3A_154 = arith.constant 0 : i32
        %dma_start3A_155 = tpu.memref_slice %arg4[%dma_start3A_153, %dma_start3A_154] : memref<10240x128xf32, #tpu.memory_space<hbm>> -> memref<10240x128xf32, #tpu.memory_space<hbm>>
        tpu.enqueue_indirect_dma source(%dma_start3A_155 : memref<10240x128xf32, #tpu.memory_space<hbm>>) target(%arg10 : memref<128x128xf32, #tpu.memory_space<vmem>>) offsets(%dma_start3A_152 : memref<128xi32, #tpu.memory_space<vmem>>) semaphore(%arg12 : memref<!tpu.dma_semaphore, #tpu.memory_space<semaphore_mem>>)
      } else {
      }
    }
    %scan3A_55 = arith.constant 20 : i32
    %barrier3A_56 = arith.constant 0 : index
    tpu.barrier barrier_id(%barrier3A_56)
    %mul3A_57 = arith.constant 640 : i32
    %mul3A_58 = arith.muli %arg1, %mul3A_57 : i32
    %add3A_59 = arith.constant 0 : i32
    %add3A_60 = arith.addi %mul3A_58, %add3A_59 : i32
    "tpu.region"() ({
      %run_scoped3A = tpu.sem_alloc : memref<!tpu.dma_semaphore, #tpu.memory_space<semaphore_mem>>
      %dma_start3A_97 = arith.constant 0 : i32
      %dma_start3A_98 = tpu.memref_slice %arg11[%add3A_60, %dma_start3A_97] : memref<10240x128xf32, #tpu.memory_space<vmem_shared>> -> memref<128x128xf32, #tpu.memory_space<vmem_shared>>
      %dma_start3A_99 = arith.constant 0 : i32
      %dma_start3A_100 = tpu.memref_slice %arg11[%add3A_60, %dma_start3A_99] : memref<10240x128xf32, #tpu.memory_space<vmem_shared>> -> memref<128x128xf32, #tpu.memory_space<vmem_shared>>
      tpu.enqueue_dma source(%dma_start3A_100 : memref<128x128xf32, #tpu.memory_space<vmem_shared>>) target(%arg9 : memref<128x128xf32, #tpu.memory_space<vmem>>) target_semaphore(%run_scoped3A : memref<!tpu.dma_semaphore, #tpu.memory_space<semaphore_mem>>)
      %dma_wait3A = arith.constant 0 : i32
      %dma_wait3A_101 = tpu.memref_slice %arg11[%add3A_60, %dma_wait3A] : memref<10240x128xf32, #tpu.memory_space<vmem_shared>> -> memref<128x128xf32, #tpu.memory_space<vmem_shared>>
      %dma_wait3A_102 = arith.constant 0 : i32
      %dma_wait3A_103 = tpu.memref_slice %arg11[%add3A_60, %dma_wait3A_102] : memref<10240x128xf32, #tpu.memory_space<vmem_shared>> -> memref<128x128xf32, #tpu.memory_space<vmem_shared>>
      tpu.wait_dma2 semaphore(%run_scoped3A : memref<!tpu.dma_semaphore, #tpu.memory_space<semaphore_mem>>) src(%dma_wait3A_103 : memref<128x128xf32, #tpu.memory_space<vmem_shared>>) dst(%arg9 : memref<128x128xf32, #tpu.memory_space<vmem>>)
      tpu.yield
    }) : () -> ()
    %mul3A_61 = arith.constant 640 : i32
    %mul3A_62 = arith.muli %arg1, %mul3A_61 : i32
    %add3A_63 = arith.constant 0 : i32
    %add3A_64 = arith.addi %mul3A_62, %add3A_63 : i32
    "tpu.region"() ({
      %run_scoped3A = tpu.sem_alloc : memref<!tpu.dma_semaphore, #tpu.memory_space<semaphore_mem>>
      %dma_start3A_97 = arith.constant 0 : i32
      %dma_start3A_98 = tpu.memref_slice %arg6[%arg0, %add3A_64, %dma_start3A_97] : memref<2x10240x128xf32, #tpu.memory_space<hbm>> -> memref<1x128x128xf32, #tpu.memory_space<hbm>>
      %dma_start3A_99 = tpu.memref_squeeze %dma_start3A_98 : memref<1x128x128xf32, #tpu.memory_space<hbm>> -> memref<128x128xf32, #tpu.memory_space<hbm>>
      %dma_start3A_100 = arith.constant 0 : i32
      %dma_start3A_101 = tpu.memref_slice %arg6[%arg0, %add3A_64, %dma_start3A_100] : memref<2x10240x128xf32, #tpu.memory_space<hbm>> -> memref<1x128x128xf32, #tpu.memory_space<hbm>>
      %dma_start3A_102 = tpu.memref_squeeze %dma_start3A_101 : memref<1x128x128xf32, #tpu.memory_space<hbm>> -> memref<128x128xf32, #tpu.memory_space<hbm>>
      tpu.enqueue_dma source(%arg9 : memref<128x128xf32, #tpu.memory_space<vmem>>) target(%dma_start3A_102 : memref<128x128xf32, #tpu.memory_space<hbm>>) target_semaphore(%run_scoped3A : memref<!tpu.dma_semaphore, #tpu.memory_space<semaphore_mem>>)
      %dma_wait3A = arith.constant 0 : i32
      %dma_wait3A_103 = tpu.memref_slice %arg6[%arg0, %add3A_64, %dma_wait3A] : memref<2x10240x128xf32, #tpu.memory_space<hbm>> -> memref<1x128x128xf32, #tpu.memory_space<hbm>>
      %dma_wait3A_104 = tpu.memref_squeeze %dma_wait3A_103 : memref<1x128x128xf32, #tpu.memory_space<hbm>> -> memref<128x128xf32, #tpu.memory_space<hbm>>
      %dma_wait3A_105 = arith.constant 0 : i32
      %dma_wait3A_106 = tpu.memref_slice %arg6[%arg0, %add3A_64, %dma_wait3A_105] : memref<2x10240x128xf32, #tpu.memory_space<hbm>> -> memref<1x128x128xf32, #tpu.memory_space<hbm>>
      %dma_wait3A_107 = tpu.memref_squeeze %dma_wait3A_106 : memref<1x128x128xf32, #tpu.memory_space<hbm>> -> memref<128x128xf32, #tpu.memory_space<hbm>>
      tpu.wait_dma2 semaphore(%run_scoped3A : memref<!tpu.dma_semaphore, #tpu.memory_space<semaphore_mem>>) src(%arg9 : memref<128x128xf32, #tpu.memory_space<vmem>>) dst(%dma_wait3A_107 : memref<128x128xf32, #tpu.memory_space<hbm>>)
      tpu.yield
    }) : () -> ()
    %mul3A_65 = arith.constant 640 : i32
    %mul3A_66 = arith.muli %arg1, %mul3A_65 : i32
    %add3A_67 = arith.constant 128 : i32
    %add3A_68 = arith.addi %mul3A_66, %add3A_67 : i32
    "tpu.region"() ({
      %run_scoped3A = tpu.sem_alloc : memref<!tpu.dma_semaphore, #tpu.memory_space<semaphore_mem>>
      %dma_start3A_97 = arith.constant 0 : i32
      %dma_start3A_98 = tpu.memref_slice %arg11[%add3A_68, %dma_start3A_97] : memref<10240x128xf32, #tpu.memory_space<vmem_shared>> -> memref<128x128xf32, #tpu.memory_space<vmem_shared>>
      %dma_start3A_99 = arith.constant 0 : i32
      %dma_start3A_100 = tpu.memref_slice %arg11[%add3A_68, %dma_start3A_99] : memref<10240x128xf32, #tpu.memory_space<vmem_shared>> -> memref<128x128xf32, #tpu.memory_space<vmem_shared>>
      tpu.enqueue_dma source(%dma_start3A_100 : memref<128x128xf32, #tpu.memory_space<vmem_shared>>) target(%arg9 : memref<128x128xf32, #tpu.memory_space<vmem>>) target_semaphore(%run_scoped3A : memref<!tpu.dma_semaphore, #tpu.memory_space<semaphore_mem>>)
      %dma_wait3A = arith.constant 0 : i32
      %dma_wait3A_101 = tpu.memref_slice %arg11[%add3A_68, %dma_wait3A] : memref<10240x128xf32, #tpu.memory_space<vmem_shared>> -> memref<128x128xf32, #tpu.memory_space<vmem_shared>>
      %dma_wait3A_102 = arith.constant 0 : i32
      %dma_wait3A_103 = tpu.memref_slice %arg11[%add3A_68, %dma_wait3A_102] : memref<10240x128xf32, #tpu.memory_space<vmem_shared>> -> memref<128x128xf32, #tpu.memory_space<vmem_shared>>
      tpu.wait_dma2 semaphore(%run_scoped3A : memref<!tpu.dma_semaphore, #tpu.memory_space<semaphore_mem>>) src(%dma_wait3A_103 : memref<128x128xf32, #tpu.memory_space<vmem_shared>>) dst(%arg9 : memref<128x128xf32, #tpu.memory_space<vmem>>)
      tpu.yield
    }) : () -> ()
    %mul3A_69 = arith.constant 640 : i32
    %mul3A_70 = arith.muli %arg1, %mul3A_69 : i32
    %add3A_71 = arith.constant 128 : i32
    %add3A_72 = arith.addi %mul3A_70, %add3A_71 : i32
    "tpu.region"() ({
      %run_scoped3A = tpu.sem_alloc : memref<!tpu.dma_semaphore, #tpu.memory_space<semaphore_mem>>
      %dma_start3A_97 = arith.constant 0 : i32
      %dma_start3A_98 = tpu.memref_slice %arg6[%arg0, %add3A_72, %dma_start3A_97] : memref<2x10240x128xf32, #tpu.memory_space<hbm>> -> memref<1x128x128xf32, #tpu.memory_space<hbm>>
      %dma_start3A_99 = tpu.memref_squeeze %dma_start3A_98 : memref<1x128x128xf32, #tpu.memory_space<hbm>> -> memref<128x128xf32, #tpu.memory_space<hbm>>
      %dma_start3A_100 = arith.constant 0 : i32
      %dma_start3A_101 = tpu.memref_slice %arg6[%arg0, %add3A_72, %dma_start3A_100] : memref<2x10240x128xf32, #tpu.memory_space<hbm>> -> memref<1x128x128xf32, #tpu.memory_space<hbm>>
      %dma_start3A_102 = tpu.memref_squeeze %dma_start3A_101 : memref<1x128x128xf32, #tpu.memory_space<hbm>> -> memref<128x128xf32, #tpu.memory_space<hbm>>
      tpu.enqueue_dma source(%arg9 : memref<128x128xf32, #tpu.memory_space<vmem>>) target(%dma_start3A_102 : memref<128x128xf32, #tpu.memory_space<hbm>>) target_semaphore(%run_scoped3A : memref<!tpu.dma_semaphore, #tpu.memory_space<semaphore_mem>>)
      %dma_wait3A = arith.constant 0 : i32
      %dma_wait3A_103 = tpu.memref_slice %arg6[%arg0, %add3A_72, %dma_wait3A] : memref<2x10240x128xf32, #tpu.memory_space<hbm>> -> memref<1x128x128xf32, #tpu.memory_space<hbm>>
      %dma_wait3A_104 = tpu.memref_squeeze %dma_wait3A_103 : memref<1x128x128xf32, #tpu.memory_space<hbm>> -> memref<128x128xf32, #tpu.memory_space<hbm>>
      %dma_wait3A_105 = arith.constant 0 : i32
      %dma_wait3A_106 = tpu.memref_slice %arg6[%arg0, %add3A_72, %dma_wait3A_105] : memref<2x10240x128xf32, #tpu.memory_space<hbm>> -> memref<1x128x128xf32, #tpu.memory_space<hbm>>
      %dma_wait3A_107 = tpu.memref_squeeze %dma_wait3A_106 : memref<1x128x128xf32, #tpu.memory_space<hbm>> -> memref<128x128xf32, #tpu.memory_space<hbm>>
      tpu.wait_dma2 semaphore(%run_scoped3A : memref<!tpu.dma_semaphore, #tpu.memory_space<semaphore_mem>>) src(%arg9 : memref<128x128xf32, #tpu.memory_space<vmem>>) dst(%dma_wait3A_107 : memref<128x128xf32, #tpu.memory_space<hbm>>)
      tpu.yield
    }) : () -> ()
    %mul3A_73 = arith.constant 640 : i32
    %mul3A_74 = arith.muli %arg1, %mul3A_73 : i32
    %add3A_75 = arith.constant 256 : i32
    %add3A_76 = arith.addi %mul3A_74, %add3A_75 : i32
    "tpu.region"() ({
      %run_scoped3A = tpu.sem_alloc : memref<!tpu.dma_semaphore, #tpu.memory_space<semaphore_mem>>
      %dma_start3A_97 = arith.constant 0 : i32
      %dma_start3A_98 = tpu.memref_slice %arg11[%add3A_76, %dma_start3A_97] : memref<10240x128xf32, #tpu.memory_space<vmem_shared>> -> memref<128x128xf32, #tpu.memory_space<vmem_shared>>
      %dma_start3A_99 = arith.constant 0 : i32
      %dma_start3A_100 = tpu.memref_slice %arg11[%add3A_76, %dma_start3A_99] : memref<10240x128xf32, #tpu.memory_space<vmem_shared>> -> memref<128x128xf32, #tpu.memory_space<vmem_shared>>
      tpu.enqueue_dma source(%dma_start3A_100 : memref<128x128xf32, #tpu.memory_space<vmem_shared>>) target(%arg9 : memref<128x128xf32, #tpu.memory_space<vmem>>) target_semaphore(%run_scoped3A : memref<!tpu.dma_semaphore, #tpu.memory_space<semaphore_mem>>)
      %dma_wait3A = arith.constant 0 : i32
      %dma_wait3A_101 = tpu.memref_slice %arg11[%add3A_76, %dma_wait3A] : memref<10240x128xf32, #tpu.memory_space<vmem_shared>> -> memref<128x128xf32, #tpu.memory_space<vmem_shared>>
      %dma_wait3A_102 = arith.constant 0 : i32
      %dma_wait3A_103 = tpu.memref_slice %arg11[%add3A_76, %dma_wait3A_102] : memref<10240x128xf32, #tpu.memory_space<vmem_shared>> -> memref<128x128xf32, #tpu.memory_space<vmem_shared>>
      tpu.wait_dma2 semaphore(%run_scoped3A : memref<!tpu.dma_semaphore, #tpu.memory_space<semaphore_mem>>) src(%dma_wait3A_103 : memref<128x128xf32, #tpu.memory_space<vmem_shared>>) dst(%arg9 : memref<128x128xf32, #tpu.memory_space<vmem>>)
      tpu.yield
    }) : () -> ()
    %mul3A_77 = arith.constant 640 : i32
    %mul3A_78 = arith.muli %arg1, %mul3A_77 : i32
    %add3A_79 = arith.constant 256 : i32
    %add3A_80 = arith.addi %mul3A_78, %add3A_79 : i32
    "tpu.region"() ({
      %run_scoped3A = tpu.sem_alloc : memref<!tpu.dma_semaphore, #tpu.memory_space<semaphore_mem>>
      %dma_start3A_97 = arith.constant 0 : i32
      %dma_start3A_98 = tpu.memref_slice %arg6[%arg0, %add3A_80, %dma_start3A_97] : memref<2x10240x128xf32, #tpu.memory_space<hbm>> -> memref<1x128x128xf32, #tpu.memory_space<hbm>>
      %dma_start3A_99 = tpu.memref_squeeze %dma_start3A_98 : memref<1x128x128xf32, #tpu.memory_space<hbm>> -> memref<128x128xf32, #tpu.memory_space<hbm>>
      %dma_start3A_100 = arith.constant 0 : i32
      %dma_start3A_101 = tpu.memref_slice %arg6[%arg0, %add3A_80, %dma_start3A_100] : memref<2x10240x128xf32, #tpu.memory_space<hbm>> -> memref<1x128x128xf32, #tpu.memory_space<hbm>>
      %dma_start3A_102 = tpu.memref_squeeze %dma_start3A_101 : memref<1x128x128xf32, #tpu.memory_space<hbm>> -> memref<128x128xf32, #tpu.memory_space<hbm>>
      tpu.enqueue_dma source(%arg9 : memref<128x128xf32, #tpu.memory_space<vmem>>) target(%dma_start3A_102 : memref<128x128xf32, #tpu.memory_space<hbm>>) target_semaphore(%run_scoped3A : memref<!tpu.dma_semaphore, #tpu.memory_space<semaphore_mem>>)
      %dma_wait3A = arith.constant 0 : i32
      %dma_wait3A_103 = tpu.memref_slice %arg6[%arg0, %add3A_80, %dma_wait3A] : memref<2x10240x128xf32, #tpu.memory_space<hbm>> -> memref<1x128x128xf32, #tpu.memory_space<hbm>>
      %dma_wait3A_104 = tpu.memref_squeeze %dma_wait3A_103 : memref<1x128x128xf32, #tpu.memory_space<hbm>> -> memref<128x128xf32, #tpu.memory_space<hbm>>
      %dma_wait3A_105 = arith.constant 0 : i32
      %dma_wait3A_106 = tpu.memref_slice %arg6[%arg0, %add3A_80, %dma_wait3A_105] : memref<2x10240x128xf32, #tpu.memory_space<hbm>> -> memref<1x128x128xf32, #tpu.memory_space<hbm>>
      %dma_wait3A_107 = tpu.memref_squeeze %dma_wait3A_106 : memref<1x128x128xf32, #tpu.memory_space<hbm>> -> memref<128x128xf32, #tpu.memory_space<hbm>>
      tpu.wait_dma2 semaphore(%run_scoped3A : memref<!tpu.dma_semaphore, #tpu.memory_space<semaphore_mem>>) src(%arg9 : memref<128x128xf32, #tpu.memory_space<vmem>>) dst(%dma_wait3A_107 : memref<128x128xf32, #tpu.memory_space<hbm>>)
      tpu.yield
    }) : () -> ()
    %mul3A_81 = arith.constant 640 : i32
    %mul3A_82 = arith.muli %arg1, %mul3A_81 : i32
    %add3A_83 = arith.constant 384 : i32
    %add3A_84 = arith.addi %mul3A_82, %add3A_83 : i32
    "tpu.region"() ({
      %run_scoped3A = tpu.sem_alloc : memref<!tpu.dma_semaphore, #tpu.memory_space<semaphore_mem>>
      %dma_start3A_97 = arith.constant 0 : i32
      %dma_start3A_98 = tpu.memref_slice %arg11[%add3A_84, %dma_start3A_97] : memref<10240x128xf32, #tpu.memory_space<vmem_shared>> -> memref<128x128xf32, #tpu.memory_space<vmem_shared>>
      %dma_start3A_99 = arith.constant 0 : i32
      %dma_start3A_100 = tpu.memref_slice %arg11[%add3A_84, %dma_start3A_99] : memref<10240x128xf32, #tpu.memory_space<vmem_shared>> -> memref<128x128xf32, #tpu.memory_space<vmem_shared>>
      tpu.enqueue_dma source(%dma_start3A_100 : memref<128x128xf32, #tpu.memory_space<vmem_shared>>) target(%arg9 : memref<128x128xf32, #tpu.memory_space<vmem>>) target_semaphore(%run_scoped3A : memref<!tpu.dma_semaphore, #tpu.memory_space<semaphore_mem>>)
      %dma_wait3A = arith.constant 0 : i32
      %dma_wait3A_101 = tpu.memref_slice %arg11[%add3A_84, %dma_wait3A] : memref<10240x128xf32, #tpu.memory_space<vmem_shared>> -> memref<128x128xf32, #tpu.memory_space<vmem_shared>>
      %dma_wait3A_102 = arith.constant 0 : i32
      %dma_wait3A_103 = tpu.memref_slice %arg11[%add3A_84, %dma_wait3A_102] : memref<10240x128xf32, #tpu.memory_space<vmem_shared>> -> memref<128x128xf32, #tpu.memory_space<vmem_shared>>
      tpu.wait_dma2 semaphore(%run_scoped3A : memref<!tpu.dma_semaphore, #tpu.memory_space<semaphore_mem>>) src(%dma_wait3A_103 : memref<128x128xf32, #tpu.memory_space<vmem_shared>>) dst(%arg9 : memref<128x128xf32, #tpu.memory_space<vmem>>)
      tpu.yield
    }) : () -> ()
    %mul3A_85 = arith.constant 640 : i32
    %mul3A_86 = arith.muli %arg1, %mul3A_85 : i32
    %add3A_87 = arith.constant 384 : i32
    %add3A_88 = arith.addi %mul3A_86, %add3A_87 : i32
    "tpu.region"() ({
      %run_scoped3A = tpu.sem_alloc : memref<!tpu.dma_semaphore, #tpu.memory_space<semaphore_mem>>
      %dma_start3A_97 = arith.constant 0 : i32
      %dma_start3A_98 = tpu.memref_slice %arg6[%arg0, %add3A_88, %dma_start3A_97] : memref<2x10240x128xf32, #tpu.memory_space<hbm>> -> memref<1x128x128xf32, #tpu.memory_space<hbm>>
      %dma_start3A_99 = tpu.memref_squeeze %dma_start3A_98 : memref<1x128x128xf32, #tpu.memory_space<hbm>> -> memref<128x128xf32, #tpu.memory_space<hbm>>
      %dma_start3A_100 = arith.constant 0 : i32
      %dma_start3A_101 = tpu.memref_slice %arg6[%arg0, %add3A_88, %dma_start3A_100] : memref<2x10240x128xf32, #tpu.memory_space<hbm>> -> memref<1x128x128xf32, #tpu.memory_space<hbm>>
      %dma_start3A_102 = tpu.memref_squeeze %dma_start3A_101 : memref<1x128x128xf32, #tpu.memory_space<hbm>> -> memref<128x128xf32, #tpu.memory_space<hbm>>
      tpu.enqueue_dma source(%arg9 : memref<128x128xf32, #tpu.memory_space<vmem>>) target(%dma_start3A_102 : memref<128x128xf32, #tpu.memory_space<hbm>>) target_semaphore(%run_scoped3A : memref<!tpu.dma_semaphore, #tpu.memory_space<semaphore_mem>>)
      %dma_wait3A = arith.constant 0 : i32
      %dma_wait3A_103 = tpu.memref_slice %arg6[%arg0, %add3A_88, %dma_wait3A] : memref<2x10240x128xf32, #tpu.memory_space<hbm>> -> memref<1x128x128xf32, #tpu.memory_space<hbm>>
      %dma_wait3A_104 = tpu.memref_squeeze %dma_wait3A_103 : memref<1x128x128xf32, #tpu.memory_space<hbm>> -> memref<128x128xf32, #tpu.memory_space<hbm>>
      %dma_wait3A_105 = arith.constant 0 : i32
      %dma_wait3A_106 = tpu.memref_slice %arg6[%arg0, %add3A_88, %dma_wait3A_105] : memref<2x10240x128xf32, #tpu.memory_space<hbm>> -> memref<1x128x128xf32, #tpu.memory_space<hbm>>
      %dma_wait3A_107 = tpu.memref_squeeze %dma_wait3A_106 : memref<1x128x128xf32, #tpu.memory_space<hbm>> -> memref<128x128xf32, #tpu.memory_space<hbm>>
      tpu.wait_dma2 semaphore(%run_scoped3A : memref<!tpu.dma_semaphore, #tpu.memory_space<semaphore_mem>>) src(%arg9 : memref<128x128xf32, #tpu.memory_space<vmem>>) dst(%dma_wait3A_107 : memref<128x128xf32, #tpu.memory_space<hbm>>)
      tpu.yield
    }) : () -> ()
    %mul3A_89 = arith.constant 640 : i32
    %mul3A_90 = arith.muli %arg1, %mul3A_89 : i32
    %add3A_91 = arith.constant 512 : i32
    %add3A_92 = arith.addi %mul3A_90, %add3A_91 : i32
    "tpu.region"() ({
      %run_scoped3A = tpu.sem_alloc : memref<!tpu.dma_semaphore, #tpu.memory_space<semaphore_mem>>
      %dma_start3A_97 = arith.constant 0 : i32
      %dma_start3A_98 = tpu.memref_slice %arg11[%add3A_92, %dma_start3A_97] : memref<10240x128xf32, #tpu.memory_space<vmem_shared>> -> memref<128x128xf32, #tpu.memory_space<vmem_shared>>
      %dma_start3A_99 = arith.constant 0 : i32
      %dma_start3A_100 = tpu.memref_slice %arg11[%add3A_92, %dma_start3A_99] : memref<10240x128xf32, #tpu.memory_space<vmem_shared>> -> memref<128x128xf32, #tpu.memory_space<vmem_shared>>
      tpu.enqueue_dma source(%dma_start3A_100 : memref<128x128xf32, #tpu.memory_space<vmem_shared>>) target(%arg9 : memref<128x128xf32, #tpu.memory_space<vmem>>) target_semaphore(%run_scoped3A : memref<!tpu.dma_semaphore, #tpu.memory_space<semaphore_mem>>)
      %dma_wait3A = arith.constant 0 : i32
      %dma_wait3A_101 = tpu.memref_slice %arg11[%add3A_92, %dma_wait3A] : memref<10240x128xf32, #tpu.memory_space<vmem_shared>> -> memref<128x128xf32, #tpu.memory_space<vmem_shared>>
      %dma_wait3A_102 = arith.constant 0 : i32
      %dma_wait3A_103 = tpu.memref_slice %arg11[%add3A_92, %dma_wait3A_102] : memref<10240x128xf32, #tpu.memory_space<vmem_shared>> -> memref<128x128xf32, #tpu.memory_space<vmem_shared>>
      tpu.wait_dma2 semaphore(%run_scoped3A : memref<!tpu.dma_semaphore, #tpu.memory_space<semaphore_mem>>) src(%dma_wait3A_103 : memref<128x128xf32, #tpu.memory_space<vmem_shared>>) dst(%arg9 : memref<128x128xf32, #tpu.memory_space<vmem>>)
      tpu.yield
    }) : () -> ()
    %mul3A_93 = arith.constant 640 : i32
    %mul3A_94 = arith.muli %arg1, %mul3A_93 : i32
    %add3A_95 = arith.constant 512 : i32
    %add3A_96 = arith.addi %mul3A_94, %add3A_95 : i32
    "tpu.region"() ({
      %run_scoped3A = tpu.sem_alloc : memref<!tpu.dma_semaphore, #tpu.memory_space<semaphore_mem>>
      %dma_start3A_97 = arith.constant 0 : i32
      %dma_start3A_98 = tpu.memref_slice %arg6[%arg0, %add3A_96, %dma_start3A_97] : memref<2x10240x128xf32, #tpu.memory_space<hbm>> -> memref<1x128x128xf32, #tpu.memory_space<hbm>>
      %dma_start3A_99 = tpu.memref_squeeze %dma_start3A_98 : memref<1x128x128xf32, #tpu.memory_space<hbm>> -> memref<128x128xf32, #tpu.memory_space<hbm>>
      %dma_start3A_100 = arith.constant 0 : i32
      %dma_start3A_101 = tpu.memref_slice %arg6[%arg0, %add3A_96, %dma_start3A_100] : memref<2x10240x128xf32, #tpu.memory_space<hbm>> -> memref<1x128x128xf32, #tpu.memory_space<hbm>>
      %dma_start3A_102 = tpu.memref_squeeze %dma_start3A_101 : memref<1x128x128xf32, #tpu.memory_space<hbm>> -> memref<128x128xf32, #tpu.memory_space<hbm>>
      tpu.enqueue_dma source(%arg9 : memref<128x128xf32, #tpu.memory_space<vmem>>) target(%dma_start3A_102 : memref<128x128xf32, #tpu.memory_space<hbm>>) target_semaphore(%run_scoped3A : memref<!tpu.dma_semaphore, #tpu.memory_space<semaphore_mem>>)
      %dma_wait3A = arith.constant 0 : i32
      %dma_wait3A_103 = tpu.memref_slice %arg6[%arg0, %add3A_96, %dma_wait3A] : memref<2x10240x128xf32, #tpu.memory_space<hbm>> -> memref<1x128x128xf32, #tpu.memory_space<hbm>>
      %dma_wait3A_104 = tpu.memref_squeeze %dma_wait3A_103 : memref<1x128x128xf32, #tpu.memory_space<hbm>> -> memref<128x128xf32, #tpu.memory_space<hbm>>
      %dma_wait3A_105 = arith.constant 0 : i32
      %dma_wait3A_106 = tpu.memref_slice %arg6[%arg0, %add3A_96, %dma_wait3A_105] : memref<2x10240x128xf32, #tpu.memory_space<hbm>> -> memref<1x128x128xf32, #tpu.memory_space<hbm>>
      %dma_wait3A_107 = tpu.memref_squeeze %dma_wait3A_106 : memref<1x128x128xf32, #tpu.memory_space<hbm>> -> memref<128x128xf32, #tpu.memory_space<hbm>>
      tpu.wait_dma2 semaphore(%run_scoped3A : memref<!tpu.dma_semaphore, #tpu.memory_space<semaphore_mem>>) src(%arg9 : memref<128x128xf32, #tpu.memory_space<vmem>>) dst(%dma_wait3A_107 : memref<128x128xf32, #tpu.memory_space<hbm>>)
      tpu.yield
    }) : () -> ()
    return
  }
}

#map = affine_map<(d0, d1) -> (0, 0, 0, 0)>
#map1 = affine_map<(d0, d1) -> (0, 0)>
#map2 = affine_map<(d0, d1) -> (0, 0, 0)>
module attributes {stable_mosaic.version = 14 : i64} {
  func.func @deg_kernel(%arg0: i32, %arg1: i32, %arg2: memref<2x16x80x128xi32, #tpu.memory_space<hbm>>, %arg3: memref<128x128xf32, #tpu.memory_space<hbm>>, %arg4: memref<128x128xf32, #tpu.memory_space<hbm>>, %arg5: memref<2x10240x128xf32, #tpu.memory_space<hbm>>, %arg6: memref<80x128xi32, #tpu.memory_space<vmem>>, %arg7: memref<128x128xf32, #tpu.memory_space<vmem>>, %arg8: memref<128x128xf32, #tpu.memory_space<vmem>>, %arg9: memref<10240x128xf32, #tpu.memory_space<vmem_shared>>) attributes {dimension_semantics = [#tpu.dimension_semantics<core_parallel>, #tpu.dimension_semantics<subcore_parallel>], iteration_bounds = array<i64: 2, 16>, scalar_prefetch = 0 : i64, scratch_operands = 4 : i64, tpu.core_type = #tpu.core_type<sc_vector_subcore>, window_params = [{transform_indices = #map}, {transform_indices = #map1}, {transform_indices = #map1}, {transform_indices = #map2}]} {
    "tpu.region"() ({
      %run_scoped3A = tpu.sem_alloc : memref<!tpu.dma_semaphore, #tpu.memory_space<semaphore_mem>>
      %dma_start3A = arith.constant 0 : i32
      %dma_start3A_64 = arith.constant 0 : i32
      %dma_start3A_65 = tpu.memref_slice %arg2[%arg0, %arg1, %dma_start3A, %dma_start3A_64] : memref<2x16x80x128xi32, #tpu.memory_space<hbm>> -> memref<1x1x80x128xi32, #tpu.memory_space<hbm>>
      %dma_start3A_66 = tpu.memref_squeeze %dma_start3A_65 : memref<1x1x80x128xi32, #tpu.memory_space<hbm>> -> memref<80x128xi32, #tpu.memory_space<hbm>>
      %dma_start3A_67 = arith.constant 0 : i32
      %dma_start3A_68 = arith.constant 0 : i32
      %dma_start3A_69 = tpu.memref_slice %arg2[%arg0, %arg1, %dma_start3A_67, %dma_start3A_68] : memref<2x16x80x128xi32, #tpu.memory_space<hbm>> -> memref<1x1x80x128xi32, #tpu.memory_space<hbm>>
      %dma_start3A_70 = tpu.memref_squeeze %dma_start3A_69 : memref<1x1x80x128xi32, #tpu.memory_space<hbm>> -> memref<80x128xi32, #tpu.memory_space<hbm>>
      tpu.enqueue_dma source(%dma_start3A_70 : memref<80x128xi32, #tpu.memory_space<hbm>>) target(%arg6 : memref<80x128xi32, #tpu.memory_space<vmem>>) target_semaphore(%run_scoped3A : memref<!tpu.dma_semaphore, #tpu.memory_space<semaphore_mem>>)
      %dma_wait3A = arith.constant 0 : i32
      %dma_wait3A_71 = arith.constant 0 : i32
      %dma_wait3A_72 = tpu.memref_slice %arg2[%arg0, %arg1, %dma_wait3A, %dma_wait3A_71] : memref<2x16x80x128xi32, #tpu.memory_space<hbm>> -> memref<1x1x80x128xi32, #tpu.memory_space<hbm>>
      %dma_wait3A_73 = tpu.memref_squeeze %dma_wait3A_72 : memref<1x1x80x128xi32, #tpu.memory_space<hbm>> -> memref<80x128xi32, #tpu.memory_space<hbm>>
      %dma_wait3A_74 = arith.constant 0 : i32
      %dma_wait3A_75 = arith.constant 0 : i32
      %dma_wait3A_76 = tpu.memref_slice %arg2[%arg0, %arg1, %dma_wait3A_74, %dma_wait3A_75] : memref<2x16x80x128xi32, #tpu.memory_space<hbm>> -> memref<1x1x80x128xi32, #tpu.memory_space<hbm>>
      %dma_wait3A_77 = tpu.memref_squeeze %dma_wait3A_76 : memref<1x1x80x128xi32, #tpu.memory_space<hbm>> -> memref<80x128xi32, #tpu.memory_space<hbm>>
      tpu.wait_dma2 semaphore(%run_scoped3A : memref<!tpu.dma_semaphore, #tpu.memory_space<semaphore_mem>>) src(%dma_wait3A_77 : memref<80x128xi32, #tpu.memory_space<hbm>>) dst(%arg6 : memref<80x128xi32, #tpu.memory_space<vmem>>)
      tpu.yield
    }) : () -> ()
    "tpu.region"() ({
      %run_scoped3A = tpu.sem_alloc : memref<!tpu.dma_semaphore, #tpu.memory_space<semaphore_mem>>
      tpu.enqueue_dma source(%arg3 : memref<128x128xf32, #tpu.memory_space<hbm>>) target(%arg7 : memref<128x128xf32, #tpu.memory_space<vmem>>) target_semaphore(%run_scoped3A : memref<!tpu.dma_semaphore, #tpu.memory_space<semaphore_mem>>)
      tpu.wait_dma2 semaphore(%run_scoped3A : memref<!tpu.dma_semaphore, #tpu.memory_space<semaphore_mem>>) src(%arg3 : memref<128x128xf32, #tpu.memory_space<hbm>>) dst(%arg7 : memref<128x128xf32, #tpu.memory_space<vmem>>)
      tpu.yield
    }) : () -> ()
    "tpu.region"() ({
      %run_scoped3A = tpu.sem_alloc : memref<!tpu.dma_semaphore, #tpu.memory_space<semaphore_mem>>
      tpu.enqueue_dma source(%arg4 : memref<128x128xf32, #tpu.memory_space<hbm>>) target(%arg8 : memref<128x128xf32, #tpu.memory_space<vmem>>) target_semaphore(%run_scoped3A : memref<!tpu.dma_semaphore, #tpu.memory_space<semaphore_mem>>)
      tpu.wait_dma2 semaphore(%run_scoped3A : memref<!tpu.dma_semaphore, #tpu.memory_space<semaphore_mem>>) src(%arg4 : memref<128x128xf32, #tpu.memory_space<hbm>>) dst(%arg8 : memref<128x128xf32, #tpu.memory_space<vmem>>)
      tpu.yield
    }) : () -> ()
    %mul3A = arith.constant 640 : i32
    %mul3A_0 = arith.muli %arg1, %mul3A : i32
    %add3A = arith.constant 0 : i32
    %add3A_1 = arith.addi %mul3A_0, %add3A : i32
    "tpu.region"() ({
      %run_scoped3A = tpu.sem_alloc : memref<!tpu.dma_semaphore, #tpu.memory_space<semaphore_mem>>
      %dma_start3A = arith.constant 0 : i32
      %dma_start3A_64 = tpu.memref_slice %arg9[%add3A_1, %dma_start3A] : memref<10240x128xf32, #tpu.memory_space<vmem_shared>> -> memref<128x128xf32, #tpu.memory_space<vmem_shared>>
      %dma_start3A_65 = arith.constant 0 : i32
      %dma_start3A_66 = tpu.memref_slice %arg9[%add3A_1, %dma_start3A_65] : memref<10240x128xf32, #tpu.memory_space<vmem_shared>> -> memref<128x128xf32, #tpu.memory_space<vmem_shared>>
      tpu.enqueue_dma source(%arg8 : memref<128x128xf32, #tpu.memory_space<vmem>>) target(%dma_start3A_66 : memref<128x128xf32, #tpu.memory_space<vmem_shared>>) target_semaphore(%run_scoped3A : memref<!tpu.dma_semaphore, #tpu.memory_space<semaphore_mem>>)
      %dma_wait3A = arith.constant 0 : i32
      %dma_wait3A_67 = tpu.memref_slice %arg9[%add3A_1, %dma_wait3A] : memref<10240x128xf32, #tpu.memory_space<vmem_shared>> -> memref<128x128xf32, #tpu.memory_space<vmem_shared>>
      %dma_wait3A_68 = arith.constant 0 : i32
      %dma_wait3A_69 = tpu.memref_slice %arg9[%add3A_1, %dma_wait3A_68] : memref<10240x128xf32, #tpu.memory_space<vmem_shared>> -> memref<128x128xf32, #tpu.memory_space<vmem_shared>>
      tpu.wait_dma2 semaphore(%run_scoped3A : memref<!tpu.dma_semaphore, #tpu.memory_space<semaphore_mem>>) src(%arg8 : memref<128x128xf32, #tpu.memory_space<vmem>>) dst(%dma_wait3A_69 : memref<128x128xf32, #tpu.memory_space<vmem_shared>>)
      tpu.yield
    }) : () -> ()
    %mul3A_2 = arith.constant 640 : i32
    %mul3A_3 = arith.muli %arg1, %mul3A_2 : i32
    %add3A_4 = arith.constant 128 : i32
    %add3A_5 = arith.addi %mul3A_3, %add3A_4 : i32
    "tpu.region"() ({
      %run_scoped3A = tpu.sem_alloc : memref<!tpu.dma_semaphore, #tpu.memory_space<semaphore_mem>>
      %dma_start3A = arith.constant 0 : i32
      %dma_start3A_64 = tpu.memref_slice %arg9[%add3A_5, %dma_start3A] : memref<10240x128xf32, #tpu.memory_space<vmem_shared>> -> memref<128x128xf32, #tpu.memory_space<vmem_shared>>
      %dma_start3A_65 = arith.constant 0 : i32
      %dma_start3A_66 = tpu.memref_slice %arg9[%add3A_5, %dma_start3A_65] : memref<10240x128xf32, #tpu.memory_space<vmem_shared>> -> memref<128x128xf32, #tpu.memory_space<vmem_shared>>
      tpu.enqueue_dma source(%arg8 : memref<128x128xf32, #tpu.memory_space<vmem>>) target(%dma_start3A_66 : memref<128x128xf32, #tpu.memory_space<vmem_shared>>) target_semaphore(%run_scoped3A : memref<!tpu.dma_semaphore, #tpu.memory_space<semaphore_mem>>)
      %dma_wait3A = arith.constant 0 : i32
      %dma_wait3A_67 = tpu.memref_slice %arg9[%add3A_5, %dma_wait3A] : memref<10240x128xf32, #tpu.memory_space<vmem_shared>> -> memref<128x128xf32, #tpu.memory_space<vmem_shared>>
      %dma_wait3A_68 = arith.constant 0 : i32
      %dma_wait3A_69 = tpu.memref_slice %arg9[%add3A_5, %dma_wait3A_68] : memref<10240x128xf32, #tpu.memory_space<vmem_shared>> -> memref<128x128xf32, #tpu.memory_space<vmem_shared>>
      tpu.wait_dma2 semaphore(%run_scoped3A : memref<!tpu.dma_semaphore, #tpu.memory_space<semaphore_mem>>) src(%arg8 : memref<128x128xf32, #tpu.memory_space<vmem>>) dst(%dma_wait3A_69 : memref<128x128xf32, #tpu.memory_space<vmem_shared>>)
      tpu.yield
    }) : () -> ()
    %mul3A_6 = arith.constant 640 : i32
    %mul3A_7 = arith.muli %arg1, %mul3A_6 : i32
    %add3A_8 = arith.constant 256 : i32
    %add3A_9 = arith.addi %mul3A_7, %add3A_8 : i32
    "tpu.region"() ({
      %run_scoped3A = tpu.sem_alloc : memref<!tpu.dma_semaphore, #tpu.memory_space<semaphore_mem>>
      %dma_start3A = arith.constant 0 : i32
      %dma_start3A_64 = tpu.memref_slice %arg9[%add3A_9, %dma_start3A] : memref<10240x128xf32, #tpu.memory_space<vmem_shared>> -> memref<128x128xf32, #tpu.memory_space<vmem_shared>>
      %dma_start3A_65 = arith.constant 0 : i32
      %dma_start3A_66 = tpu.memref_slice %arg9[%add3A_9, %dma_start3A_65] : memref<10240x128xf32, #tpu.memory_space<vmem_shared>> -> memref<128x128xf32, #tpu.memory_space<vmem_shared>>
      tpu.enqueue_dma source(%arg8 : memref<128x128xf32, #tpu.memory_space<vmem>>) target(%dma_start3A_66 : memref<128x128xf32, #tpu.memory_space<vmem_shared>>) target_semaphore(%run_scoped3A : memref<!tpu.dma_semaphore, #tpu.memory_space<semaphore_mem>>)
      %dma_wait3A = arith.constant 0 : i32
      %dma_wait3A_67 = tpu.memref_slice %arg9[%add3A_9, %dma_wait3A] : memref<10240x128xf32, #tpu.memory_space<vmem_shared>> -> memref<128x128xf32, #tpu.memory_space<vmem_shared>>
      %dma_wait3A_68 = arith.constant 0 : i32
      %dma_wait3A_69 = tpu.memref_slice %arg9[%add3A_9, %dma_wait3A_68] : memref<10240x128xf32, #tpu.memory_space<vmem_shared>> -> memref<128x128xf32, #tpu.memory_space<vmem_shared>>
      tpu.wait_dma2 semaphore(%run_scoped3A : memref<!tpu.dma_semaphore, #tpu.memory_space<semaphore_mem>>) src(%arg8 : memref<128x128xf32, #tpu.memory_space<vmem>>) dst(%dma_wait3A_69 : memref<128x128xf32, #tpu.memory_space<vmem_shared>>)
      tpu.yield
    }) : () -> ()
    %mul3A_10 = arith.constant 640 : i32
    %mul3A_11 = arith.muli %arg1, %mul3A_10 : i32
    %add3A_12 = arith.constant 384 : i32
    %add3A_13 = arith.addi %mul3A_11, %add3A_12 : i32
    "tpu.region"() ({
      %run_scoped3A = tpu.sem_alloc : memref<!tpu.dma_semaphore, #tpu.memory_space<semaphore_mem>>
      %dma_start3A = arith.constant 0 : i32
      %dma_start3A_64 = tpu.memref_slice %arg9[%add3A_13, %dma_start3A] : memref<10240x128xf32, #tpu.memory_space<vmem_shared>> -> memref<128x128xf32, #tpu.memory_space<vmem_shared>>
      %dma_start3A_65 = arith.constant 0 : i32
      %dma_start3A_66 = tpu.memref_slice %arg9[%add3A_13, %dma_start3A_65] : memref<10240x128xf32, #tpu.memory_space<vmem_shared>> -> memref<128x128xf32, #tpu.memory_space<vmem_shared>>
      tpu.enqueue_dma source(%arg8 : memref<128x128xf32, #tpu.memory_space<vmem>>) target(%dma_start3A_66 : memref<128x128xf32, #tpu.memory_space<vmem_shared>>) target_semaphore(%run_scoped3A : memref<!tpu.dma_semaphore, #tpu.memory_space<semaphore_mem>>)
      %dma_wait3A = arith.constant 0 : i32
      %dma_wait3A_67 = tpu.memref_slice %arg9[%add3A_13, %dma_wait3A] : memref<10240x128xf32, #tpu.memory_space<vmem_shared>> -> memref<128x128xf32, #tpu.memory_space<vmem_shared>>
      %dma_wait3A_68 = arith.constant 0 : i32
      %dma_wait3A_69 = tpu.memref_slice %arg9[%add3A_13, %dma_wait3A_68] : memref<10240x128xf32, #tpu.memory_space<vmem_shared>> -> memref<128x128xf32, #tpu.memory_space<vmem_shared>>
      tpu.wait_dma2 semaphore(%run_scoped3A : memref<!tpu.dma_semaphore, #tpu.memory_space<semaphore_mem>>) src(%arg8 : memref<128x128xf32, #tpu.memory_space<vmem>>) dst(%dma_wait3A_69 : memref<128x128xf32, #tpu.memory_space<vmem_shared>>)
      tpu.yield
    }) : () -> ()
    %mul3A_14 = arith.constant 640 : i32
    %mul3A_15 = arith.muli %arg1, %mul3A_14 : i32
    %add3A_16 = arith.constant 512 : i32
    %add3A_17 = arith.addi %mul3A_15, %add3A_16 : i32
    "tpu.region"() ({
      %run_scoped3A = tpu.sem_alloc : memref<!tpu.dma_semaphore, #tpu.memory_space<semaphore_mem>>
      %dma_start3A = arith.constant 0 : i32
      %dma_start3A_64 = tpu.memref_slice %arg9[%add3A_17, %dma_start3A] : memref<10240x128xf32, #tpu.memory_space<vmem_shared>> -> memref<128x128xf32, #tpu.memory_space<vmem_shared>>
      %dma_start3A_65 = arith.constant 0 : i32
      %dma_start3A_66 = tpu.memref_slice %arg9[%add3A_17, %dma_start3A_65] : memref<10240x128xf32, #tpu.memory_space<vmem_shared>> -> memref<128x128xf32, #tpu.memory_space<vmem_shared>>
      tpu.enqueue_dma source(%arg8 : memref<128x128xf32, #tpu.memory_space<vmem>>) target(%dma_start3A_66 : memref<128x128xf32, #tpu.memory_space<vmem_shared>>) target_semaphore(%run_scoped3A : memref<!tpu.dma_semaphore, #tpu.memory_space<semaphore_mem>>)
      %dma_wait3A = arith.constant 0 : i32
      %dma_wait3A_67 = tpu.memref_slice %arg9[%add3A_17, %dma_wait3A] : memref<10240x128xf32, #tpu.memory_space<vmem_shared>> -> memref<128x128xf32, #tpu.memory_space<vmem_shared>>
      %dma_wait3A_68 = arith.constant 0 : i32
      %dma_wait3A_69 = tpu.memref_slice %arg9[%add3A_17, %dma_wait3A_68] : memref<10240x128xf32, #tpu.memory_space<vmem_shared>> -> memref<128x128xf32, #tpu.memory_space<vmem_shared>>
      tpu.wait_dma2 semaphore(%run_scoped3A : memref<!tpu.dma_semaphore, #tpu.memory_space<semaphore_mem>>) src(%arg8 : memref<128x128xf32, #tpu.memory_space<vmem>>) dst(%dma_wait3A_69 : memref<128x128xf32, #tpu.memory_space<vmem_shared>>)
      tpu.yield
    }) : () -> ()
    %barrier3A = arith.constant 0 : index
    tpu.barrier barrier_id(%barrier3A)
    %scan3A = arith.constant 0 : i32
    %scan3A_18 = arith.constant 0 : i32
    %scan3A_19 = arith.constant 80 : i32
    %scan3A_20 = arith.addi %scan3A_18, %scan3A_19 : i32
    %scan3A_21 = arith.constant 1 : i32
    scf.for %scan3A_64 = %scan3A_18 to %scan3A_20 step %scan3A_21  : i32 {
      "tpu.region"() ({
        %run_scoped3A = tpu.sem_alloc : memref<!tpu.dma_semaphore, #tpu.memory_space<semaphore_mem>>
        %dma_start3A = arith.constant 0 : i32
        %dma_start3A_65 = tpu.memref_slice %arg6[%scan3A_64, %dma_start3A] : memref<80x128xi32, #tpu.memory_space<vmem>> -> memref<1x128xi32, #tpu.memory_space<vmem>>
        %dma_start3A_66 = tpu.memref_squeeze %dma_start3A_65 : memref<1x128xi32, #tpu.memory_space<vmem>> -> memref<128xi32, #tpu.memory_space<vmem>>
        %dma_start3A_67 = arith.constant 0 : i32
        %dma_start3A_68 = arith.constant 0 : i32
        %dma_start3A_69 = tpu.memref_slice %arg9[%dma_start3A_67, %dma_start3A_68] : memref<10240x128xf32, #tpu.memory_space<vmem_shared>> -> memref<10240x128xf32, #tpu.memory_space<vmem_shared>>
        tpu.enqueue_indirect_dma source(%arg7 : memref<128x128xf32, #tpu.memory_space<vmem>>) target(%dma_start3A_69 : memref<10240x128xf32, #tpu.memory_space<vmem_shared>>) offsets(%dma_start3A_66 : memref<128xi32, #tpu.memory_space<vmem>>) semaphore(%run_scoped3A : memref<!tpu.dma_semaphore, #tpu.memory_space<semaphore_mem>>) {add = true}
        %dma_wait3A = arith.constant 0 : i32
        %dma_wait3A_70 = tpu.memref_slice %arg6[%scan3A_64, %dma_wait3A] : memref<80x128xi32, #tpu.memory_space<vmem>> -> memref<1x128xi32, #tpu.memory_space<vmem>>
        %dma_wait3A_71 = tpu.memref_squeeze %dma_wait3A_70 : memref<1x128xi32, #tpu.memory_space<vmem>> -> memref<128xi32, #tpu.memory_space<vmem>>
        %dma_wait3A_72 = arith.constant 0 : i32
        %dma_wait3A_73 = arith.constant 0 : i32
        %dma_wait3A_74 = tpu.memref_slice %arg9[%dma_wait3A_72, %dma_wait3A_73] : memref<10240x128xf32, #tpu.memory_space<vmem_shared>> -> memref<10240x128xf32, #tpu.memory_space<vmem_shared>>
        tpu.wait_indirect_dma semaphore(%run_scoped3A : memref<!tpu.dma_semaphore, #tpu.memory_space<semaphore_mem>>) src(%arg7 : memref<128x128xf32, #tpu.memory_space<vmem>>) dst(%dma_wait3A_74 : memref<10240x128xf32, #tpu.memory_space<vmem_shared>>)
        tpu.yield
      }) : () -> ()
    }
    %scan3A_22 = arith.constant 80 : i32
    %barrier3A_23 = arith.constant 0 : index
    tpu.barrier barrier_id(%barrier3A_23)
    %mul3A_24 = arith.constant 640 : i32
    %mul3A_25 = arith.muli %arg1, %mul3A_24 : i32
    %add3A_26 = arith.constant 0 : i32
    %add3A_27 = arith.addi %mul3A_25, %add3A_26 : i32
    "tpu.region"() ({
      %run_scoped3A = tpu.sem_alloc : memref<!tpu.dma_semaphore, #tpu.memory_space<semaphore_mem>>
      %dma_start3A = arith.constant 0 : i32
      %dma_start3A_64 = tpu.memref_slice %arg9[%add3A_27, %dma_start3A] : memref<10240x128xf32, #tpu.memory_space<vmem_shared>> -> memref<128x128xf32, #tpu.memory_space<vmem_shared>>
      %dma_start3A_65 = arith.constant 0 : i32
      %dma_start3A_66 = tpu.memref_slice %arg9[%add3A_27, %dma_start3A_65] : memref<10240x128xf32, #tpu.memory_space<vmem_shared>> -> memref<128x128xf32, #tpu.memory_space<vmem_shared>>
      tpu.enqueue_dma source(%dma_start3A_66 : memref<128x128xf32, #tpu.memory_space<vmem_shared>>) target(%arg8 : memref<128x128xf32, #tpu.memory_space<vmem>>) target_semaphore(%run_scoped3A : memref<!tpu.dma_semaphore, #tpu.memory_space<semaphore_mem>>)
      %dma_wait3A = arith.constant 0 : i32
      %dma_wait3A_67 = tpu.memref_slice %arg9[%add3A_27, %dma_wait3A] : memref<10240x128xf32, #tpu.memory_space<vmem_shared>> -> memref<128x128xf32, #tpu.memory_space<vmem_shared>>
      %dma_wait3A_68 = arith.constant 0 : i32
      %dma_wait3A_69 = tpu.memref_slice %arg9[%add3A_27, %dma_wait3A_68] : memref<10240x128xf32, #tpu.memory_space<vmem_shared>> -> memref<128x128xf32, #tpu.memory_space<vmem_shared>>
      tpu.wait_dma2 semaphore(%run_scoped3A : memref<!tpu.dma_semaphore, #tpu.memory_space<semaphore_mem>>) src(%dma_wait3A_69 : memref<128x128xf32, #tpu.memory_space<vmem_shared>>) dst(%arg8 : memref<128x128xf32, #tpu.memory_space<vmem>>)
      tpu.yield
    }) : () -> ()
    %mul3A_28 = arith.constant 640 : i32
    %mul3A_29 = arith.muli %arg1, %mul3A_28 : i32
    %add3A_30 = arith.constant 0 : i32
    %add3A_31 = arith.addi %mul3A_29, %add3A_30 : i32
    "tpu.region"() ({
      %run_scoped3A = tpu.sem_alloc : memref<!tpu.dma_semaphore, #tpu.memory_space<semaphore_mem>>
      %dma_start3A = arith.constant 0 : i32
      %dma_start3A_64 = tpu.memref_slice %arg5[%arg0, %add3A_31, %dma_start3A] : memref<2x10240x128xf32, #tpu.memory_space<hbm>> -> memref<1x128x128xf32, #tpu.memory_space<hbm>>
      %dma_start3A_65 = tpu.memref_squeeze %dma_start3A_64 : memref<1x128x128xf32, #tpu.memory_space<hbm>> -> memref<128x128xf32, #tpu.memory_space<hbm>>
      %dma_start3A_66 = arith.constant 0 : i32
      %dma_start3A_67 = tpu.memref_slice %arg5[%arg0, %add3A_31, %dma_start3A_66] : memref<2x10240x128xf32, #tpu.memory_space<hbm>> -> memref<1x128x128xf32, #tpu.memory_space<hbm>>
      %dma_start3A_68 = tpu.memref_squeeze %dma_start3A_67 : memref<1x128x128xf32, #tpu.memory_space<hbm>> -> memref<128x128xf32, #tpu.memory_space<hbm>>
      tpu.enqueue_dma source(%arg8 : memref<128x128xf32, #tpu.memory_space<vmem>>) target(%dma_start3A_68 : memref<128x128xf32, #tpu.memory_space<hbm>>) target_semaphore(%run_scoped3A : memref<!tpu.dma_semaphore, #tpu.memory_space<semaphore_mem>>)
      %dma_wait3A = arith.constant 0 : i32
      %dma_wait3A_69 = tpu.memref_slice %arg5[%arg0, %add3A_31, %dma_wait3A] : memref<2x10240x128xf32, #tpu.memory_space<hbm>> -> memref<1x128x128xf32, #tpu.memory_space<hbm>>
      %dma_wait3A_70 = tpu.memref_squeeze %dma_wait3A_69 : memref<1x128x128xf32, #tpu.memory_space<hbm>> -> memref<128x128xf32, #tpu.memory_space<hbm>>
      %dma_wait3A_71 = arith.constant 0 : i32
      %dma_wait3A_72 = tpu.memref_slice %arg5[%arg0, %add3A_31, %dma_wait3A_71] : memref<2x10240x128xf32, #tpu.memory_space<hbm>> -> memref<1x128x128xf32, #tpu.memory_space<hbm>>
      %dma_wait3A_73 = tpu.memref_squeeze %dma_wait3A_72 : memref<1x128x128xf32, #tpu.memory_space<hbm>> -> memref<128x128xf32, #tpu.memory_space<hbm>>
      tpu.wait_dma2 semaphore(%run_scoped3A : memref<!tpu.dma_semaphore, #tpu.memory_space<semaphore_mem>>) src(%arg8 : memref<128x128xf32, #tpu.memory_space<vmem>>) dst(%dma_wait3A_73 : memref<128x128xf32, #tpu.memory_space<hbm>>)
      tpu.yield
    }) : () -> ()
    %mul3A_32 = arith.constant 640 : i32
    %mul3A_33 = arith.muli %arg1, %mul3A_32 : i32
    %add3A_34 = arith.constant 128 : i32
    %add3A_35 = arith.addi %mul3A_33, %add3A_34 : i32
    "tpu.region"() ({
      %run_scoped3A = tpu.sem_alloc : memref<!tpu.dma_semaphore, #tpu.memory_space<semaphore_mem>>
      %dma_start3A = arith.constant 0 : i32
      %dma_start3A_64 = tpu.memref_slice %arg9[%add3A_35, %dma_start3A] : memref<10240x128xf32, #tpu.memory_space<vmem_shared>> -> memref<128x128xf32, #tpu.memory_space<vmem_shared>>
      %dma_start3A_65 = arith.constant 0 : i32
      %dma_start3A_66 = tpu.memref_slice %arg9[%add3A_35, %dma_start3A_65] : memref<10240x128xf32, #tpu.memory_space<vmem_shared>> -> memref<128x128xf32, #tpu.memory_space<vmem_shared>>
      tpu.enqueue_dma source(%dma_start3A_66 : memref<128x128xf32, #tpu.memory_space<vmem_shared>>) target(%arg8 : memref<128x128xf32, #tpu.memory_space<vmem>>) target_semaphore(%run_scoped3A : memref<!tpu.dma_semaphore, #tpu.memory_space<semaphore_mem>>)
      %dma_wait3A = arith.constant 0 : i32
      %dma_wait3A_67 = tpu.memref_slice %arg9[%add3A_35, %dma_wait3A] : memref<10240x128xf32, #tpu.memory_space<vmem_shared>> -> memref<128x128xf32, #tpu.memory_space<vmem_shared>>
      %dma_wait3A_68 = arith.constant 0 : i32
      %dma_wait3A_69 = tpu.memref_slice %arg9[%add3A_35, %dma_wait3A_68] : memref<10240x128xf32, #tpu.memory_space<vmem_shared>> -> memref<128x128xf32, #tpu.memory_space<vmem_shared>>
      tpu.wait_dma2 semaphore(%run_scoped3A : memref<!tpu.dma_semaphore, #tpu.memory_space<semaphore_mem>>) src(%dma_wait3A_69 : memref<128x128xf32, #tpu.memory_space<vmem_shared>>) dst(%arg8 : memref<128x128xf32, #tpu.memory_space<vmem>>)
      tpu.yield
    }) : () -> ()
    %mul3A_36 = arith.constant 640 : i32
    %mul3A_37 = arith.muli %arg1, %mul3A_36 : i32
    %add3A_38 = arith.constant 128 : i32
    %add3A_39 = arith.addi %mul3A_37, %add3A_38 : i32
    "tpu.region"() ({
      %run_scoped3A = tpu.sem_alloc : memref<!tpu.dma_semaphore, #tpu.memory_space<semaphore_mem>>
      %dma_start3A = arith.constant 0 : i32
      %dma_start3A_64 = tpu.memref_slice %arg5[%arg0, %add3A_39, %dma_start3A] : memref<2x10240x128xf32, #tpu.memory_space<hbm>> -> memref<1x128x128xf32, #tpu.memory_space<hbm>>
      %dma_start3A_65 = tpu.memref_squeeze %dma_start3A_64 : memref<1x128x128xf32, #tpu.memory_space<hbm>> -> memref<128x128xf32, #tpu.memory_space<hbm>>
      %dma_start3A_66 = arith.constant 0 : i32
      %dma_start3A_67 = tpu.memref_slice %arg5[%arg0, %add3A_39, %dma_start3A_66] : memref<2x10240x128xf32, #tpu.memory_space<hbm>> -> memref<1x128x128xf32, #tpu.memory_space<hbm>>
      %dma_start3A_68 = tpu.memref_squeeze %dma_start3A_67 : memref<1x128x128xf32, #tpu.memory_space<hbm>> -> memref<128x128xf32, #tpu.memory_space<hbm>>
      tpu.enqueue_dma source(%arg8 : memref<128x128xf32, #tpu.memory_space<vmem>>) target(%dma_start3A_68 : memref<128x128xf32, #tpu.memory_space<hbm>>) target_semaphore(%run_scoped3A : memref<!tpu.dma_semaphore, #tpu.memory_space<semaphore_mem>>)
      %dma_wait3A = arith.constant 0 : i32
      %dma_wait3A_69 = tpu.memref_slice %arg5[%arg0, %add3A_39, %dma_wait3A] : memref<2x10240x128xf32, #tpu.memory_space<hbm>> -> memref<1x128x128xf32, #tpu.memory_space<hbm>>
      %dma_wait3A_70 = tpu.memref_squeeze %dma_wait3A_69 : memref<1x128x128xf32, #tpu.memory_space<hbm>> -> memref<128x128xf32, #tpu.memory_space<hbm>>
      %dma_wait3A_71 = arith.constant 0 : i32
      %dma_wait3A_72 = tpu.memref_slice %arg5[%arg0, %add3A_39, %dma_wait3A_71] : memref<2x10240x128xf32, #tpu.memory_space<hbm>> -> memref<1x128x128xf32, #tpu.memory_space<hbm>>
      %dma_wait3A_73 = tpu.memref_squeeze %dma_wait3A_72 : memref<1x128x128xf32, #tpu.memory_space<hbm>> -> memref<128x128xf32, #tpu.memory_space<hbm>>
      tpu.wait_dma2 semaphore(%run_scoped3A : memref<!tpu.dma_semaphore, #tpu.memory_space<semaphore_mem>>) src(%arg8 : memref<128x128xf32, #tpu.memory_space<vmem>>) dst(%dma_wait3A_73 : memref<128x128xf32, #tpu.memory_space<hbm>>)
      tpu.yield
    }) : () -> ()
    %mul3A_40 = arith.constant 640 : i32
    %mul3A_41 = arith.muli %arg1, %mul3A_40 : i32
    %add3A_42 = arith.constant 256 : i32
    %add3A_43 = arith.addi %mul3A_41, %add3A_42 : i32
    "tpu.region"() ({
      %run_scoped3A = tpu.sem_alloc : memref<!tpu.dma_semaphore, #tpu.memory_space<semaphore_mem>>
      %dma_start3A = arith.constant 0 : i32
      %dma_start3A_64 = tpu.memref_slice %arg9[%add3A_43, %dma_start3A] : memref<10240x128xf32, #tpu.memory_space<vmem_shared>> -> memref<128x128xf32, #tpu.memory_space<vmem_shared>>
      %dma_start3A_65 = arith.constant 0 : i32
      %dma_start3A_66 = tpu.memref_slice %arg9[%add3A_43, %dma_start3A_65] : memref<10240x128xf32, #tpu.memory_space<vmem_shared>> -> memref<128x128xf32, #tpu.memory_space<vmem_shared>>
      tpu.enqueue_dma source(%dma_start3A_66 : memref<128x128xf32, #tpu.memory_space<vmem_shared>>) target(%arg8 : memref<128x128xf32, #tpu.memory_space<vmem>>) target_semaphore(%run_scoped3A : memref<!tpu.dma_semaphore, #tpu.memory_space<semaphore_mem>>)
      %dma_wait3A = arith.constant 0 : i32
      %dma_wait3A_67 = tpu.memref_slice %arg9[%add3A_43, %dma_wait3A] : memref<10240x128xf32, #tpu.memory_space<vmem_shared>> -> memref<128x128xf32, #tpu.memory_space<vmem_shared>>
      %dma_wait3A_68 = arith.constant 0 : i32
      %dma_wait3A_69 = tpu.memref_slice %arg9[%add3A_43, %dma_wait3A_68] : memref<10240x128xf32, #tpu.memory_space<vmem_shared>> -> memref<128x128xf32, #tpu.memory_space<vmem_shared>>
      tpu.wait_dma2 semaphore(%run_scoped3A : memref<!tpu.dma_semaphore, #tpu.memory_space<semaphore_mem>>) src(%dma_wait3A_69 : memref<128x128xf32, #tpu.memory_space<vmem_shared>>) dst(%arg8 : memref<128x128xf32, #tpu.memory_space<vmem>>)
      tpu.yield
    }) : () -> ()
    %mul3A_44 = arith.constant 640 : i32
    %mul3A_45 = arith.muli %arg1, %mul3A_44 : i32
    %add3A_46 = arith.constant 256 : i32
    %add3A_47 = arith.addi %mul3A_45, %add3A_46 : i32
    "tpu.region"() ({
      %run_scoped3A = tpu.sem_alloc : memref<!tpu.dma_semaphore, #tpu.memory_space<semaphore_mem>>
      %dma_start3A = arith.constant 0 : i32
      %dma_start3A_64 = tpu.memref_slice %arg5[%arg0, %add3A_47, %dma_start3A] : memref<2x10240x128xf32, #tpu.memory_space<hbm>> -> memref<1x128x128xf32, #tpu.memory_space<hbm>>
      %dma_start3A_65 = tpu.memref_squeeze %dma_start3A_64 : memref<1x128x128xf32, #tpu.memory_space<hbm>> -> memref<128x128xf32, #tpu.memory_space<hbm>>
      %dma_start3A_66 = arith.constant 0 : i32
      %dma_start3A_67 = tpu.memref_slice %arg5[%arg0, %add3A_47, %dma_start3A_66] : memref<2x10240x128xf32, #tpu.memory_space<hbm>> -> memref<1x128x128xf32, #tpu.memory_space<hbm>>
      %dma_start3A_68 = tpu.memref_squeeze %dma_start3A_67 : memref<1x128x128xf32, #tpu.memory_space<hbm>> -> memref<128x128xf32, #tpu.memory_space<hbm>>
      tpu.enqueue_dma source(%arg8 : memref<128x128xf32, #tpu.memory_space<vmem>>) target(%dma_start3A_68 : memref<128x128xf32, #tpu.memory_space<hbm>>) target_semaphore(%run_scoped3A : memref<!tpu.dma_semaphore, #tpu.memory_space<semaphore_mem>>)
      %dma_wait3A = arith.constant 0 : i32
      %dma_wait3A_69 = tpu.memref_slice %arg5[%arg0, %add3A_47, %dma_wait3A] : memref<2x10240x128xf32, #tpu.memory_space<hbm>> -> memref<1x128x128xf32, #tpu.memory_space<hbm>>
      %dma_wait3A_70 = tpu.memref_squeeze %dma_wait3A_69 : memref<1x128x128xf32, #tpu.memory_space<hbm>> -> memref<128x128xf32, #tpu.memory_space<hbm>>
      %dma_wait3A_71 = arith.constant 0 : i32
      %dma_wait3A_72 = tpu.memref_slice %arg5[%arg0, %add3A_47, %dma_wait3A_71] : memref<2x10240x128xf32, #tpu.memory_space<hbm>> -> memref<1x128x128xf32, #tpu.memory_space<hbm>>
      %dma_wait3A_73 = tpu.memref_squeeze %dma_wait3A_72 : memref<1x128x128xf32, #tpu.memory_space<hbm>> -> memref<128x128xf32, #tpu.memory_space<hbm>>
      tpu.wait_dma2 semaphore(%run_scoped3A : memref<!tpu.dma_semaphore, #tpu.memory_space<semaphore_mem>>) src(%arg8 : memref<128x128xf32, #tpu.memory_space<vmem>>) dst(%dma_wait3A_73 : memref<128x128xf32, #tpu.memory_space<hbm>>)
      tpu.yield
    }) : () -> ()
    %mul3A_48 = arith.constant 640 : i32
    %mul3A_49 = arith.muli %arg1, %mul3A_48 : i32
    %add3A_50 = arith.constant 384 : i32
    %add3A_51 = arith.addi %mul3A_49, %add3A_50 : i32
    "tpu.region"() ({
      %run_scoped3A = tpu.sem_alloc : memref<!tpu.dma_semaphore, #tpu.memory_space<semaphore_mem>>
      %dma_start3A = arith.constant 0 : i32
      %dma_start3A_64 = tpu.memref_slice %arg9[%add3A_51, %dma_start3A] : memref<10240x128xf32, #tpu.memory_space<vmem_shared>> -> memref<128x128xf32, #tpu.memory_space<vmem_shared>>
      %dma_start3A_65 = arith.constant 0 : i32
      %dma_start3A_66 = tpu.memref_slice %arg9[%add3A_51, %dma_start3A_65] : memref<10240x128xf32, #tpu.memory_space<vmem_shared>> -> memref<128x128xf32, #tpu.memory_space<vmem_shared>>
      tpu.enqueue_dma source(%dma_start3A_66 : memref<128x128xf32, #tpu.memory_space<vmem_shared>>) target(%arg8 : memref<128x128xf32, #tpu.memory_space<vmem>>) target_semaphore(%run_scoped3A : memref<!tpu.dma_semaphore, #tpu.memory_space<semaphore_mem>>)
      %dma_wait3A = arith.constant 0 : i32
      %dma_wait3A_67 = tpu.memref_slice %arg9[%add3A_51, %dma_wait3A] : memref<10240x128xf32, #tpu.memory_space<vmem_shared>> -> memref<128x128xf32, #tpu.memory_space<vmem_shared>>
      %dma_wait3A_68 = arith.constant 0 : i32
      %dma_wait3A_69 = tpu.memref_slice %arg9[%add3A_51, %dma_wait3A_68] : memref<10240x128xf32, #tpu.memory_space<vmem_shared>> -> memref<128x128xf32, #tpu.memory_space<vmem_shared>>
      tpu.wait_dma2 semaphore(%run_scoped3A : memref<!tpu.dma_semaphore, #tpu.memory_space<semaphore_mem>>) src(%dma_wait3A_69 : memref<128x128xf32, #tpu.memory_space<vmem_shared>>) dst(%arg8 : memref<128x128xf32, #tpu.memory_space<vmem>>)
      tpu.yield
    }) : () -> ()
    %mul3A_52 = arith.constant 640 : i32
    %mul3A_53 = arith.muli %arg1, %mul3A_52 : i32
    %add3A_54 = arith.constant 384 : i32
    %add3A_55 = arith.addi %mul3A_53, %add3A_54 : i32
    "tpu.region"() ({
      %run_scoped3A = tpu.sem_alloc : memref<!tpu.dma_semaphore, #tpu.memory_space<semaphore_mem>>
      %dma_start3A = arith.constant 0 : i32
      %dma_start3A_64 = tpu.memref_slice %arg5[%arg0, %add3A_55, %dma_start3A] : memref<2x10240x128xf32, #tpu.memory_space<hbm>> -> memref<1x128x128xf32, #tpu.memory_space<hbm>>
      %dma_start3A_65 = tpu.memref_squeeze %dma_start3A_64 : memref<1x128x128xf32, #tpu.memory_space<hbm>> -> memref<128x128xf32, #tpu.memory_space<hbm>>
      %dma_start3A_66 = arith.constant 0 : i32
      %dma_start3A_67 = tpu.memref_slice %arg5[%arg0, %add3A_55, %dma_start3A_66] : memref<2x10240x128xf32, #tpu.memory_space<hbm>> -> memref<1x128x128xf32, #tpu.memory_space<hbm>>
      %dma_start3A_68 = tpu.memref_squeeze %dma_start3A_67 : memref<1x128x128xf32, #tpu.memory_space<hbm>> -> memref<128x128xf32, #tpu.memory_space<hbm>>
      tpu.enqueue_dma source(%arg8 : memref<128x128xf32, #tpu.memory_space<vmem>>) target(%dma_start3A_68 : memref<128x128xf32, #tpu.memory_space<hbm>>) target_semaphore(%run_scoped3A : memref<!tpu.dma_semaphore, #tpu.memory_space<semaphore_mem>>)
      %dma_wait3A = arith.constant 0 : i32
      %dma_wait3A_69 = tpu.memref_slice %arg5[%arg0, %add3A_55, %dma_wait3A] : memref<2x10240x128xf32, #tpu.memory_space<hbm>> -> memref<1x128x128xf32, #tpu.memory_space<hbm>>
      %dma_wait3A_70 = tpu.memref_squeeze %dma_wait3A_69 : memref<1x128x128xf32, #tpu.memory_space<hbm>> -> memref<128x128xf32, #tpu.memory_space<hbm>>
      %dma_wait3A_71 = arith.constant 0 : i32
      %dma_wait3A_72 = tpu.memref_slice %arg5[%arg0, %add3A_55, %dma_wait3A_71] : memref<2x10240x128xf32, #tpu.memory_space<hbm>> -> memref<1x128x128xf32, #tpu.memory_space<hbm>>
      %dma_wait3A_73 = tpu.memref_squeeze %dma_wait3A_72 : memref<1x128x128xf32, #tpu.memory_space<hbm>> -> memref<128x128xf32, #tpu.memory_space<hbm>>
      tpu.wait_dma2 semaphore(%run_scoped3A : memref<!tpu.dma_semaphore, #tpu.memory_space<semaphore_mem>>) src(%arg8 : memref<128x128xf32, #tpu.memory_space<vmem>>) dst(%dma_wait3A_73 : memref<128x128xf32, #tpu.memory_space<hbm>>)
      tpu.yield
    }) : () -> ()
    %mul3A_56 = arith.constant 640 : i32
    %mul3A_57 = arith.muli %arg1, %mul3A_56 : i32
    %add3A_58 = arith.constant 512 : i32
    %add3A_59 = arith.addi %mul3A_57, %add3A_58 : i32
    "tpu.region"() ({
      %run_scoped3A = tpu.sem_alloc : memref<!tpu.dma_semaphore, #tpu.memory_space<semaphore_mem>>
      %dma_start3A = arith.constant 0 : i32
      %dma_start3A_64 = tpu.memref_slice %arg9[%add3A_59, %dma_start3A] : memref<10240x128xf32, #tpu.memory_space<vmem_shared>> -> memref<128x128xf32, #tpu.memory_space<vmem_shared>>
      %dma_start3A_65 = arith.constant 0 : i32
      %dma_start3A_66 = tpu.memref_slice %arg9[%add3A_59, %dma_start3A_65] : memref<10240x128xf32, #tpu.memory_space<vmem_shared>> -> memref<128x128xf32, #tpu.memory_space<vmem_shared>>
      tpu.enqueue_dma source(%dma_start3A_66 : memref<128x128xf32, #tpu.memory_space<vmem_shared>>) target(%arg8 : memref<128x128xf32, #tpu.memory_space<vmem>>) target_semaphore(%run_scoped3A : memref<!tpu.dma_semaphore, #tpu.memory_space<semaphore_mem>>)
      %dma_wait3A = arith.constant 0 : i32
      %dma_wait3A_67 = tpu.memref_slice %arg9[%add3A_59, %dma_wait3A] : memref<10240x128xf32, #tpu.memory_space<vmem_shared>> -> memref<128x128xf32, #tpu.memory_space<vmem_shared>>
      %dma_wait3A_68 = arith.constant 0 : i32
      %dma_wait3A_69 = tpu.memref_slice %arg9[%add3A_59, %dma_wait3A_68] : memref<10240x128xf32, #tpu.memory_space<vmem_shared>> -> memref<128x128xf32, #tpu.memory_space<vmem_shared>>
      tpu.wait_dma2 semaphore(%run_scoped3A : memref<!tpu.dma_semaphore, #tpu.memory_space<semaphore_mem>>) src(%dma_wait3A_69 : memref<128x128xf32, #tpu.memory_space<vmem_shared>>) dst(%arg8 : memref<128x128xf32, #tpu.memory_space<vmem>>)
      tpu.yield
    }) : () -> ()
    %mul3A_60 = arith.constant 640 : i32
    %mul3A_61 = arith.muli %arg1, %mul3A_60 : i32
    %add3A_62 = arith.constant 512 : i32
    %add3A_63 = arith.addi %mul3A_61, %add3A_62 : i32
    "tpu.region"() ({
      %run_scoped3A = tpu.sem_alloc : memref<!tpu.dma_semaphore, #tpu.memory_space<semaphore_mem>>
      %dma_start3A = arith.constant 0 : i32
      %dma_start3A_64 = tpu.memref_slice %arg5[%arg0, %add3A_63, %dma_start3A] : memref<2x10240x128xf32, #tpu.memory_space<hbm>> -> memref<1x128x128xf32, #tpu.memory_space<hbm>>
      %dma_start3A_65 = tpu.memref_squeeze %dma_start3A_64 : memref<1x128x128xf32, #tpu.memory_space<hbm>> -> memref<128x128xf32, #tpu.memory_space<hbm>>
      %dma_start3A_66 = arith.constant 0 : i32
      %dma_start3A_67 = tpu.memref_slice %arg5[%arg0, %add3A_63, %dma_start3A_66] : memref<2x10240x128xf32, #tpu.memory_space<hbm>> -> memref<1x128x128xf32, #tpu.memory_space<hbm>>
      %dma_start3A_68 = tpu.memref_squeeze %dma_start3A_67 : memref<1x128x128xf32, #tpu.memory_space<hbm>> -> memref<128x128xf32, #tpu.memory_space<hbm>>
      tpu.enqueue_dma source(%arg8 : memref<128x128xf32, #tpu.memory_space<vmem>>) target(%dma_start3A_68 : memref<128x128xf32, #tpu.memory_space<hbm>>) target_semaphore(%run_scoped3A : memref<!tpu.dma_semaphore, #tpu.memory_space<semaphore_mem>>)
      %dma_wait3A = arith.constant 0 : i32
      %dma_wait3A_69 = tpu.memref_slice %arg5[%arg0, %add3A_63, %dma_wait3A] : memref<2x10240x128xf32, #tpu.memory_space<hbm>> -> memref<1x128x128xf32, #tpu.memory_space<hbm>>
      %dma_wait3A_70 = tpu.memref_squeeze %dma_wait3A_69 : memref<1x128x128xf32, #tpu.memory_space<hbm>> -> memref<128x128xf32, #tpu.memory_space<hbm>>
      %dma_wait3A_71 = arith.constant 0 : i32
      %dma_wait3A_72 = tpu.memref_slice %arg5[%arg0, %add3A_63, %dma_wait3A_71] : memref<2x10240x128xf32, #tpu.memory_space<hbm>> -> memref<1x128x128xf32, #tpu.memory_space<hbm>>
      %dma_wait3A_73 = tpu.memref_squeeze %dma_wait3A_72 : memref<1x128x128xf32, #tpu.memory_space<hbm>> -> memref<128x128xf32, #tpu.memory_space<hbm>>
      tpu.wait_dma2 semaphore(%run_scoped3A : memref<!tpu.dma_semaphore, #tpu.memory_space<semaphore_mem>>) src(%arg8 : memref<128x128xf32, #tpu.memory_space<vmem>>) dst(%dma_wait3A_73 : memref<128x128xf32, #tpu.memory_space<hbm>>)
      tpu.yield
    }) : () -> ()
    return
  }
}

#map = affine_map<(d0, d1) -> (0, 0, 0, 0)>
#map1 = affine_map<(d0, d1) -> (0, 0)>
#map2 = affine_map<(d0, d1) -> (0, 0, 0)>
module attributes {stable_mosaic.version = 14 : i64} {
  func.func @scatter_kernel(%arg0: i32, %arg1: i32, %arg2: memref<2x16x80x128xi32, #tpu.memory_space<hbm>>, %arg3: memref<2x16x80x128xi32, #tpu.memory_space<hbm>>, %arg4: memref<10240x128xf32, #tpu.memory_space<hbm>>, %arg5: memref<128x128xf32, #tpu.memory_space<hbm>>, %arg6: memref<2x10240x128xf32, #tpu.memory_space<hbm>>, %arg7: memref<40x128xi32, #tpu.memory_space<vmem>>, %arg8: memref<40x128xi32, #tpu.memory_space<vmem>>, %arg9: memref<128x128xf32, #tpu.memory_space<vmem>>, %arg10: memref<128x128xf32, #tpu.memory_space<vmem>>, %arg11: memref<10240x128xf32, #tpu.memory_space<vmem_shared>>, %arg12: memref<!tpu.dma_semaphore, #tpu.memory_space<semaphore_mem>>, %arg13: memref<!tpu.dma_semaphore, #tpu.memory_space<semaphore_mem>>) attributes {dimension_semantics = [#tpu.dimension_semantics<core_parallel>, #tpu.dimension_semantics<subcore_parallel>], iteration_bounds = array<i64: 2, 16>, scalar_prefetch = 0 : i64, scratch_operands = 7 : i64, tpu.core_type = #tpu.core_type<sc_vector_subcore>, window_params = [{transform_indices = #map}, {transform_indices = #map}, {transform_indices = #map1}, {transform_indices = #map1}, {transform_indices = #map2}]} {
    "tpu.region"() ({
      %run_scoped3A = tpu.sem_alloc : memref<!tpu.dma_semaphore, #tpu.memory_space<semaphore_mem>>
      tpu.enqueue_dma source(%arg5 : memref<128x128xf32, #tpu.memory_space<hbm>>) target(%arg9 : memref<128x128xf32, #tpu.memory_space<vmem>>) target_semaphore(%run_scoped3A : memref<!tpu.dma_semaphore, #tpu.memory_space<semaphore_mem>>)
      tpu.wait_dma2 semaphore(%run_scoped3A : memref<!tpu.dma_semaphore, #tpu.memory_space<semaphore_mem>>) src(%arg5 : memref<128x128xf32, #tpu.memory_space<hbm>>) dst(%arg9 : memref<128x128xf32, #tpu.memory_space<vmem>>)
      tpu.yield
    }) : () -> ()
    %mul3A = arith.constant 640 : i32
    %mul3A_0 = arith.muli %arg1, %mul3A : i32
    %add3A = arith.constant 0 : i32
    %add3A_1 = arith.addi %mul3A_0, %add3A : i32
    "tpu.region"() ({
      %run_scoped3A = tpu.sem_alloc : memref<!tpu.dma_semaphore, #tpu.memory_space<semaphore_mem>>
      %dma_start3A_97 = arith.constant 0 : i32
      %dma_start3A_98 = tpu.memref_slice %arg11[%add3A_1, %dma_start3A_97] : memref<10240x128xf32, #tpu.memory_space<vmem_shared>> -> memref<128x128xf32, #tpu.memory_space<vmem_shared>>
      %dma_start3A_99 = arith.constant 0 : i32
      %dma_start3A_100 = tpu.memref_slice %arg11[%add3A_1, %dma_start3A_99] : memref<10240x128xf32, #tpu.memory_space<vmem_shared>> -> memref<128x128xf32, #tpu.memory_space<vmem_shared>>
      tpu.enqueue_dma source(%arg9 : memref<128x128xf32, #tpu.memory_space<vmem>>) target(%dma_start3A_100 : memref<128x128xf32, #tpu.memory_space<vmem_shared>>) target_semaphore(%run_scoped3A : memref<!tpu.dma_semaphore, #tpu.memory_space<semaphore_mem>>)
      %dma_wait3A = arith.constant 0 : i32
      %dma_wait3A_101 = tpu.memref_slice %arg11[%add3A_1, %dma_wait3A] : memref<10240x128xf32, #tpu.memory_space<vmem_shared>> -> memref<128x128xf32, #tpu.memory_space<vmem_shared>>
      %dma_wait3A_102 = arith.constant 0 : i32
      %dma_wait3A_103 = tpu.memref_slice %arg11[%add3A_1, %dma_wait3A_102] : memref<10240x128xf32, #tpu.memory_space<vmem_shared>> -> memref<128x128xf32, #tpu.memory_space<vmem_shared>>
      tpu.wait_dma2 semaphore(%run_scoped3A : memref<!tpu.dma_semaphore, #tpu.memory_space<semaphore_mem>>) src(%arg9 : memref<128x128xf32, #tpu.memory_space<vmem>>) dst(%dma_wait3A_103 : memref<128x128xf32, #tpu.memory_space<vmem_shared>>)
      tpu.yield
    }) : () -> ()
    %mul3A_2 = arith.constant 640 : i32
    %mul3A_3 = arith.muli %arg1, %mul3A_2 : i32
    %add3A_4 = arith.constant 128 : i32
    %add3A_5 = arith.addi %mul3A_3, %add3A_4 : i32
    "tpu.region"() ({
      %run_scoped3A = tpu.sem_alloc : memref<!tpu.dma_semaphore, #tpu.memory_space<semaphore_mem>>
      %dma_start3A_97 = arith.constant 0 : i32
      %dma_start3A_98 = tpu.memref_slice %arg11[%add3A_5, %dma_start3A_97] : memref<10240x128xf32, #tpu.memory_space<vmem_shared>> -> memref<128x128xf32, #tpu.memory_space<vmem_shared>>
      %dma_start3A_99 = arith.constant 0 : i32
      %dma_start3A_100 = tpu.memref_slice %arg11[%add3A_5, %dma_start3A_99] : memref<10240x128xf32, #tpu.memory_space<vmem_shared>> -> memref<128x128xf32, #tpu.memory_space<vmem_shared>>
      tpu.enqueue_dma source(%arg9 : memref<128x128xf32, #tpu.memory_space<vmem>>) target(%dma_start3A_100 : memref<128x128xf32, #tpu.memory_space<vmem_shared>>) target_semaphore(%run_scoped3A : memref<!tpu.dma_semaphore, #tpu.memory_space<semaphore_mem>>)
      %dma_wait3A = arith.constant 0 : i32
      %dma_wait3A_101 = tpu.memref_slice %arg11[%add3A_5, %dma_wait3A] : memref<10240x128xf32, #tpu.memory_space<vmem_shared>> -> memref<128x128xf32, #tpu.memory_space<vmem_shared>>
      %dma_wait3A_102 = arith.constant 0 : i32
      %dma_wait3A_103 = tpu.memref_slice %arg11[%add3A_5, %dma_wait3A_102] : memref<10240x128xf32, #tpu.memory_space<vmem_shared>> -> memref<128x128xf32, #tpu.memory_space<vmem_shared>>
      tpu.wait_dma2 semaphore(%run_scoped3A : memref<!tpu.dma_semaphore, #tpu.memory_space<semaphore_mem>>) src(%arg9 : memref<128x128xf32, #tpu.memory_space<vmem>>) dst(%dma_wait3A_103 : memref<128x128xf32, #tpu.memory_space<vmem_shared>>)
      tpu.yield
    }) : () -> ()
    %mul3A_6 = arith.constant 640 : i32
    %mul3A_7 = arith.muli %arg1, %mul3A_6 : i32
    %add3A_8 = arith.constant 256 : i32
    %add3A_9 = arith.addi %mul3A_7, %add3A_8 : i32
    "tpu.region"() ({
      %run_scoped3A = tpu.sem_alloc : memref<!tpu.dma_semaphore, #tpu.memory_space<semaphore_mem>>
      %dma_start3A_97 = arith.constant 0 : i32
      %dma_start3A_98 = tpu.memref_slice %arg11[%add3A_9, %dma_start3A_97] : memref<10240x128xf32, #tpu.memory_space<vmem_shared>> -> memref<128x128xf32, #tpu.memory_space<vmem_shared>>
      %dma_start3A_99 = arith.constant 0 : i32
      %dma_start3A_100 = tpu.memref_slice %arg11[%add3A_9, %dma_start3A_99] : memref<10240x128xf32, #tpu.memory_space<vmem_shared>> -> memref<128x128xf32, #tpu.memory_space<vmem_shared>>
      tpu.enqueue_dma source(%arg9 : memref<128x128xf32, #tpu.memory_space<vmem>>) target(%dma_start3A_100 : memref<128x128xf32, #tpu.memory_space<vmem_shared>>) target_semaphore(%run_scoped3A : memref<!tpu.dma_semaphore, #tpu.memory_space<semaphore_mem>>)
      %dma_wait3A = arith.constant 0 : i32
      %dma_wait3A_101 = tpu.memref_slice %arg11[%add3A_9, %dma_wait3A] : memref<10240x128xf32, #tpu.memory_space<vmem_shared>> -> memref<128x128xf32, #tpu.memory_space<vmem_shared>>
      %dma_wait3A_102 = arith.constant 0 : i32
      %dma_wait3A_103 = tpu.memref_slice %arg11[%add3A_9, %dma_wait3A_102] : memref<10240x128xf32, #tpu.memory_space<vmem_shared>> -> memref<128x128xf32, #tpu.memory_space<vmem_shared>>
      tpu.wait_dma2 semaphore(%run_scoped3A : memref<!tpu.dma_semaphore, #tpu.memory_space<semaphore_mem>>) src(%arg9 : memref<128x128xf32, #tpu.memory_space<vmem>>) dst(%dma_wait3A_103 : memref<128x128xf32, #tpu.memory_space<vmem_shared>>)
      tpu.yield
    }) : () -> ()
    %mul3A_10 = arith.constant 640 : i32
    %mul3A_11 = arith.muli %arg1, %mul3A_10 : i32
    %add3A_12 = arith.constant 384 : i32
    %add3A_13 = arith.addi %mul3A_11, %add3A_12 : i32
    "tpu.region"() ({
      %run_scoped3A = tpu.sem_alloc : memref<!tpu.dma_semaphore, #tpu.memory_space<semaphore_mem>>
      %dma_start3A_97 = arith.constant 0 : i32
      %dma_start3A_98 = tpu.memref_slice %arg11[%add3A_13, %dma_start3A_97] : memref<10240x128xf32, #tpu.memory_space<vmem_shared>> -> memref<128x128xf32, #tpu.memory_space<vmem_shared>>
      %dma_start3A_99 = arith.constant 0 : i32
      %dma_start3A_100 = tpu.memref_slice %arg11[%add3A_13, %dma_start3A_99] : memref<10240x128xf32, #tpu.memory_space<vmem_shared>> -> memref<128x128xf32, #tpu.memory_space<vmem_shared>>
      tpu.enqueue_dma source(%arg9 : memref<128x128xf32, #tpu.memory_space<vmem>>) target(%dma_start3A_100 : memref<128x128xf32, #tpu.memory_space<vmem_shared>>) target_semaphore(%run_scoped3A : memref<!tpu.dma_semaphore, #tpu.memory_space<semaphore_mem>>)
      %dma_wait3A = arith.constant 0 : i32
      %dma_wait3A_101 = tpu.memref_slice %arg11[%add3A_13, %dma_wait3A] : memref<10240x128xf32, #tpu.memory_space<vmem_shared>> -> memref<128x128xf32, #tpu.memory_space<vmem_shared>>
      %dma_wait3A_102 = arith.constant 0 : i32
      %dma_wait3A_103 = tpu.memref_slice %arg11[%add3A_13, %dma_wait3A_102] : memref<10240x128xf32, #tpu.memory_space<vmem_shared>> -> memref<128x128xf32, #tpu.memory_space<vmem_shared>>
      tpu.wait_dma2 semaphore(%run_scoped3A : memref<!tpu.dma_semaphore, #tpu.memory_space<semaphore_mem>>) src(%arg9 : memref<128x128xf32, #tpu.memory_space<vmem>>) dst(%dma_wait3A_103 : memref<128x128xf32, #tpu.memory_space<vmem_shared>>)
      tpu.yield
    }) : () -> ()
    %mul3A_14 = arith.constant 640 : i32
    %mul3A_15 = arith.muli %arg1, %mul3A_14 : i32
    %add3A_16 = arith.constant 512 : i32
    %add3A_17 = arith.addi %mul3A_15, %add3A_16 : i32
    "tpu.region"() ({
      %run_scoped3A = tpu.sem_alloc : memref<!tpu.dma_semaphore, #tpu.memory_space<semaphore_mem>>
      %dma_start3A_97 = arith.constant 0 : i32
      %dma_start3A_98 = tpu.memref_slice %arg11[%add3A_17, %dma_start3A_97] : memref<10240x128xf32, #tpu.memory_space<vmem_shared>> -> memref<128x128xf32, #tpu.memory_space<vmem_shared>>
      %dma_start3A_99 = arith.constant 0 : i32
      %dma_start3A_100 = tpu.memref_slice %arg11[%add3A_17, %dma_start3A_99] : memref<10240x128xf32, #tpu.memory_space<vmem_shared>> -> memref<128x128xf32, #tpu.memory_space<vmem_shared>>
      tpu.enqueue_dma source(%arg9 : memref<128x128xf32, #tpu.memory_space<vmem>>) target(%dma_start3A_100 : memref<128x128xf32, #tpu.memory_space<vmem_shared>>) target_semaphore(%run_scoped3A : memref<!tpu.dma_semaphore, #tpu.memory_space<semaphore_mem>>)
      %dma_wait3A = arith.constant 0 : i32
      %dma_wait3A_101 = tpu.memref_slice %arg11[%add3A_17, %dma_wait3A] : memref<10240x128xf32, #tpu.memory_space<vmem_shared>> -> memref<128x128xf32, #tpu.memory_space<vmem_shared>>
      %dma_wait3A_102 = arith.constant 0 : i32
      %dma_wait3A_103 = tpu.memref_slice %arg11[%add3A_17, %dma_wait3A_102] : memref<10240x128xf32, #tpu.memory_space<vmem_shared>> -> memref<128x128xf32, #tpu.memory_space<vmem_shared>>
      tpu.wait_dma2 semaphore(%run_scoped3A : memref<!tpu.dma_semaphore, #tpu.memory_space<semaphore_mem>>) src(%arg9 : memref<128x128xf32, #tpu.memory_space<vmem>>) dst(%dma_wait3A_103 : memref<128x128xf32, #tpu.memory_space<vmem_shared>>)
      tpu.yield
    }) : () -> ()
    %barrier3A = arith.constant 0 : index
    tpu.barrier barrier_id(%barrier3A)
    "tpu.region"() ({
      %run_scoped3A = tpu.sem_alloc : memref<!tpu.dma_semaphore, #tpu.memory_space<semaphore_mem>>
      %dma_start3A_97 = arith.constant 0 : i32
      %dma_start3A_98 = arith.constant 0 : i32
      %dma_start3A_99 = tpu.memref_slice %arg2[%arg0, %arg1, %dma_start3A_97, %dma_start3A_98] : memref<2x16x80x128xi32, #tpu.memory_space<hbm>> -> memref<1x1x40x128xi32, #tpu.memory_space<hbm>>
      %dma_start3A_100 = tpu.memref_squeeze %dma_start3A_99 : memref<1x1x40x128xi32, #tpu.memory_space<hbm>> -> memref<40x128xi32, #tpu.memory_space<hbm>>
      %dma_start3A_101 = arith.constant 0 : i32
      %dma_start3A_102 = arith.constant 0 : i32
      %dma_start3A_103 = tpu.memref_slice %arg2[%arg0, %arg1, %dma_start3A_101, %dma_start3A_102] : memref<2x16x80x128xi32, #tpu.memory_space<hbm>> -> memref<1x1x40x128xi32, #tpu.memory_space<hbm>>
      %dma_start3A_104 = tpu.memref_squeeze %dma_start3A_103 : memref<1x1x40x128xi32, #tpu.memory_space<hbm>> -> memref<40x128xi32, #tpu.memory_space<hbm>>
      tpu.enqueue_dma source(%dma_start3A_104 : memref<40x128xi32, #tpu.memory_space<hbm>>) target(%arg7 : memref<40x128xi32, #tpu.memory_space<vmem>>) target_semaphore(%run_scoped3A : memref<!tpu.dma_semaphore, #tpu.memory_space<semaphore_mem>>)
      %dma_wait3A = arith.constant 0 : i32
      %dma_wait3A_105 = arith.constant 0 : i32
      %dma_wait3A_106 = tpu.memref_slice %arg2[%arg0, %arg1, %dma_wait3A, %dma_wait3A_105] : memref<2x16x80x128xi32, #tpu.memory_space<hbm>> -> memref<1x1x40x128xi32, #tpu.memory_space<hbm>>
      %dma_wait3A_107 = tpu.memref_squeeze %dma_wait3A_106 : memref<1x1x40x128xi32, #tpu.memory_space<hbm>> -> memref<40x128xi32, #tpu.memory_space<hbm>>
      %dma_wait3A_108 = arith.constant 0 : i32
      %dma_wait3A_109 = arith.constant 0 : i32
      %dma_wait3A_110 = tpu.memref_slice %arg2[%arg0, %arg1, %dma_wait3A_108, %dma_wait3A_109] : memref<2x16x80x128xi32, #tpu.memory_space<hbm>> -> memref<1x1x40x128xi32, #tpu.memory_space<hbm>>
      %dma_wait3A_111 = tpu.memref_squeeze %dma_wait3A_110 : memref<1x1x40x128xi32, #tpu.memory_space<hbm>> -> memref<40x128xi32, #tpu.memory_space<hbm>>
      tpu.wait_dma2 semaphore(%run_scoped3A : memref<!tpu.dma_semaphore, #tpu.memory_space<semaphore_mem>>) src(%dma_wait3A_111 : memref<40x128xi32, #tpu.memory_space<hbm>>) dst(%arg7 : memref<40x128xi32, #tpu.memory_space<vmem>>)
      tpu.yield
    }) : () -> ()
    "tpu.region"() ({
      %run_scoped3A = tpu.sem_alloc : memref<!tpu.dma_semaphore, #tpu.memory_space<semaphore_mem>>
      %dma_start3A_97 = arith.constant 0 : i32
      %dma_start3A_98 = arith.constant 0 : i32
      %dma_start3A_99 = tpu.memref_slice %arg3[%arg0, %arg1, %dma_start3A_97, %dma_start3A_98] : memref<2x16x80x128xi32, #tpu.memory_space<hbm>> -> memref<1x1x40x128xi32, #tpu.memory_space<hbm>>
      %dma_start3A_100 = tpu.memref_squeeze %dma_start3A_99 : memref<1x1x40x128xi32, #tpu.memory_space<hbm>> -> memref<40x128xi32, #tpu.memory_space<hbm>>
      %dma_start3A_101 = arith.constant 0 : i32
      %dma_start3A_102 = arith.constant 0 : i32
      %dma_start3A_103 = tpu.memref_slice %arg3[%arg0, %arg1, %dma_start3A_101, %dma_start3A_102] : memref<2x16x80x128xi32, #tpu.memory_space<hbm>> -> memref<1x1x40x128xi32, #tpu.memory_space<hbm>>
      %dma_start3A_104 = tpu.memref_squeeze %dma_start3A_103 : memref<1x1x40x128xi32, #tpu.memory_space<hbm>> -> memref<40x128xi32, #tpu.memory_space<hbm>>
      tpu.enqueue_dma source(%dma_start3A_104 : memref<40x128xi32, #tpu.memory_space<hbm>>) target(%arg8 : memref<40x128xi32, #tpu.memory_space<vmem>>) target_semaphore(%run_scoped3A : memref<!tpu.dma_semaphore, #tpu.memory_space<semaphore_mem>>)
      %dma_wait3A = arith.constant 0 : i32
      %dma_wait3A_105 = arith.constant 0 : i32
      %dma_wait3A_106 = tpu.memref_slice %arg3[%arg0, %arg1, %dma_wait3A, %dma_wait3A_105] : memref<2x16x80x128xi32, #tpu.memory_space<hbm>> -> memref<1x1x40x128xi32, #tpu.memory_space<hbm>>
      %dma_wait3A_107 = tpu.memref_squeeze %dma_wait3A_106 : memref<1x1x40x128xi32, #tpu.memory_space<hbm>> -> memref<40x128xi32, #tpu.memory_space<hbm>>
      %dma_wait3A_108 = arith.constant 0 : i32
      %dma_wait3A_109 = arith.constant 0 : i32
      %dma_wait3A_110 = tpu.memref_slice %arg3[%arg0, %arg1, %dma_wait3A_108, %dma_wait3A_109] : memref<2x16x80x128xi32, #tpu.memory_space<hbm>> -> memref<1x1x40x128xi32, #tpu.memory_space<hbm>>
      %dma_wait3A_111 = tpu.memref_squeeze %dma_wait3A_110 : memref<1x1x40x128xi32, #tpu.memory_space<hbm>> -> memref<40x128xi32, #tpu.memory_space<hbm>>
      tpu.wait_dma2 semaphore(%run_scoped3A : memref<!tpu.dma_semaphore, #tpu.memory_space<semaphore_mem>>) src(%dma_wait3A_111 : memref<40x128xi32, #tpu.memory_space<hbm>>) dst(%arg8 : memref<40x128xi32, #tpu.memory_space<vmem>>)
      tpu.yield
    }) : () -> ()
    %dma_start3A = arith.constant 0 : i32
    %dma_start3A_18 = arith.constant 0 : i32
    %dma_start3A_19 = tpu.memref_slice %arg7[%dma_start3A, %dma_start3A_18] : memref<40x128xi32, #tpu.memory_space<vmem>> -> memref<1x128xi32, #tpu.memory_space<vmem>>
    %dma_start3A_20 = tpu.memref_squeeze %dma_start3A_19 : memref<1x128xi32, #tpu.memory_space<vmem>> -> memref<128xi32, #tpu.memory_space<vmem>>
    %dma_start3A_21 = arith.constant 0 : i32
    %dma_start3A_22 = arith.constant 0 : i32
    %dma_start3A_23 = tpu.memref_slice %arg4[%dma_start3A_21, %dma_start3A_22] : memref<10240x128xf32, #tpu.memory_space<hbm>> -> memref<10240x128xf32, #tpu.memory_space<hbm>>
    tpu.enqueue_indirect_dma source(%dma_start3A_23 : memref<10240x128xf32, #tpu.memory_space<hbm>>) target(%arg9 : memref<128x128xf32, #tpu.memory_space<vmem>>) offsets(%dma_start3A_20 : memref<128xi32, #tpu.memory_space<vmem>>) semaphore(%arg12 : memref<!tpu.dma_semaphore, #tpu.memory_space<semaphore_mem>>)
    %dma_start3A_24 = arith.constant 1 : i32
    %dma_start3A_25 = arith.constant 0 : i32
    %dma_start3A_26 = tpu.memref_slice %arg7[%dma_start3A_24, %dma_start3A_25] : memref<40x128xi32, #tpu.memory_space<vmem>> -> memref<1x128xi32, #tpu.memory_space<vmem>>
    %dma_start3A_27 = tpu.memref_squeeze %dma_start3A_26 : memref<1x128xi32, #tpu.memory_space<vmem>> -> memref<128xi32, #tpu.memory_space<vmem>>
    %dma_start3A_28 = arith.constant 0 : i32
    %dma_start3A_29 = arith.constant 0 : i32
    %dma_start3A_30 = tpu.memref_slice %arg4[%dma_start3A_28, %dma_start3A_29] : memref<10240x128xf32, #tpu.memory_space<hbm>> -> memref<10240x128xf32, #tpu.memory_space<hbm>>
    tpu.enqueue_indirect_dma source(%dma_start3A_30 : memref<10240x128xf32, #tpu.memory_space<hbm>>) target(%arg10 : memref<128x128xf32, #tpu.memory_space<vmem>>) offsets(%dma_start3A_27 : memref<128xi32, #tpu.memory_space<vmem>>) semaphore(%arg12 : memref<!tpu.dma_semaphore, #tpu.memory_space<semaphore_mem>>)
    %scan3A = arith.constant 0 : i32
    %scan3A_31 = arith.constant 0 : i32
    %scan3A_32 = arith.constant 20 : i32
    %scan3A_33 = arith.addi %scan3A_31, %scan3A_32 : i32
    %scan3A_34 = arith.constant 1 : i32
    scf.for %scan3A_97 = %scan3A_31 to %scan3A_33 step %scan3A_34  : i32 {
      %mul3A_98 = arith.constant 2 : i32
      %mul3A_99 = arith.muli %mul3A_98, %scan3A_97 : i32
      %add3A_100 = arith.constant 1 : i32
      %add3A_101 = arith.addi %mul3A_99, %add3A_100 : i32
      %dma_wait3A = arith.constant 0 : i32
      %dma_wait3A_102 = tpu.memref_slice %arg7[%mul3A_99, %dma_wait3A] : memref<40x128xi32, #tpu.memory_space<vmem>> -> memref<1x128xi32, #tpu.memory_space<vmem>>
      %dma_wait3A_103 = tpu.memref_squeeze %dma_wait3A_102 : memref<1x128xi32, #tpu.memory_space<vmem>> -> memref<128xi32, #tpu.memory_space<vmem>>
      %dma_wait3A_104 = arith.constant 0 : i32
      %dma_wait3A_105 = arith.constant 0 : i32
      %dma_wait3A_106 = tpu.memref_slice %arg4[%dma_wait3A_104, %dma_wait3A_105] : memref<10240x128xf32, #tpu.memory_space<hbm>> -> memref<10240x128xf32, #tpu.memory_space<hbm>>
      tpu.wait_indirect_dma semaphore(%arg12 : memref<!tpu.dma_semaphore, #tpu.memory_space<semaphore_mem>>) src(%dma_wait3A_106 : memref<10240x128xf32, #tpu.memory_space<hbm>>) dst(%arg9 : memref<128x128xf32, #tpu.memory_space<vmem>>)
      %dma_start3A_107 = arith.constant 0 : i32
      %dma_start3A_108 = tpu.memref_slice %arg8[%mul3A_99, %dma_start3A_107] : memref<40x128xi32, #tpu.memory_space<vmem>> -> memref<1x128xi32, #tpu.memory_space<vmem>>
      %dma_start3A_109 = tpu.memref_squeeze %dma_start3A_108 : memref<1x128xi32, #tpu.memory_space<vmem>> -> memref<128xi32, #tpu.memory_space<vmem>>
      %dma_start3A_110 = arith.constant 0 : i32
      %dma_start3A_111 = arith.constant 0 : i32
      %dma_start3A_112 = tpu.memref_slice %arg11[%dma_start3A_110, %dma_start3A_111] : memref<10240x128xf32, #tpu.memory_space<vmem_shared>> -> memref<10240x128xf32, #tpu.memory_space<vmem_shared>>
      tpu.enqueue_indirect_dma source(%arg9 : memref<128x128xf32, #tpu.memory_space<vmem>>) target(%dma_start3A_112 : memref<10240x128xf32, #tpu.memory_space<vmem_shared>>) offsets(%dma_start3A_109 : memref<128xi32, #tpu.memory_space<vmem>>) semaphore(%arg13 : memref<!tpu.dma_semaphore, #tpu.memory_space<semaphore_mem>>) {add = true}
      %dma_wait3A_113 = arith.constant 0 : i32
      %dma_wait3A_114 = tpu.memref_slice %arg7[%add3A_101, %dma_wait3A_113] : memref<40x128xi32, #tpu.memory_space<vmem>> -> memref<1x128xi32, #tpu.memory_space<vmem>>
      %dma_wait3A_115 = tpu.memref_squeeze %dma_wait3A_114 : memref<1x128xi32, #tpu.memory_space<vmem>> -> memref<128xi32, #tpu.memory_space<vmem>>
      %dma_wait3A_116 = arith.constant 0 : i32
      %dma_wait3A_117 = arith.constant 0 : i32
      %dma_wait3A_118 = tpu.memref_slice %arg4[%dma_wait3A_116, %dma_wait3A_117] : memref<10240x128xf32, #tpu.memory_space<hbm>> -> memref<10240x128xf32, #tpu.memory_space<hbm>>
      tpu.wait_indirect_dma semaphore(%arg12 : memref<!tpu.dma_semaphore, #tpu.memory_space<semaphore_mem>>) src(%dma_wait3A_118 : memref<10240x128xf32, #tpu.memory_space<hbm>>) dst(%arg10 : memref<128x128xf32, #tpu.memory_space<vmem>>)
      %dma_start3A_119 = arith.constant 0 : i32
      %dma_start3A_120 = tpu.memref_slice %arg8[%add3A_101, %dma_start3A_119] : memref<40x128xi32, #tpu.memory_space<vmem>> -> memref<1x128xi32, #tpu.memory_space<vmem>>
      %dma_start3A_121 = tpu.memref_squeeze %dma_start3A_120 : memref<1x128xi32, #tpu.memory_space<vmem>> -> memref<128xi32, #tpu.memory_space<vmem>>
      %dma_start3A_122 = arith.constant 0 : i32
      %dma_start3A_123 = arith.constant 0 : i32
      %dma_start3A_124 = tpu.memref_slice %arg11[%dma_start3A_122, %dma_start3A_123] : memref<10240x128xf32, #tpu.memory_space<vmem_shared>> -> memref<10240x128xf32, #tpu.memory_space<vmem_shared>>
      tpu.enqueue_indirect_dma source(%arg10 : memref<128x128xf32, #tpu.memory_space<vmem>>) target(%dma_start3A_124 : memref<10240x128xf32, #tpu.memory_space<vmem_shared>>) offsets(%dma_start3A_121 : memref<128xi32, #tpu.memory_space<vmem>>) semaphore(%arg13 : memref<!tpu.dma_semaphore, #tpu.memory_space<semaphore_mem>>) {add = true}
      %dma_wait3A_125 = arith.constant 0 : i32
      %dma_wait3A_126 = arith.constant 0 : i32
      %dma_wait3A_127 = tpu.memref_slice %arg11[%dma_wait3A_125, %dma_wait3A_126] : memref<10240x128xf32, #tpu.memory_space<vmem_shared>> -> memref<128x128xf32, #tpu.memory_space<vmem_shared>>
      %dma_wait3A_128 = arith.constant 0 : i32
      %dma_wait3A_129 = arith.constant 0 : i32
      %dma_wait3A_130 = tpu.memref_slice %arg11[%dma_wait3A_128, %dma_wait3A_129] : memref<10240x128xf32, #tpu.memory_space<vmem_shared>> -> memref<128x128xf32, #tpu.memory_space<vmem_shared>>
      tpu.wait_dma2 semaphore(%arg13 : memref<!tpu.dma_semaphore, #tpu.memory_space<semaphore_mem>>) src(%arg9 : memref<128x128xf32, #tpu.memory_space<vmem>>) dst(%dma_wait3A_130 : memref<128x128xf32, #tpu.memory_space<vmem_shared>>)
      %dma_wait3A_131 = arith.constant 0 : i32
      %dma_wait3A_132 = arith.constant 0 : i32
      %dma_wait3A_133 = tpu.memref_slice %arg11[%dma_wait3A_131, %dma_wait3A_132] : memref<10240x128xf32, #tpu.memory_space<vmem_shared>> -> memref<128x128xf32, #tpu.memory_space<vmem_shared>>
      %dma_wait3A_134 = arith.constant 0 : i32
      %dma_wait3A_135 = arith.constant 0 : i32
      %dma_wait3A_136 = tpu.memref_slice %arg11[%dma_wait3A_134, %dma_wait3A_135] : memref<10240x128xf32, #tpu.memory_space<vmem_shared>> -> memref<128x128xf32, #tpu.memory_space<vmem_shared>>
      tpu.wait_dma2 semaphore(%arg13 : memref<!tpu.dma_semaphore, #tpu.memory_space<semaphore_mem>>) src(%arg10 : memref<128x128xf32, #tpu.memory_space<vmem>>) dst(%dma_wait3A_136 : memref<128x128xf32, #tpu.memory_space<vmem_shared>>)
      %add3A_137 = arith.constant 2 : i32
      %add3A_138 = arith.addi %mul3A_99, %add3A_137 : i32
      %lt3A = arith.constant 40 : i32
      %lt3A_139 = arith.cmpi slt, %add3A_138, %lt3A : i32
      %convert_element_type3A = arith.extui %lt3A_139 : i1 to i32
      %cond3A = arith.constant 0 : i32
      %cond3A_140 = arith.cmpi ne, %convert_element_type3A, %cond3A : i32
      scf.if %cond3A_140 {
        %add3A_148 = arith.constant 2 : i32
        %add3A_149 = arith.addi %mul3A_99, %add3A_148 : i32
        %dma_start3A_150 = arith.constant 0 : i32
        %dma_start3A_151 = tpu.memref_slice %arg7[%add3A_149, %dma_start3A_150] : memref<40x128xi32, #tpu.memory_space<vmem>> -> memref<1x128xi32, #tpu.memory_space<vmem>>
        %dma_start3A_152 = tpu.memref_squeeze %dma_start3A_151 : memref<1x128xi32, #tpu.memory_space<vmem>> -> memref<128xi32, #tpu.memory_space<vmem>>
        %dma_start3A_153 = arith.constant 0 : i32
        %dma_start3A_154 = arith.constant 0 : i32
        %dma_start3A_155 = tpu.memref_slice %arg4[%dma_start3A_153, %dma_start3A_154] : memref<10240x128xf32, #tpu.memory_space<hbm>> -> memref<10240x128xf32, #tpu.memory_space<hbm>>
        tpu.enqueue_indirect_dma source(%dma_start3A_155 : memref<10240x128xf32, #tpu.memory_space<hbm>>) target(%arg9 : memref<128x128xf32, #tpu.memory_space<vmem>>) offsets(%dma_start3A_152 : memref<128xi32, #tpu.memory_space<vmem>>) semaphore(%arg12 : memref<!tpu.dma_semaphore, #tpu.memory_space<semaphore_mem>>)
      } else {
      }
      %add3A_141 = arith.constant 2 : i32
      %add3A_142 = arith.addi %add3A_101, %add3A_141 : i32
      %lt3A_143 = arith.constant 40 : i32
      %lt3A_144 = arith.cmpi slt, %add3A_142, %lt3A_143 : i32
      %convert_element_type3A_145 = arith.extui %lt3A_144 : i1 to i32
      %cond3A_146 = arith.constant 0 : i32
      %cond3A_147 = arith.cmpi ne, %convert_element_type3A_145, %cond3A_146 : i32
      scf.if %cond3A_147 {
        %add3A_148 = arith.constant 2 : i32
        %add3A_149 = arith.addi %add3A_101, %add3A_148 : i32
        %dma_start3A_150 = arith.constant 0 : i32
        %dma_start3A_151 = tpu.memref_slice %arg7[%add3A_149, %dma_start3A_150] : memref<40x128xi32, #tpu.memory_space<vmem>> -> memref<1x128xi32, #tpu.memory_space<vmem>>
        %dma_start3A_152 = tpu.memref_squeeze %dma_start3A_151 : memref<1x128xi32, #tpu.memory_space<vmem>> -> memref<128xi32, #tpu.memory_space<vmem>>
        %dma_start3A_153 = arith.constant 0 : i32
        %dma_start3A_154 = arith.constant 0 : i32
        %dma_start3A_155 = tpu.memref_slice %arg4[%dma_start3A_153, %dma_start3A_154] : memref<10240x128xf32, #tpu.memory_space<hbm>> -> memref<10240x128xf32, #tpu.memory_space<hbm>>
        tpu.enqueue_indirect_dma source(%dma_start3A_155 : memref<10240x128xf32, #tpu.memory_space<hbm>>) target(%arg10 : memref<128x128xf32, #tpu.memory_space<vmem>>) offsets(%dma_start3A_152 : memref<128xi32, #tpu.memory_space<vmem>>) semaphore(%arg12 : memref<!tpu.dma_semaphore, #tpu.memory_space<semaphore_mem>>)
      } else {
      }
    }
    %scan3A_35 = arith.constant 20 : i32
    "tpu.region"() ({
      %run_scoped3A = tpu.sem_alloc : memref<!tpu.dma_semaphore, #tpu.memory_space<semaphore_mem>>
      %dma_start3A_97 = arith.constant 40 : i32
      %dma_start3A_98 = arith.constant 0 : i32
      %dma_start3A_99 = tpu.memref_slice %arg2[%arg0, %arg1, %dma_start3A_97, %dma_start3A_98] : memref<2x16x80x128xi32, #tpu.memory_space<hbm>> -> memref<1x1x40x128xi32, #tpu.memory_space<hbm>>
      %dma_start3A_100 = tpu.memref_squeeze %dma_start3A_99 : memref<1x1x40x128xi32, #tpu.memory_space<hbm>> -> memref<40x128xi32, #tpu.memory_space<hbm>>
      %dma_start3A_101 = arith.constant 40 : i32
      %dma_start3A_102 = arith.constant 0 : i32
      %dma_start3A_103 = tpu.memref_slice %arg2[%arg0, %arg1, %dma_start3A_101, %dma_start3A_102] : memref<2x16x80x128xi32, #tpu.memory_space<hbm>> -> memref<1x1x40x128xi32, #tpu.memory_space<hbm>>
      %dma_start3A_104 = tpu.memref_squeeze %dma_start3A_103 : memref<1x1x40x128xi32, #tpu.memory_space<hbm>> -> memref<40x128xi32, #tpu.memory_space<hbm>>
      tpu.enqueue_dma source(%dma_start3A_104 : memref<40x128xi32, #tpu.memory_space<hbm>>) target(%arg7 : memref<40x128xi32, #tpu.memory_space<vmem>>) target_semaphore(%run_scoped3A : memref<!tpu.dma_semaphore, #tpu.memory_space<semaphore_mem>>)
      %dma_wait3A = arith.constant 40 : i32
      %dma_wait3A_105 = arith.constant 0 : i32
      %dma_wait3A_106 = tpu.memref_slice %arg2[%arg0, %arg1, %dma_wait3A, %dma_wait3A_105] : memref<2x16x80x128xi32, #tpu.memory_space<hbm>> -> memref<1x1x40x128xi32, #tpu.memory_space<hbm>>
      %dma_wait3A_107 = tpu.memref_squeeze %dma_wait3A_106 : memref<1x1x40x128xi32, #tpu.memory_space<hbm>> -> memref<40x128xi32, #tpu.memory_space<hbm>>
      %dma_wait3A_108 = arith.constant 40 : i32
      %dma_wait3A_109 = arith.constant 0 : i32
      %dma_wait3A_110 = tpu.memref_slice %arg2[%arg0, %arg1, %dma_wait3A_108, %dma_wait3A_109] : memref<2x16x80x128xi32, #tpu.memory_space<hbm>> -> memref<1x1x40x128xi32, #tpu.memory_space<hbm>>
      %dma_wait3A_111 = tpu.memref_squeeze %dma_wait3A_110 : memref<1x1x40x128xi32, #tpu.memory_space<hbm>> -> memref<40x128xi32, #tpu.memory_space<hbm>>
      tpu.wait_dma2 semaphore(%run_scoped3A : memref<!tpu.dma_semaphore, #tpu.memory_space<semaphore_mem>>) src(%dma_wait3A_111 : memref<40x128xi32, #tpu.memory_space<hbm>>) dst(%arg7 : memref<40x128xi32, #tpu.memory_space<vmem>>)
      tpu.yield
    }) : () -> ()
    "tpu.region"() ({
      %run_scoped3A = tpu.sem_alloc : memref<!tpu.dma_semaphore, #tpu.memory_space<semaphore_mem>>
      %dma_start3A_97 = arith.constant 40 : i32
      %dma_start3A_98 = arith.constant 0 : i32
      %dma_start3A_99 = tpu.memref_slice %arg3[%arg0, %arg1, %dma_start3A_97, %dma_start3A_98] : memref<2x16x80x128xi32, #tpu.memory_space<hbm>> -> memref<1x1x40x128xi32, #tpu.memory_space<hbm>>
      %dma_start3A_100 = tpu.memref_squeeze %dma_start3A_99 : memref<1x1x40x128xi32, #tpu.memory_space<hbm>> -> memref<40x128xi32, #tpu.memory_space<hbm>>
      %dma_start3A_101 = arith.constant 40 : i32
      %dma_start3A_102 = arith.constant 0 : i32
      %dma_start3A_103 = tpu.memref_slice %arg3[%arg0, %arg1, %dma_start3A_101, %dma_start3A_102] : memref<2x16x80x128xi32, #tpu.memory_space<hbm>> -> memref<1x1x40x128xi32, #tpu.memory_space<hbm>>
      %dma_start3A_104 = tpu.memref_squeeze %dma_start3A_103 : memref<1x1x40x128xi32, #tpu.memory_space<hbm>> -> memref<40x128xi32, #tpu.memory_space<hbm>>
      tpu.enqueue_dma source(%dma_start3A_104 : memref<40x128xi32, #tpu.memory_space<hbm>>) target(%arg8 : memref<40x128xi32, #tpu.memory_space<vmem>>) target_semaphore(%run_scoped3A : memref<!tpu.dma_semaphore, #tpu.memory_space<semaphore_mem>>)
      %dma_wait3A = arith.constant 40 : i32
      %dma_wait3A_105 = arith.constant 0 : i32
      %dma_wait3A_106 = tpu.memref_slice %arg3[%arg0, %arg1, %dma_wait3A, %dma_wait3A_105] : memref<2x16x80x128xi32, #tpu.memory_space<hbm>> -> memref<1x1x40x128xi32, #tpu.memory_space<hbm>>
      %dma_wait3A_107 = tpu.memref_squeeze %dma_wait3A_106 : memref<1x1x40x128xi32, #tpu.memory_space<hbm>> -> memref<40x128xi32, #tpu.memory_space<hbm>>
      %dma_wait3A_108 = arith.constant 40 : i32
      %dma_wait3A_109 = arith.constant 0 : i32
      %dma_wait3A_110 = tpu.memref_slice %arg3[%arg0, %arg1, %dma_wait3A_108, %dma_wait3A_109] : memref<2x16x80x128xi32, #tpu.memory_space<hbm>> -> memref<1x1x40x128xi32, #tpu.memory_space<hbm>>
      %dma_wait3A_111 = tpu.memref_squeeze %dma_wait3A_110 : memref<1x1x40x128xi32, #tpu.memory_space<hbm>> -> memref<40x128xi32, #tpu.memory_space<hbm>>
      tpu.wait_dma2 semaphore(%run_scoped3A : memref<!tpu.dma_semaphore, #tpu.memory_space<semaphore_mem>>) src(%dma_wait3A_111 : memref<40x128xi32, #tpu.memory_space<hbm>>) dst(%arg8 : memref<40x128xi32, #tpu.memory_space<vmem>>)
      tpu.yield
    }) : () -> ()
    %dma_start3A_36 = arith.constant 0 : i32
    %dma_start3A_37 = arith.constant 0 : i32
    %dma_start3A_38 = tpu.memref_slice %arg7[%dma_start3A_36, %dma_start3A_37] : memref<40x128xi32, #tpu.memory_space<vmem>> -> memref<1x128xi32, #tpu.memory_space<vmem>>
    %dma_start3A_39 = tpu.memref_squeeze %dma_start3A_38 : memref<1x128xi32, #tpu.memory_space<vmem>> -> memref<128xi32, #tpu.memory_space<vmem>>
    %dma_start3A_40 = arith.constant 0 : i32
    %dma_start3A_41 = arith.constant 0 : i32
    %dma_start3A_42 = tpu.memref_slice %arg4[%dma_start3A_40, %dma_start3A_41] : memref<10240x128xf32, #tpu.memory_space<hbm>> -> memref<10240x128xf32, #tpu.memory_space<hbm>>
    tpu.enqueue_indirect_dma source(%dma_start3A_42 : memref<10240x128xf32, #tpu.memory_space<hbm>>) target(%arg9 : memref<128x128xf32, #tpu.memory_space<vmem>>) offsets(%dma_start3A_39 : memref<128xi32, #tpu.memory_space<vmem>>) semaphore(%arg12 : memref<!tpu.dma_semaphore, #tpu.memory_space<semaphore_mem>>)
    %dma_start3A_43 = arith.constant 1 : i32
    %dma_start3A_44 = arith.constant 0 : i32
    %dma_start3A_45 = tpu.memref_slice %arg7[%dma_start3A_43, %dma_start3A_44] : memref<40x128xi32, #tpu.memory_space<vmem>> -> memref<1x128xi32, #tpu.memory_space<vmem>>
    %dma_start3A_46 = tpu.memref_squeeze %dma_start3A_45 : memref<1x128xi32, #tpu.memory_space<vmem>> -> memref<128xi32, #tpu.memory_space<vmem>>
    %dma_start3A_47 = arith.constant 0 : i32
    %dma_start3A_48 = arith.constant 0 : i32
    %dma_start3A_49 = tpu.memref_slice %arg4[%dma_start3A_47, %dma_start3A_48] : memref<10240x128xf32, #tpu.memory_space<hbm>> -> memref<10240x128xf32, #tpu.memory_space<hbm>>
    tpu.enqueue_indirect_dma source(%dma_start3A_49 : memref<10240x128xf32, #tpu.memory_space<hbm>>) target(%arg10 : memref<128x128xf32, #tpu.memory_space<vmem>>) offsets(%dma_start3A_46 : memref<128xi32, #tpu.memory_space<vmem>>) semaphore(%arg12 : memref<!tpu.dma_semaphore, #tpu.memory_space<semaphore_mem>>)
    %scan3A_50 = arith.constant 0 : i32
    %scan3A_51 = arith.constant 0 : i32
    %scan3A_52 = arith.constant 20 : i32
    %scan3A_53 = arith.addi %scan3A_51, %scan3A_52 : i32
    %scan3A_54 = arith.constant 1 : i32
    scf.for %scan3A_97 = %scan3A_51 to %scan3A_53 step %scan3A_54  : i32 {
      %mul3A_98 = arith.constant 2 : i32
      %mul3A_99 = arith.muli %mul3A_98, %scan3A_97 : i32
      %add3A_100 = arith.constant 1 : i32
      %add3A_101 = arith.addi %mul3A_99, %add3A_100 : i32
      %dma_wait3A = arith.constant 0 : i32
      %dma_wait3A_102 = tpu.memref_slice %arg7[%mul3A_99, %dma_wait3A] : memref<40x128xi32, #tpu.memory_space<vmem>> -> memref<1x128xi32, #tpu.memory_space<vmem>>
      %dma_wait3A_103 = tpu.memref_squeeze %dma_wait3A_102 : memref<1x128xi32, #tpu.memory_space<vmem>> -> memref<128xi32, #tpu.memory_space<vmem>>
      %dma_wait3A_104 = arith.constant 0 : i32
      %dma_wait3A_105 = arith.constant 0 : i32
      %dma_wait3A_106 = tpu.memref_slice %arg4[%dma_wait3A_104, %dma_wait3A_105] : memref<10240x128xf32, #tpu.memory_space<hbm>> -> memref<10240x128xf32, #tpu.memory_space<hbm>>
      tpu.wait_indirect_dma semaphore(%arg12 : memref<!tpu.dma_semaphore, #tpu.memory_space<semaphore_mem>>) src(%dma_wait3A_106 : memref<10240x128xf32, #tpu.memory_space<hbm>>) dst(%arg9 : memref<128x128xf32, #tpu.memory_space<vmem>>)
      %dma_start3A_107 = arith.constant 0 : i32
      %dma_start3A_108 = tpu.memref_slice %arg8[%mul3A_99, %dma_start3A_107] : memref<40x128xi32, #tpu.memory_space<vmem>> -> memref<1x128xi32, #tpu.memory_space<vmem>>
      %dma_start3A_109 = tpu.memref_squeeze %dma_start3A_108 : memref<1x128xi32, #tpu.memory_space<vmem>> -> memref<128xi32, #tpu.memory_space<vmem>>
      %dma_start3A_110 = arith.constant 0 : i32
      %dma_start3A_111 = arith.constant 0 : i32
      %dma_start3A_112 = tpu.memref_slice %arg11[%dma_start3A_110, %dma_start3A_111] : memref<10240x128xf32, #tpu.memory_space<vmem_shared>> -> memref<10240x128xf32, #tpu.memory_space<vmem_shared>>
      tpu.enqueue_indirect_dma source(%arg9 : memref<128x128xf32, #tpu.memory_space<vmem>>) target(%dma_start3A_112 : memref<10240x128xf32, #tpu.memory_space<vmem_shared>>) offsets(%dma_start3A_109 : memref<128xi32, #tpu.memory_space<vmem>>) semaphore(%arg13 : memref<!tpu.dma_semaphore, #tpu.memory_space<semaphore_mem>>) {add = true}
      %dma_wait3A_113 = arith.constant 0 : i32
      %dma_wait3A_114 = tpu.memref_slice %arg7[%add3A_101, %dma_wait3A_113] : memref<40x128xi32, #tpu.memory_space<vmem>> -> memref<1x128xi32, #tpu.memory_space<vmem>>
      %dma_wait3A_115 = tpu.memref_squeeze %dma_wait3A_114 : memref<1x128xi32, #tpu.memory_space<vmem>> -> memref<128xi32, #tpu.memory_space<vmem>>
      %dma_wait3A_116 = arith.constant 0 : i32
      %dma_wait3A_117 = arith.constant 0 : i32
      %dma_wait3A_118 = tpu.memref_slice %arg4[%dma_wait3A_116, %dma_wait3A_117] : memref<10240x128xf32, #tpu.memory_space<hbm>> -> memref<10240x128xf32, #tpu.memory_space<hbm>>
      tpu.wait_indirect_dma semaphore(%arg12 : memref<!tpu.dma_semaphore, #tpu.memory_space<semaphore_mem>>) src(%dma_wait3A_118 : memref<10240x128xf32, #tpu.memory_space<hbm>>) dst(%arg10 : memref<128x128xf32, #tpu.memory_space<vmem>>)
      %dma_start3A_119 = arith.constant 0 : i32
      %dma_start3A_120 = tpu.memref_slice %arg8[%add3A_101, %dma_start3A_119] : memref<40x128xi32, #tpu.memory_space<vmem>> -> memref<1x128xi32, #tpu.memory_space<vmem>>
      %dma_start3A_121 = tpu.memref_squeeze %dma_start3A_120 : memref<1x128xi32, #tpu.memory_space<vmem>> -> memref<128xi32, #tpu.memory_space<vmem>>
      %dma_start3A_122 = arith.constant 0 : i32
      %dma_start3A_123 = arith.constant 0 : i32
      %dma_start3A_124 = tpu.memref_slice %arg11[%dma_start3A_122, %dma_start3A_123] : memref<10240x128xf32, #tpu.memory_space<vmem_shared>> -> memref<10240x128xf32, #tpu.memory_space<vmem_shared>>
      tpu.enqueue_indirect_dma source(%arg10 : memref<128x128xf32, #tpu.memory_space<vmem>>) target(%dma_start3A_124 : memref<10240x128xf32, #tpu.memory_space<vmem_shared>>) offsets(%dma_start3A_121 : memref<128xi32, #tpu.memory_space<vmem>>) semaphore(%arg13 : memref<!tpu.dma_semaphore, #tpu.memory_space<semaphore_mem>>) {add = true}
      %dma_wait3A_125 = arith.constant 0 : i32
      %dma_wait3A_126 = arith.constant 0 : i32
      %dma_wait3A_127 = tpu.memref_slice %arg11[%dma_wait3A_125, %dma_wait3A_126] : memref<10240x128xf32, #tpu.memory_space<vmem_shared>> -> memref<128x128xf32, #tpu.memory_space<vmem_shared>>
      %dma_wait3A_128 = arith.constant 0 : i32
      %dma_wait3A_129 = arith.constant 0 : i32
      %dma_wait3A_130 = tpu.memref_slice %arg11[%dma_wait3A_128, %dma_wait3A_129] : memref<10240x128xf32, #tpu.memory_space<vmem_shared>> -> memref<128x128xf32, #tpu.memory_space<vmem_shared>>
      tpu.wait_dma2 semaphore(%arg13 : memref<!tpu.dma_semaphore, #tpu.memory_space<semaphore_mem>>) src(%arg9 : memref<128x128xf32, #tpu.memory_space<vmem>>) dst(%dma_wait3A_130 : memref<128x128xf32, #tpu.memory_space<vmem_shared>>)
      %dma_wait3A_131 = arith.constant 0 : i32
      %dma_wait3A_132 = arith.constant 0 : i32
      %dma_wait3A_133 = tpu.memref_slice %arg11[%dma_wait3A_131, %dma_wait3A_132] : memref<10240x128xf32, #tpu.memory_space<vmem_shared>> -> memref<128x128xf32, #tpu.memory_space<vmem_shared>>
      %dma_wait3A_134 = arith.constant 0 : i32
      %dma_wait3A_135 = arith.constant 0 : i32
      %dma_wait3A_136 = tpu.memref_slice %arg11[%dma_wait3A_134, %dma_wait3A_135] : memref<10240x128xf32, #tpu.memory_space<vmem_shared>> -> memref<128x128xf32, #tpu.memory_space<vmem_shared>>
      tpu.wait_dma2 semaphore(%arg13 : memref<!tpu.dma_semaphore, #tpu.memory_space<semaphore_mem>>) src(%arg10 : memref<128x128xf32, #tpu.memory_space<vmem>>) dst(%dma_wait3A_136 : memref<128x128xf32, #tpu.memory_space<vmem_shared>>)
      %add3A_137 = arith.constant 2 : i32
      %add3A_138 = arith.addi %mul3A_99, %add3A_137 : i32
      %lt3A = arith.constant 40 : i32
      %lt3A_139 = arith.cmpi slt, %add3A_138, %lt3A : i32
      %convert_element_type3A = arith.extui %lt3A_139 : i1 to i32
      %cond3A = arith.constant 0 : i32
      %cond3A_140 = arith.cmpi ne, %convert_element_type3A, %cond3A : i32
      scf.if %cond3A_140 {
        %add3A_148 = arith.constant 2 : i32
        %add3A_149 = arith.addi %mul3A_99, %add3A_148 : i32
        %dma_start3A_150 = arith.constant 0 : i32
        %dma_start3A_151 = tpu.memref_slice %arg7[%add3A_149, %dma_start3A_150] : memref<40x128xi32, #tpu.memory_space<vmem>> -> memref<1x128xi32, #tpu.memory_space<vmem>>
        %dma_start3A_152 = tpu.memref_squeeze %dma_start3A_151 : memref<1x128xi32, #tpu.memory_space<vmem>> -> memref<128xi32, #tpu.memory_space<vmem>>
        %dma_start3A_153 = arith.constant 0 : i32
        %dma_start3A_154 = arith.constant 0 : i32
        %dma_start3A_155 = tpu.memref_slice %arg4[%dma_start3A_153, %dma_start3A_154] : memref<10240x128xf32, #tpu.memory_space<hbm>> -> memref<10240x128xf32, #tpu.memory_space<hbm>>
        tpu.enqueue_indirect_dma source(%dma_start3A_155 : memref<10240x128xf32, #tpu.memory_space<hbm>>) target(%arg9 : memref<128x128xf32, #tpu.memory_space<vmem>>) offsets(%dma_start3A_152 : memref<128xi32, #tpu.memory_space<vmem>>) semaphore(%arg12 : memref<!tpu.dma_semaphore, #tpu.memory_space<semaphore_mem>>)
      } else {
      }
      %add3A_141 = arith.constant 2 : i32
      %add3A_142 = arith.addi %add3A_101, %add3A_141 : i32
      %lt3A_143 = arith.constant 40 : i32
      %lt3A_144 = arith.cmpi slt, %add3A_142, %lt3A_143 : i32
      %convert_element_type3A_145 = arith.extui %lt3A_144 : i1 to i32
      %cond3A_146 = arith.constant 0 : i32
      %cond3A_147 = arith.cmpi ne, %convert_element_type3A_145, %cond3A_146 : i32
      scf.if %cond3A_147 {
        %add3A_148 = arith.constant 2 : i32
        %add3A_149 = arith.addi %add3A_101, %add3A_148 : i32
        %dma_start3A_150 = arith.constant 0 : i32
        %dma_start3A_151 = tpu.memref_slice %arg7[%add3A_149, %dma_start3A_150] : memref<40x128xi32, #tpu.memory_space<vmem>> -> memref<1x128xi32, #tpu.memory_space<vmem>>
        %dma_start3A_152 = tpu.memref_squeeze %dma_start3A_151 : memref<1x128xi32, #tpu.memory_space<vmem>> -> memref<128xi32, #tpu.memory_space<vmem>>
        %dma_start3A_153 = arith.constant 0 : i32
        %dma_start3A_154 = arith.constant 0 : i32
        %dma_start3A_155 = tpu.memref_slice %arg4[%dma_start3A_153, %dma_start3A_154] : memref<10240x128xf32, #tpu.memory_space<hbm>> -> memref<10240x128xf32, #tpu.memory_space<hbm>>
        tpu.enqueue_indirect_dma source(%dma_start3A_155 : memref<10240x128xf32, #tpu.memory_space<hbm>>) target(%arg10 : memref<128x128xf32, #tpu.memory_space<vmem>>) offsets(%dma_start3A_152 : memref<128xi32, #tpu.memory_space<vmem>>) semaphore(%arg12 : memref<!tpu.dma_semaphore, #tpu.memory_space<semaphore_mem>>)
      } else {
      }
    }
    %scan3A_55 = arith.constant 20 : i32
    %barrier3A_56 = arith.constant 0 : index
    tpu.barrier barrier_id(%barrier3A_56)
    %mul3A_57 = arith.constant 640 : i32
    %mul3A_58 = arith.muli %arg1, %mul3A_57 : i32
    %add3A_59 = arith.constant 0 : i32
    %add3A_60 = arith.addi %mul3A_58, %add3A_59 : i32
    "tpu.region"() ({
      %run_scoped3A = tpu.sem_alloc : memref<!tpu.dma_semaphore, #tpu.memory_space<semaphore_mem>>
      %dma_start3A_97 = arith.constant 0 : i32
      %dma_start3A_98 = tpu.memref_slice %arg11[%add3A_60, %dma_start3A_97] : memref<10240x128xf32, #tpu.memory_space<vmem_shared>> -> memref<128x128xf32, #tpu.memory_space<vmem_shared>>
      %dma_start3A_99 = arith.constant 0 : i32
      %dma_start3A_100 = tpu.memref_slice %arg11[%add3A_60, %dma_start3A_99] : memref<10240x128xf32, #tpu.memory_space<vmem_shared>> -> memref<128x128xf32, #tpu.memory_space<vmem_shared>>
      tpu.enqueue_dma source(%dma_start3A_100 : memref<128x128xf32, #tpu.memory_space<vmem_shared>>) target(%arg9 : memref<128x128xf32, #tpu.memory_space<vmem>>) target_semaphore(%run_scoped3A : memref<!tpu.dma_semaphore, #tpu.memory_space<semaphore_mem>>)
      %dma_wait3A = arith.constant 0 : i32
      %dma_wait3A_101 = tpu.memref_slice %arg11[%add3A_60, %dma_wait3A] : memref<10240x128xf32, #tpu.memory_space<vmem_shared>> -> memref<128x128xf32, #tpu.memory_space<vmem_shared>>
      %dma_wait3A_102 = arith.constant 0 : i32
      %dma_wait3A_103 = tpu.memref_slice %arg11[%add3A_60, %dma_wait3A_102] : memref<10240x128xf32, #tpu.memory_space<vmem_shared>> -> memref<128x128xf32, #tpu.memory_space<vmem_shared>>
      tpu.wait_dma2 semaphore(%run_scoped3A : memref<!tpu.dma_semaphore, #tpu.memory_space<semaphore_mem>>) src(%dma_wait3A_103 : memref<128x128xf32, #tpu.memory_space<vmem_shared>>) dst(%arg9 : memref<128x128xf32, #tpu.memory_space<vmem>>)
      tpu.yield
    }) : () -> ()
    %mul3A_61 = arith.constant 640 : i32
    %mul3A_62 = arith.muli %arg1, %mul3A_61 : i32
    %add3A_63 = arith.constant 0 : i32
    %add3A_64 = arith.addi %mul3A_62, %add3A_63 : i32
    "tpu.region"() ({
      %run_scoped3A = tpu.sem_alloc : memref<!tpu.dma_semaphore, #tpu.memory_space<semaphore_mem>>
      %dma_start3A_97 = arith.constant 0 : i32
      %dma_start3A_98 = tpu.memref_slice %arg6[%arg0, %add3A_64, %dma_start3A_97] : memref<2x10240x128xf32, #tpu.memory_space<hbm>> -> memref<1x128x128xf32, #tpu.memory_space<hbm>>
      %dma_start3A_99 = tpu.memref_squeeze %dma_start3A_98 : memref<1x128x128xf32, #tpu.memory_space<hbm>> -> memref<128x128xf32, #tpu.memory_space<hbm>>
      %dma_start3A_100 = arith.constant 0 : i32
      %dma_start3A_101 = tpu.memref_slice %arg6[%arg0, %add3A_64, %dma_start3A_100] : memref<2x10240x128xf32, #tpu.memory_space<hbm>> -> memref<1x128x128xf32, #tpu.memory_space<hbm>>
      %dma_start3A_102 = tpu.memref_squeeze %dma_start3A_101 : memref<1x128x128xf32, #tpu.memory_space<hbm>> -> memref<128x128xf32, #tpu.memory_space<hbm>>
      tpu.enqueue_dma source(%arg9 : memref<128x128xf32, #tpu.memory_space<vmem>>) target(%dma_start3A_102 : memref<128x128xf32, #tpu.memory_space<hbm>>) target_semaphore(%run_scoped3A : memref<!tpu.dma_semaphore, #tpu.memory_space<semaphore_mem>>)
      %dma_wait3A = arith.constant 0 : i32
      %dma_wait3A_103 = tpu.memref_slice %arg6[%arg0, %add3A_64, %dma_wait3A] : memref<2x10240x128xf32, #tpu.memory_space<hbm>> -> memref<1x128x128xf32, #tpu.memory_space<hbm>>
      %dma_wait3A_104 = tpu.memref_squeeze %dma_wait3A_103 : memref<1x128x128xf32, #tpu.memory_space<hbm>> -> memref<128x128xf32, #tpu.memory_space<hbm>>
      %dma_wait3A_105 = arith.constant 0 : i32
      %dma_wait3A_106 = tpu.memref_slice %arg6[%arg0, %add3A_64, %dma_wait3A_105] : memref<2x10240x128xf32, #tpu.memory_space<hbm>> -> memref<1x128x128xf32, #tpu.memory_space<hbm>>
      %dma_wait3A_107 = tpu.memref_squeeze %dma_wait3A_106 : memref<1x128x128xf32, #tpu.memory_space<hbm>> -> memref<128x128xf32, #tpu.memory_space<hbm>>
      tpu.wait_dma2 semaphore(%run_scoped3A : memref<!tpu.dma_semaphore, #tpu.memory_space<semaphore_mem>>) src(%arg9 : memref<128x128xf32, #tpu.memory_space<vmem>>) dst(%dma_wait3A_107 : memref<128x128xf32, #tpu.memory_space<hbm>>)
      tpu.yield
    }) : () -> ()
    %mul3A_65 = arith.constant 640 : i32
    %mul3A_66 = arith.muli %arg1, %mul3A_65 : i32
    %add3A_67 = arith.constant 128 : i32
    %add3A_68 = arith.addi %mul3A_66, %add3A_67 : i32
    "tpu.region"() ({
      %run_scoped3A = tpu.sem_alloc : memref<!tpu.dma_semaphore, #tpu.memory_space<semaphore_mem>>
      %dma_start3A_97 = arith.constant 0 : i32
      %dma_start3A_98 = tpu.memref_slice %arg11[%add3A_68, %dma_start3A_97] : memref<10240x128xf32, #tpu.memory_space<vmem_shared>> -> memref<128x128xf32, #tpu.memory_space<vmem_shared>>
      %dma_start3A_99 = arith.constant 0 : i32
      %dma_start3A_100 = tpu.memref_slice %arg11[%add3A_68, %dma_start3A_99] : memref<10240x128xf32, #tpu.memory_space<vmem_shared>> -> memref<128x128xf32, #tpu.memory_space<vmem_shared>>
      tpu.enqueue_dma source(%dma_start3A_100 : memref<128x128xf32, #tpu.memory_space<vmem_shared>>) target(%arg9 : memref<128x128xf32, #tpu.memory_space<vmem>>) target_semaphore(%run_scoped3A : memref<!tpu.dma_semaphore, #tpu.memory_space<semaphore_mem>>)
      %dma_wait3A = arith.constant 0 : i32
      %dma_wait3A_101 = tpu.memref_slice %arg11[%add3A_68, %dma_wait3A] : memref<10240x128xf32, #tpu.memory_space<vmem_shared>> -> memref<128x128xf32, #tpu.memory_space<vmem_shared>>
      %dma_wait3A_102 = arith.constant 0 : i32
      %dma_wait3A_103 = tpu.memref_slice %arg11[%add3A_68, %dma_wait3A_102] : memref<10240x128xf32, #tpu.memory_space<vmem_shared>> -> memref<128x128xf32, #tpu.memory_space<vmem_shared>>
      tpu.wait_dma2 semaphore(%run_scoped3A : memref<!tpu.dma_semaphore, #tpu.memory_space<semaphore_mem>>) src(%dma_wait3A_103 : memref<128x128xf32, #tpu.memory_space<vmem_shared>>) dst(%arg9 : memref<128x128xf32, #tpu.memory_space<vmem>>)
      tpu.yield
    }) : () -> ()
    %mul3A_69 = arith.constant 640 : i32
    %mul3A_70 = arith.muli %arg1, %mul3A_69 : i32
    %add3A_71 = arith.constant 128 : i32
    %add3A_72 = arith.addi %mul3A_70, %add3A_71 : i32
    "tpu.region"() ({
      %run_scoped3A = tpu.sem_alloc : memref<!tpu.dma_semaphore, #tpu.memory_space<semaphore_mem>>
      %dma_start3A_97 = arith.constant 0 : i32
      %dma_start3A_98 = tpu.memref_slice %arg6[%arg0, %add3A_72, %dma_start3A_97] : memref<2x10240x128xf32, #tpu.memory_space<hbm>> -> memref<1x128x128xf32, #tpu.memory_space<hbm>>
      %dma_start3A_99 = tpu.memref_squeeze %dma_start3A_98 : memref<1x128x128xf32, #tpu.memory_space<hbm>> -> memref<128x128xf32, #tpu.memory_space<hbm>>
      %dma_start3A_100 = arith.constant 0 : i32
      %dma_start3A_101 = tpu.memref_slice %arg6[%arg0, %add3A_72, %dma_start3A_100] : memref<2x10240x128xf32, #tpu.memory_space<hbm>> -> memref<1x128x128xf32, #tpu.memory_space<hbm>>
      %dma_start3A_102 = tpu.memref_squeeze %dma_start3A_101 : memref<1x128x128xf32, #tpu.memory_space<hbm>> -> memref<128x128xf32, #tpu.memory_space<hbm>>
      tpu.enqueue_dma source(%arg9 : memref<128x128xf32, #tpu.memory_space<vmem>>) target(%dma_start3A_102 : memref<128x128xf32, #tpu.memory_space<hbm>>) target_semaphore(%run_scoped3A : memref<!tpu.dma_semaphore, #tpu.memory_space<semaphore_mem>>)
      %dma_wait3A = arith.constant 0 : i32
      %dma_wait3A_103 = tpu.memref_slice %arg6[%arg0, %add3A_72, %dma_wait3A] : memref<2x10240x128xf32, #tpu.memory_space<hbm>> -> memref<1x128x128xf32, #tpu.memory_space<hbm>>
      %dma_wait3A_104 = tpu.memref_squeeze %dma_wait3A_103 : memref<1x128x128xf32, #tpu.memory_space<hbm>> -> memref<128x128xf32, #tpu.memory_space<hbm>>
      %dma_wait3A_105 = arith.constant 0 : i32
      %dma_wait3A_106 = tpu.memref_slice %arg6[%arg0, %add3A_72, %dma_wait3A_105] : memref<2x10240x128xf32, #tpu.memory_space<hbm>> -> memref<1x128x128xf32, #tpu.memory_space<hbm>>
      %dma_wait3A_107 = tpu.memref_squeeze %dma_wait3A_106 : memref<1x128x128xf32, #tpu.memory_space<hbm>> -> memref<128x128xf32, #tpu.memory_space<hbm>>
      tpu.wait_dma2 semaphore(%run_scoped3A : memref<!tpu.dma_semaphore, #tpu.memory_space<semaphore_mem>>) src(%arg9 : memref<128x128xf32, #tpu.memory_space<vmem>>) dst(%dma_wait3A_107 : memref<128x128xf32, #tpu.memory_space<hbm>>)
      tpu.yield
    }) : () -> ()
    %mul3A_73 = arith.constant 640 : i32
    %mul3A_74 = arith.muli %arg1, %mul3A_73 : i32
    %add3A_75 = arith.constant 256 : i32
    %add3A_76 = arith.addi %mul3A_74, %add3A_75 : i32
    "tpu.region"() ({
      %run_scoped3A = tpu.sem_alloc : memref<!tpu.dma_semaphore, #tpu.memory_space<semaphore_mem>>
      %dma_start3A_97 = arith.constant 0 : i32
      %dma_start3A_98 = tpu.memref_slice %arg11[%add3A_76, %dma_start3A_97] : memref<10240x128xf32, #tpu.memory_space<vmem_shared>> -> memref<128x128xf32, #tpu.memory_space<vmem_shared>>
      %dma_start3A_99 = arith.constant 0 : i32
      %dma_start3A_100 = tpu.memref_slice %arg11[%add3A_76, %dma_start3A_99] : memref<10240x128xf32, #tpu.memory_space<vmem_shared>> -> memref<128x128xf32, #tpu.memory_space<vmem_shared>>
      tpu.enqueue_dma source(%dma_start3A_100 : memref<128x128xf32, #tpu.memory_space<vmem_shared>>) target(%arg9 : memref<128x128xf32, #tpu.memory_space<vmem>>) target_semaphore(%run_scoped3A : memref<!tpu.dma_semaphore, #tpu.memory_space<semaphore_mem>>)
      %dma_wait3A = arith.constant 0 : i32
      %dma_wait3A_101 = tpu.memref_slice %arg11[%add3A_76, %dma_wait3A] : memref<10240x128xf32, #tpu.memory_space<vmem_shared>> -> memref<128x128xf32, #tpu.memory_space<vmem_shared>>
      %dma_wait3A_102 = arith.constant 0 : i32
      %dma_wait3A_103 = tpu.memref_slice %arg11[%add3A_76, %dma_wait3A_102] : memref<10240x128xf32, #tpu.memory_space<vmem_shared>> -> memref<128x128xf32, #tpu.memory_space<vmem_shared>>
      tpu.wait_dma2 semaphore(%run_scoped3A : memref<!tpu.dma_semaphore, #tpu.memory_space<semaphore_mem>>) src(%dma_wait3A_103 : memref<128x128xf32, #tpu.memory_space<vmem_shared>>) dst(%arg9 : memref<128x128xf32, #tpu.memory_space<vmem>>)
      tpu.yield
    }) : () -> ()
    %mul3A_77 = arith.constant 640 : i32
    %mul3A_78 = arith.muli %arg1, %mul3A_77 : i32
    %add3A_79 = arith.constant 256 : i32
    %add3A_80 = arith.addi %mul3A_78, %add3A_79 : i32
    "tpu.region"() ({
      %run_scoped3A = tpu.sem_alloc : memref<!tpu.dma_semaphore, #tpu.memory_space<semaphore_mem>>
      %dma_start3A_97 = arith.constant 0 : i32
      %dma_start3A_98 = tpu.memref_slice %arg6[%arg0, %add3A_80, %dma_start3A_97] : memref<2x10240x128xf32, #tpu.memory_space<hbm>> -> memref<1x128x128xf32, #tpu.memory_space<hbm>>
      %dma_start3A_99 = tpu.memref_squeeze %dma_start3A_98 : memref<1x128x128xf32, #tpu.memory_space<hbm>> -> memref<128x128xf32, #tpu.memory_space<hbm>>
      %dma_start3A_100 = arith.constant 0 : i32
      %dma_start3A_101 = tpu.memref_slice %arg6[%arg0, %add3A_80, %dma_start3A_100] : memref<2x10240x128xf32, #tpu.memory_space<hbm>> -> memref<1x128x128xf32, #tpu.memory_space<hbm>>
      %dma_start3A_102 = tpu.memref_squeeze %dma_start3A_101 : memref<1x128x128xf32, #tpu.memory_space<hbm>> -> memref<128x128xf32, #tpu.memory_space<hbm>>
      tpu.enqueue_dma source(%arg9 : memref<128x128xf32, #tpu.memory_space<vmem>>) target(%dma_start3A_102 : memref<128x128xf32, #tpu.memory_space<hbm>>) target_semaphore(%run_scoped3A : memref<!tpu.dma_semaphore, #tpu.memory_space<semaphore_mem>>)
      %dma_wait3A = arith.constant 0 : i32
      %dma_wait3A_103 = tpu.memref_slice %arg6[%arg0, %add3A_80, %dma_wait3A] : memref<2x10240x128xf32, #tpu.memory_space<hbm>> -> memref<1x128x128xf32, #tpu.memory_space<hbm>>
      %dma_wait3A_104 = tpu.memref_squeeze %dma_wait3A_103 : memref<1x128x128xf32, #tpu.memory_space<hbm>> -> memref<128x128xf32, #tpu.memory_space<hbm>>
      %dma_wait3A_105 = arith.constant 0 : i32
      %dma_wait3A_106 = tpu.memref_slice %arg6[%arg0, %add3A_80, %dma_wait3A_105] : memref<2x10240x128xf32, #tpu.memory_space<hbm>> -> memref<1x128x128xf32, #tpu.memory_space<hbm>>
      %dma_wait3A_107 = tpu.memref_squeeze %dma_wait3A_106 : memref<1x128x128xf32, #tpu.memory_space<hbm>> -> memref<128x128xf32, #tpu.memory_space<hbm>>
      tpu.wait_dma2 semaphore(%run_scoped3A : memref<!tpu.dma_semaphore, #tpu.memory_space<semaphore_mem>>) src(%arg9 : memref<128x128xf32, #tpu.memory_space<vmem>>) dst(%dma_wait3A_107 : memref<128x128xf32, #tpu.memory_space<hbm>>)
      tpu.yield
    }) : () -> ()
    %mul3A_81 = arith.constant 640 : i32
    %mul3A_82 = arith.muli %arg1, %mul3A_81 : i32
    %add3A_83 = arith.constant 384 : i32
    %add3A_84 = arith.addi %mul3A_82, %add3A_83 : i32
    "tpu.region"() ({
      %run_scoped3A = tpu.sem_alloc : memref<!tpu.dma_semaphore, #tpu.memory_space<semaphore_mem>>
      %dma_start3A_97 = arith.constant 0 : i32
      %dma_start3A_98 = tpu.memref_slice %arg11[%add3A_84, %dma_start3A_97] : memref<10240x128xf32, #tpu.memory_space<vmem_shared>> -> memref<128x128xf32, #tpu.memory_space<vmem_shared>>
      %dma_start3A_99 = arith.constant 0 : i32
      %dma_start3A_100 = tpu.memref_slice %arg11[%add3A_84, %dma_start3A_99] : memref<10240x128xf32, #tpu.memory_space<vmem_shared>> -> memref<128x128xf32, #tpu.memory_space<vmem_shared>>
      tpu.enqueue_dma source(%dma_start3A_100 : memref<128x128xf32, #tpu.memory_space<vmem_shared>>) target(%arg9 : memref<128x128xf32, #tpu.memory_space<vmem>>) target_semaphore(%run_scoped3A : memref<!tpu.dma_semaphore, #tpu.memory_space<semaphore_mem>>)
      %dma_wait3A = arith.constant 0 : i32
      %dma_wait3A_101 = tpu.memref_slice %arg11[%add3A_84, %dma_wait3A] : memref<10240x128xf32, #tpu.memory_space<vmem_shared>> -> memref<128x128xf32, #tpu.memory_space<vmem_shared>>
      %dma_wait3A_102 = arith.constant 0 : i32
      %dma_wait3A_103 = tpu.memref_slice %arg11[%add3A_84, %dma_wait3A_102] : memref<10240x128xf32, #tpu.memory_space<vmem_shared>> -> memref<128x128xf32, #tpu.memory_space<vmem_shared>>
      tpu.wait_dma2 semaphore(%run_scoped3A : memref<!tpu.dma_semaphore, #tpu.memory_space<semaphore_mem>>) src(%dma_wait3A_103 : memref<128x128xf32, #tpu.memory_space<vmem_shared>>) dst(%arg9 : memref<128x128xf32, #tpu.memory_space<vmem>>)
      tpu.yield
    }) : () -> ()
    %mul3A_85 = arith.constant 640 : i32
    %mul3A_86 = arith.muli %arg1, %mul3A_85 : i32
    %add3A_87 = arith.constant 384 : i32
    %add3A_88 = arith.addi %mul3A_86, %add3A_87 : i32
    "tpu.region"() ({
      %run_scoped3A = tpu.sem_alloc : memref<!tpu.dma_semaphore, #tpu.memory_space<semaphore_mem>>
      %dma_start3A_97 = arith.constant 0 : i32
      %dma_start3A_98 = tpu.memref_slice %arg6[%arg0, %add3A_88, %dma_start3A_97] : memref<2x10240x128xf32, #tpu.memory_space<hbm>> -> memref<1x128x128xf32, #tpu.memory_space<hbm>>
      %dma_start3A_99 = tpu.memref_squeeze %dma_start3A_98 : memref<1x128x128xf32, #tpu.memory_space<hbm>> -> memref<128x128xf32, #tpu.memory_space<hbm>>
      %dma_start3A_100 = arith.constant 0 : i32
      %dma_start3A_101 = tpu.memref_slice %arg6[%arg0, %add3A_88, %dma_start3A_100] : memref<2x10240x128xf32, #tpu.memory_space<hbm>> -> memref<1x128x128xf32, #tpu.memory_space<hbm>>
      %dma_start3A_102 = tpu.memref_squeeze %dma_start3A_101 : memref<1x128x128xf32, #tpu.memory_space<hbm>> -> memref<128x128xf32, #tpu.memory_space<hbm>>
      tpu.enqueue_dma source(%arg9 : memref<128x128xf32, #tpu.memory_space<vmem>>) target(%dma_start3A_102 : memref<128x128xf32, #tpu.memory_space<hbm>>) target_semaphore(%run_scoped3A : memref<!tpu.dma_semaphore, #tpu.memory_space<semaphore_mem>>)
      %dma_wait3A = arith.constant 0 : i32
      %dma_wait3A_103 = tpu.memref_slice %arg6[%arg0, %add3A_88, %dma_wait3A] : memref<2x10240x128xf32, #tpu.memory_space<hbm>> -> memref<1x128x128xf32, #tpu.memory_space<hbm>>
      %dma_wait3A_104 = tpu.memref_squeeze %dma_wait3A_103 : memref<1x128x128xf32, #tpu.memory_space<hbm>> -> memref<128x128xf32, #tpu.memory_space<hbm>>
      %dma_wait3A_105 = arith.constant 0 : i32
      %dma_wait3A_106 = tpu.memref_slice %arg6[%arg0, %add3A_88, %dma_wait3A_105] : memref<2x10240x128xf32, #tpu.memory_space<hbm>> -> memref<1x128x128xf32, #tpu.memory_space<hbm>>
      %dma_wait3A_107 = tpu.memref_squeeze %dma_wait3A_106 : memref<1x128x128xf32, #tpu.memory_space<hbm>> -> memref<128x128xf32, #tpu.memory_space<hbm>>
      tpu.wait_dma2 semaphore(%run_scoped3A : memref<!tpu.dma_semaphore, #tpu.memory_space<semaphore_mem>>) src(%arg9 : memref<128x128xf32, #tpu.memory_space<vmem>>) dst(%dma_wait3A_107 : memref<128x128xf32, #tpu.memory_space<hbm>>)
      tpu.yield
    }) : () -> ()
    %mul3A_89 = arith.constant 640 : i32
    %mul3A_90 = arith.muli %arg1, %mul3A_89 : i32
    %add3A_91 = arith.constant 512 : i32
    %add3A_92 = arith.addi %mul3A_90, %add3A_91 : i32
    "tpu.region"() ({
      %run_scoped3A = tpu.sem_alloc : memref<!tpu.dma_semaphore, #tpu.memory_space<semaphore_mem>>
      %dma_start3A_97 = arith.constant 0 : i32
      %dma_start3A_98 = tpu.memref_slice %arg11[%add3A_92, %dma_start3A_97] : memref<10240x128xf32, #tpu.memory_space<vmem_shared>> -> memref<128x128xf32, #tpu.memory_space<vmem_shared>>
      %dma_start3A_99 = arith.constant 0 : i32
      %dma_start3A_100 = tpu.memref_slice %arg11[%add3A_92, %dma_start3A_99] : memref<10240x128xf32, #tpu.memory_space<vmem_shared>> -> memref<128x128xf32, #tpu.memory_space<vmem_shared>>
      tpu.enqueue_dma source(%dma_start3A_100 : memref<128x128xf32, #tpu.memory_space<vmem_shared>>) target(%arg9 : memref<128x128xf32, #tpu.memory_space<vmem>>) target_semaphore(%run_scoped3A : memref<!tpu.dma_semaphore, #tpu.memory_space<semaphore_mem>>)
      %dma_wait3A = arith.constant 0 : i32
      %dma_wait3A_101 = tpu.memref_slice %arg11[%add3A_92, %dma_wait3A] : memref<10240x128xf32, #tpu.memory_space<vmem_shared>> -> memref<128x128xf32, #tpu.memory_space<vmem_shared>>
      %dma_wait3A_102 = arith.constant 0 : i32
      %dma_wait3A_103 = tpu.memref_slice %arg11[%add3A_92, %dma_wait3A_102] : memref<10240x128xf32, #tpu.memory_space<vmem_shared>> -> memref<128x128xf32, #tpu.memory_space<vmem_shared>>
      tpu.wait_dma2 semaphore(%run_scoped3A : memref<!tpu.dma_semaphore, #tpu.memory_space<semaphore_mem>>) src(%dma_wait3A_103 : memref<128x128xf32, #tpu.memory_space<vmem_shared>>) dst(%arg9 : memref<128x128xf32, #tpu.memory_space<vmem>>)
      tpu.yield
    }) : () -> ()
    %mul3A_93 = arith.constant 640 : i32
    %mul3A_94 = arith.muli %arg1, %mul3A_93 : i32
    %add3A_95 = arith.constant 512 : i32
    %add3A_96 = arith.addi %mul3A_94, %add3A_95 : i32
    "tpu.region"() ({
      %run_scoped3A = tpu.sem_alloc : memref<!tpu.dma_semaphore, #tpu.memory_space<semaphore_mem>>
      %dma_start3A_97 = arith.constant 0 : i32
      %dma_start3A_98 = tpu.memref_slice %arg6[%arg0, %add3A_96, %dma_start3A_97] : memref<2x10240x128xf32, #tpu.memory_space<hbm>> -> memref<1x128x128xf32, #tpu.memory_space<hbm>>
      %dma_start3A_99 = tpu.memref_squeeze %dma_start3A_98 : memref<1x128x128xf32, #tpu.memory_space<hbm>> -> memref<128x128xf32, #tpu.memory_space<hbm>>
      %dma_start3A_100 = arith.constant 0 : i32
      %dma_start3A_101 = tpu.memref_slice %arg6[%arg0, %add3A_96, %dma_start3A_100] : memref<2x10240x128xf32, #tpu.memory_space<hbm>> -> memref<1x128x128xf32, #tpu.memory_space<hbm>>
      %dma_start3A_102 = tpu.memref_squeeze %dma_start3A_101 : memref<1x128x128xf32, #tpu.memory_space<hbm>> -> memref<128x128xf32, #tpu.memory_space<hbm>>
      tpu.enqueue_dma source(%arg9 : memref<128x128xf32, #tpu.memory_space<vmem>>) target(%dma_start3A_102 : memref<128x128xf32, #tpu.memory_space<hbm>>) target_semaphore(%run_scoped3A : memref<!tpu.dma_semaphore, #tpu.memory_space<semaphore_mem>>)
      %dma_wait3A = arith.constant 0 : i32
      %dma_wait3A_103 = tpu.memref_slice %arg6[%arg0, %add3A_96, %dma_wait3A] : memref<2x10240x128xf32, #tpu.memory_space<hbm>> -> memref<1x128x128xf32, #tpu.memory_space<hbm>>
      %dma_wait3A_104 = tpu.memref_squeeze %dma_wait3A_103 : memref<1x128x128xf32, #tpu.memory_space<hbm>> -> memref<128x128xf32, #tpu.memory_space<hbm>>
      %dma_wait3A_105 = arith.constant 0 : i32
      %dma_wait3A_106 = tpu.memref_slice %arg6[%arg0, %add3A_96, %dma_wait3A_105] : memref<2x10240x128xf32, #tpu.memory_space<hbm>> -> memref<1x128x128xf32, #tpu.memory_space<hbm>>
      %dma_wait3A_107 = tpu.memref_squeeze %dma_wait3A_106 : memref<1x128x128xf32, #tpu.memory_space<hbm>> -> memref<128x128xf32, #tpu.memory_space<hbm>>
      tpu.wait_dma2 semaphore(%run_scoped3A : memref<!tpu.dma_semaphore, #tpu.memory_space<semaphore_mem>>) src(%arg9 : memref<128x128xf32, #tpu.memory_space<vmem>>) dst(%dma_wait3A_107 : memref<128x128xf32, #tpu.memory_space<hbm>>)
      tpu.yield
    }) : () -> ()
    return
  }
}

module attributes {stable_mosaic.version = 14 : i64} {
  func.func @_tc1_body(%arg0: i32, %arg1: memref<2x256x128xf32, #tpu.memory_space<vmem>>, %arg2: memref<256x128xf32, #tpu.memory_space<vmem>>, %arg3: memref<128x128xf32, #tpu.memory_space<vmem>>, %arg4: memref<256x128xf32, #tpu.memory_space<vmem>>) attributes {dimension_semantics = [#tpu.dimension_semantics<arbitrary>], iteration_bounds = array<i64: 40>, scalar_prefetch = 0 : i64, scratch_operands = 0 : i64, tpu.core_type = #tpu.core_type<tc>, window_params = [{transform_indices = @transform_0, window_bounds = array<i64: 2, 256, 128>}, {transform_indices = @transform_1, window_bounds = array<i64: 256, 128>}, {pipeline_mode = #tpu.pipeline_mode<synchronous>, transform_indices = @transform_2, window_bounds = array<i64: 128, 128>}, {transform_indices = @transform_3, window_bounds = array<i64: 256, 128>}]} {
    %get3A = arith.constant 0 : index
    %get3A_0 = arith.constant 0 : index
    %get3A_1 = arith.constant 0 : index
    %get3A_2 = vector.load %arg1[%get3A, %get3A_0, %get3A_1] : memref<2x256x128xf32, #tpu.memory_space<vmem>>, vector<1x256x1xf32>
    %get3A_3 = vector.shape_cast %get3A_2 : vector<1x256x1xf32> to vector<256x1xf32>
    %get3A_4 = arith.constant 1 : index
    %get3A_5 = arith.constant 0 : index
    %get3A_6 = arith.constant 0 : index
    %get3A_7 = vector.load %arg1[%get3A_4, %get3A_5, %get3A_6] : memref<2x256x128xf32, #tpu.memory_space<vmem>>, vector<1x256x1xf32>
    %get3A_8 = vector.shape_cast %get3A_7 : vector<1x256x1xf32> to vector<256x1xf32>
    %add3A = arith.addf %get3A_3, %get3A_8 : vector<256x1xf32>
    %add3A_9 = arith.constant 1.000000e+00 : f32
    %add3A_10 = vector.broadcast %add3A_9 : f32 to vector<256x1xf32>
    %add3A_11 = arith.addf %add3A, %add3A_10 : vector<256x1xf32>
    %rsqrt3A = math.rsqrt %add3A_11 : vector<256x1xf32>
    %get3A_12 = arith.constant 0 : index
    %get3A_13 = arith.constant 0 : index
    %get3A_14 = vector.load %arg2[%get3A_12, %get3A_13] : memref<256x128xf32, #tpu.memory_space<vmem>>, vector<256x128xf32>
    %get3A_15 = arith.constant 0 : index
    %get3A_16 = arith.constant 0 : index
    %get3A_17 = vector.load %arg3[%get3A_15, %get3A_16] : memref<128x128xf32, #tpu.memory_space<vmem>>, vector<128x128xf32>
    %dot_general3A = arith.constant dense<0.000000e+00> : vector<256x128xf32>
    %dot_general3A_18 = tpu.matmul %get3A_14, %get3A_17, %dot_general3A {dimension_numbers = #tpu.dot_dimension_numbers<[1], [0], [0], [1], [0, 0, 1, 1], [], []>, precision = #tpu.contract_precision<fp32>, transpose_lhs_hint = false} : vector<256x128xf32>, vector<128x128xf32>, vector<256x128xf32> -> vector<256x128xf32>
    %mul3A = vector.broadcast %rsqrt3A : vector<256x1xf32> to vector<256x128xf32>
    %mul3A_19 = arith.mulf %dot_general3A_18, %mul3A : vector<256x128xf32>
    %swap3A = arith.constant 0 : index
    %swap3A_20 = arith.constant 0 : index
    %swap3A_21 = vector.load %arg4[%swap3A, %swap3A_20] : memref<256x128xf32, #tpu.memory_space<vmem>>, vector<256x128xf32>
    tpu.vector_store %arg4[%swap3A, %swap3A_20], %mul3A_19 {strides = array<i32>} : memref<256x128xf32, #tpu.memory_space<vmem>>, vector<256x128xf32>,
    return
  }
  func.func @transform_0(%arg0: i32) -> (i32, i32, i32) {
    %c0_i32 = arith.constant 0 : i32
    %c0_i32_0 = arith.constant 0 : i32
    %c0_i32_1 = arith.constant 0 : i32
    return %c0_i32, %arg0, %c0_i32_0 : i32, i32, i32
  }
  func.func @transform_1(%arg0: i32) -> (i32, i32) {
    %c0_i32 = arith.constant 0 : i32
    %c0_i32_0 = arith.constant 0 : i32
    return %arg0, %c0_i32 : i32, i32
  }
  func.func @transform_2(%arg0: i32) -> (i32, i32) {
    %c0_i32 = arith.constant 0 : i32
    %c0_i32_0 = arith.constant 0 : i32
    %c0_i32_1 = arith.constant 0 : i32
    return %c0_i32, %c0_i32_0 : i32, i32
  }
  func.func @transform_3(%arg0: i32) -> (i32, i32) {
    %c0_i32 = arith.constant 0 : i32
    %c0_i32_0 = arith.constant 0 : i32
    return %arg0, %c0_i32 : i32, i32
  }
}

module attributes {stable_mosaic.version = 14 : i64} {
  func.func @_tc2_body(%arg0: i32, %arg1: memref<2x256x128xf32, #tpu.memory_space<vmem>>, %arg2: memref<2x256x128xf32, #tpu.memory_space<vmem>>, %arg3: memref<256x128xf32, #tpu.memory_space<vmem>>, %arg4: memref<1x128xf32, #tpu.memory_space<vmem>>, %arg5: memref<128x128xf32, #tpu.memory_space<vmem>>, %arg6: memref<256x128xf32, #tpu.memory_space<vmem>>) attributes {dimension_semantics = [#tpu.dimension_semantics<arbitrary>], iteration_bounds = array<i64: 40>, scalar_prefetch = 0 : i64, scratch_operands = 0 : i64, tpu.core_type = #tpu.core_type<tc>, window_params = [{transform_indices = @transform_0, window_bounds = array<i64: 2, 256, 128>}, {transform_indices = @transform_1, window_bounds = array<i64: 2, 256, 128>}, {transform_indices = @transform_2, window_bounds = array<i64: 256, 128>}, {pipeline_mode = #tpu.pipeline_mode<synchronous>, transform_indices = @transform_3, window_bounds = array<i64: 1, 128>}, {pipeline_mode = #tpu.pipeline_mode<synchronous>, transform_indices = @transform_4, window_bounds = array<i64: 128, 128>}, {transform_indices = @transform_5, window_bounds = array<i64: 256, 128>}]} {
    %get3A = arith.constant 0 : index
    %get3A_0 = arith.constant 0 : index
    %get3A_1 = arith.constant 0 : index
    %get3A_2 = vector.load %arg1[%get3A, %get3A_0, %get3A_1] : memref<2x256x128xf32, #tpu.memory_space<vmem>>, vector<1x256x1xf32>
    %get3A_3 = vector.shape_cast %get3A_2 : vector<1x256x1xf32> to vector<256x1xf32>
    %get3A_4 = arith.constant 1 : index
    %get3A_5 = arith.constant 0 : index
    %get3A_6 = arith.constant 0 : index
    %get3A_7 = vector.load %arg1[%get3A_4, %get3A_5, %get3A_6] : memref<2x256x128xf32, #tpu.memory_space<vmem>>, vector<1x256x1xf32>
    %get3A_8 = vector.shape_cast %get3A_7 : vector<1x256x1xf32> to vector<256x1xf32>
    %add3A = arith.addf %get3A_3, %get3A_8 : vector<256x1xf32>
    %add3A_9 = arith.constant 1.000000e+00 : f32
    %add3A_10 = vector.broadcast %add3A_9 : f32 to vector<256x1xf32>
    %add3A_11 = arith.addf %add3A, %add3A_10 : vector<256x1xf32>
    %rsqrt3A = math.rsqrt %add3A_11 : vector<256x1xf32>
    %get3A_12 = arith.constant 0 : index
    %get3A_13 = arith.constant 0 : index
    %get3A_14 = arith.constant 0 : index
    %get3A_15 = vector.load %arg2[%get3A_12, %get3A_13, %get3A_14] : memref<2x256x128xf32, #tpu.memory_space<vmem>>, vector<1x256x128xf32>
    %get3A_16 = vector.shape_cast %get3A_15 : vector<1x256x128xf32> to vector<256x128xf32>
    %get3A_17 = arith.constant 1 : index
    %get3A_18 = arith.constant 0 : index
    %get3A_19 = arith.constant 0 : index
    %get3A_20 = vector.load %arg2[%get3A_17, %get3A_18, %get3A_19] : memref<2x256x128xf32, #tpu.memory_space<vmem>>, vector<1x256x128xf32>
    %get3A_21 = vector.shape_cast %get3A_20 : vector<1x256x128xf32> to vector<256x128xf32>
    %add3A_22 = arith.addf %get3A_16, %get3A_21 : vector<256x128xf32>
    %get3A_23 = arith.constant 0 : index
    %get3A_24 = arith.constant 0 : index
    %get3A_25 = vector.load %arg3[%get3A_23, %get3A_24] : memref<256x128xf32, #tpu.memory_space<vmem>>, vector<256x128xf32>
    %add3A_26 = arith.addf %add3A_22, %get3A_25 : vector<256x128xf32>
    %mul3A = vector.broadcast %rsqrt3A : vector<256x1xf32> to vector<256x128xf32>
    %mul3A_27 = arith.mulf %add3A_26, %mul3A : vector<256x128xf32>
    %get3A_28 = arith.constant 0 : index
    %get3A_29 = arith.constant 0 : index
    %get3A_30 = vector.load %arg4[%get3A_28, %get3A_29] : memref<1x128xf32, #tpu.memory_space<vmem>>, vector<1x128xf32>
    %add3A_31 = vector.broadcast %get3A_30 : vector<1x128xf32> to vector<256x128xf32>
    %add3A_32 = arith.addf %mul3A_27, %add3A_31 : vector<256x128xf32>
    %max3A = arith.constant 0.000000e+00 : f32
    %max3A_33 = vector.broadcast %max3A : f32 to vector<256x128xf32>
    %max3A_34 = arith.maximumf %add3A_32, %max3A_33 : vector<256x128xf32>
    %get3A_35 = arith.constant 0 : index
    %get3A_36 = arith.constant 0 : index
    %get3A_37 = vector.load %arg5[%get3A_35, %get3A_36] : memref<128x128xf32, #tpu.memory_space<vmem>>, vector<128x128xf32>
    %dot_general3A = arith.constant dense<0.000000e+00> : vector<256x128xf32>
    %dot_general3A_38 = tpu.matmul %max3A_34, %get3A_37, %dot_general3A {dimension_numbers = #tpu.dot_dimension_numbers<[1], [0], [0], [1], [0, 0, 1, 1], [], []>, precision = #tpu.contract_precision<fp32>, transpose_lhs_hint = false} : vector<256x128xf32>, vector<128x128xf32>, vector<256x128xf32> -> vector<256x128xf32>
    %mul3A_39 = vector.broadcast %rsqrt3A : vector<256x1xf32> to vector<256x128xf32>
    %mul3A_40 = arith.mulf %dot_general3A_38, %mul3A_39 : vector<256x128xf32>
    %swap3A = arith.constant 0 : index
    %swap3A_41 = arith.constant 0 : index
    %swap3A_42 = vector.load %arg6[%swap3A, %swap3A_41] : memref<256x128xf32, #tpu.memory_space<vmem>>, vector<256x128xf32>
    tpu.vector_store %arg6[%swap3A, %swap3A_41], %mul3A_40 {strides = array<i32>} : memref<256x128xf32, #tpu.memory_space<vmem>>, vector<256x128xf32>,
    return
  }
  func.func @transform_0(%arg0: i32) -> (i32, i32, i32) {
    %c0_i32 = arith.constant 0 : i32
    %c0_i32_0 = arith.constant 0 : i32
    %c0_i32_1 = arith.constant 0 : i32
    return %c0_i32, %arg0, %c0_i32_0 : i32, i32, i32
  }
  func.func @transform_1(%arg0: i32) -> (i32, i32, i32) {
    %c0_i32 = arith.constant 0 : i32
    %c0_i32_0 = arith.constant 0 : i32
    %c0_i32_1 = arith.constant 0 : i32
    return %c0_i32, %arg0, %c0_i32_0 : i32, i32, i32
  }
  func.func @transform_2(%arg0: i32) -> (i32, i32) {
    %c0_i32 = arith.constant 0 : i32
    %c0_i32_0 = arith.constant 0 : i32
    return %arg0, %c0_i32 : i32, i32
  }
  func.func @transform_3(%arg0: i32) -> (i32, i32) {
    %c0_i32 = arith.constant 0 : i32
    %c0_i32_0 = arith.constant 0 : i32
    %c0_i32_1 = arith.constant 0 : i32
    return %c0_i32, %c0_i32_0 : i32, i32
  }
  func.func @transform_4(%arg0: i32) -> (i32, i32) {
    %c0_i32 = arith.constant 0 : i32
    %c0_i32_0 = arith.constant 0 : i32
    %c0_i32_1 = arith.constant 0 : i32
    return %c0_i32, %c0_i32_0 : i32, i32
  }
  func.func @transform_5(%arg0: i32) -> (i32, i32) {
    %c0_i32 = arith.constant 0 : i32
    %c0_i32_0 = arith.constant 0 : i32
    return %arg0, %c0_i32 : i32, i32
  }
}

module attributes {stable_mosaic.version = 14 : i64} {
  func.func @_tc3_body(%arg0: i32, %arg1: memref<2x256x128xf32, #tpu.memory_space<vmem>>, %arg2: memref<2x256x128xf32, #tpu.memory_space<vmem>>, %arg3: memref<256x128xf32, #tpu.memory_space<vmem>>, %arg4: memref<1x128xf32, #tpu.memory_space<vmem>>, %arg5: memref<128x64xf32, #tpu.memory_space<vmem>>, %arg6: memref<1x64xf32, #tpu.memory_space<vmem>>, %arg7: memref<256x64xf32, #tpu.memory_space<vmem>>, %arg8: memref<256x128xf32, #tpu.memory_space<vmem>>) attributes {dimension_semantics = [#tpu.dimension_semantics<arbitrary>], iteration_bounds = array<i64: 40>, scalar_prefetch = 0 : i64, scratch_operands = 0 : i64, tpu.core_type = #tpu.core_type<tc>, window_params = [{transform_indices = @transform_0, window_bounds = array<i64: 2, 256, 128>}, {transform_indices = @transform_1, window_bounds = array<i64: 2, 256, 128>}, {transform_indices = @transform_2, window_bounds = array<i64: 256, 128>}, {pipeline_mode = #tpu.pipeline_mode<synchronous>, transform_indices = @transform_3, window_bounds = array<i64: 1, 128>}, {pipeline_mode = #tpu.pipeline_mode<synchronous>, transform_indices = @transform_4, window_bounds = array<i64: 128, 64>}, {pipeline_mode = #tpu.pipeline_mode<synchronous>, transform_indices = @transform_5, window_bounds = array<i64: 1, 64>}, {transform_indices = @transform_6, window_bounds = array<i64: 256, 64>}, {transform_indices = @transform_7, window_bounds = array<i64: 256, 128>}]} {
    %get3A = arith.constant 0 : index
    %get3A_0 = arith.constant 0 : index
    %get3A_1 = arith.constant 0 : index
    %get3A_2 = vector.load %arg1[%get3A, %get3A_0, %get3A_1] : memref<2x256x128xf32, #tpu.memory_space<vmem>>, vector<1x256x1xf32>
    %get3A_3 = vector.shape_cast %get3A_2 : vector<1x256x1xf32> to vector<256x1xf32>
    %get3A_4 = arith.constant 1 : index
    %get3A_5 = arith.constant 0 : index
    %get3A_6 = arith.constant 0 : index
    %get3A_7 = vector.load %arg1[%get3A_4, %get3A_5, %get3A_6] : memref<2x256x128xf32, #tpu.memory_space<vmem>>, vector<1x256x1xf32>
    %get3A_8 = vector.shape_cast %get3A_7 : vector<1x256x1xf32> to vector<256x1xf32>
    %add3A = arith.addf %get3A_3, %get3A_8 : vector<256x1xf32>
    %add3A_9 = arith.constant 1.000000e+00 : f32
    %add3A_10 = vector.broadcast %add3A_9 : f32 to vector<256x1xf32>
    %add3A_11 = arith.addf %add3A, %add3A_10 : vector<256x1xf32>
    %rsqrt3A = math.rsqrt %add3A_11 : vector<256x1xf32>
    %get3A_12 = arith.constant 0 : index
    %get3A_13 = arith.constant 0 : index
    %get3A_14 = arith.constant 0 : index
    %get3A_15 = vector.load %arg2[%get3A_12, %get3A_13, %get3A_14] : memref<2x256x128xf32, #tpu.memory_space<vmem>>, vector<1x256x128xf32>
    %get3A_16 = vector.shape_cast %get3A_15 : vector<1x256x128xf32> to vector<256x128xf32>
    %get3A_17 = arith.constant 1 : index
    %get3A_18 = arith.constant 0 : index
    %get3A_19 = arith.constant 0 : index
    %get3A_20 = vector.load %arg2[%get3A_17, %get3A_18, %get3A_19] : memref<2x256x128xf32, #tpu.memory_space<vmem>>, vector<1x256x128xf32>
    %get3A_21 = vector.shape_cast %get3A_20 : vector<1x256x128xf32> to vector<256x128xf32>
    %add3A_22 = arith.addf %get3A_16, %get3A_21 : vector<256x128xf32>
    %get3A_23 = arith.constant 0 : index
    %get3A_24 = arith.constant 0 : index
    %get3A_25 = vector.load %arg3[%get3A_23, %get3A_24] : memref<256x128xf32, #tpu.memory_space<vmem>>, vector<256x128xf32>
    %add3A_26 = arith.addf %add3A_22, %get3A_25 : vector<256x128xf32>
    %mul3A = vector.broadcast %rsqrt3A : vector<256x1xf32> to vector<256x128xf32>
    %mul3A_27 = arith.mulf %add3A_26, %mul3A : vector<256x128xf32>
    %get3A_28 = arith.constant 0 : index
    %get3A_29 = arith.constant 0 : index
    %get3A_30 = vector.load %arg4[%get3A_28, %get3A_29] : memref<1x128xf32, #tpu.memory_space<vmem>>, vector<1x128xf32>
    %add3A_31 = vector.broadcast %get3A_30 : vector<1x128xf32> to vector<256x128xf32>
    %add3A_32 = arith.addf %mul3A_27, %add3A_31 : vector<256x128xf32>
    %max3A = arith.constant 0.000000e+00 : f32
    %max3A_33 = vector.broadcast %max3A : f32 to vector<256x128xf32>
    %max3A_34 = arith.maximumf %add3A_32, %max3A_33 : vector<256x128xf32>
    %swap3A = arith.constant 0 : index
    %swap3A_35 = arith.constant 0 : index
    %swap3A_36 = vector.load %arg8[%swap3A, %swap3A_35] : memref<256x128xf32, #tpu.memory_space<vmem>>, vector<256x128xf32>
    tpu.vector_store %arg8[%swap3A, %swap3A_35], %max3A_34 {strides = array<i32>} : memref<256x128xf32, #tpu.memory_space<vmem>>, vector<256x128xf32>,
    %get3A_37 = arith.constant 0 : index
    %get3A_38 = arith.constant 0 : index
    %get3A_39 = vector.load %arg5[%get3A_37, %get3A_38] : memref<128x64xf32, #tpu.memory_space<vmem>>, vector<128x64xf32>
    %dot_general3A = arith.constant dense<0.000000e+00> : vector<256x64xf32>
    %dot_general3A_40 = tpu.matmul %max3A_34, %get3A_39, %dot_general3A {dimension_numbers = #tpu.dot_dimension_numbers<[1], [0], [0], [1], [0, 0, 1, 1], [], []>, precision = #tpu.contract_precision<fp32>, transpose_lhs_hint = false} : vector<256x128xf32>, vector<128x64xf32>, vector<256x64xf32> -> vector<256x64xf32>
    %get3A_41 = arith.constant 0 : index
    %get3A_42 = arith.constant 0 : index
    %get3A_43 = vector.load %arg6[%get3A_41, %get3A_42] : memref<1x64xf32, #tpu.memory_space<vmem>>, vector<1x64xf32>
    %add3A_44 = vector.broadcast %get3A_43 : vector<1x64xf32> to vector<256x64xf32>
    %add3A_45 = arith.addf %dot_general3A_40, %add3A_44 : vector<256x64xf32>
    %reduce_max3A = arith.constant dense<0xFF800000> : vector<256xf32>
    %reduce_max3A_46 = vector.multi_reduction <maximumf>, %add3A_45, %reduce_max3A [1] : vector<256x64xf32> to vector<256xf32>
    %broadcast_in_dim3A = vector.shape_cast %reduce_max3A_46 : vector<256xf32> to vector<256x1xf32>
    %sub3A = vector.broadcast %broadcast_in_dim3A : vector<256x1xf32> to vector<256x64xf32>
    %sub3A_47 = arith.subf %add3A_45, %sub3A : vector<256x64xf32>
    %exp3A = math.exp %sub3A_47 : vector<256x64xf32>
    %reduce_sum3A = arith.constant dense<0.000000e+00> : vector<256xf32>
    %reduce_sum3A_48 = vector.multi_reduction <add>, %exp3A, %reduce_sum3A [1] : vector<256x64xf32> to vector<256xf32>
    %broadcast_in_dim3A_49 = vector.shape_cast %reduce_sum3A_48 : vector<256xf32> to vector<256x1xf32>
    %log3A = math.log %broadcast_in_dim3A_49 : vector<256x1xf32>
    %sub3A_50 = vector.broadcast %broadcast_in_dim3A : vector<256x1xf32> to vector<256x64xf32>
    %sub3A_51 = arith.subf %add3A_45, %sub3A_50 : vector<256x64xf32>
    %sub3A_52 = vector.broadcast %log3A : vector<256x1xf32> to vector<256x64xf32>
    %sub3A_53 = arith.subf %sub3A_51, %sub3A_52 : vector<256x64xf32>
    %swap3A_54 = arith.constant 0 : index
    %swap3A_55 = arith.constant 0 : index
    %swap3A_56 = vector.load %arg7[%swap3A_54, %swap3A_55] : memref<256x64xf32, #tpu.memory_space<vmem>>, vector<256x64xf32>
    tpu.vector_store %arg7[%swap3A_54, %swap3A_55], %sub3A_53 {strides = array<i32>} : memref<256x64xf32, #tpu.memory_space<vmem>>, vector<256x64xf32>,
    return
  }
  func.func @transform_0(%arg0: i32) -> (i32, i32, i32) {
    %c0_i32 = arith.constant 0 : i32
    %c0_i32_0 = arith.constant 0 : i32
    %c0_i32_1 = arith.constant 0 : i32
    return %c0_i32, %arg0, %c0_i32_0 : i32, i32, i32
  }
  func.func @transform_1(%arg0: i32) -> (i32, i32, i32) {
    %c0_i32 = arith.constant 0 : i32
    %c0_i32_0 = arith.constant 0 : i32
    %c0_i32_1 = arith.constant 0 : i32
    return %c0_i32, %arg0, %c0_i32_0 : i32, i32, i32
  }
  func.func @transform_2(%arg0: i32) -> (i32, i32) {
    %c0_i32 = arith.constant 0 : i32
    %c0_i32_0 = arith.constant 0 : i32
    return %arg0, %c0_i32 : i32, i32
  }
  func.func @transform_3(%arg0: i32) -> (i32, i32) {
    %c0_i32 = arith.constant 0 : i32
    %c0_i32_0 = arith.constant 0 : i32
    %c0_i32_1 = arith.constant 0 : i32
    return %c0_i32, %c0_i32_0 : i32, i32
  }
  func.func @transform_4(%arg0: i32) -> (i32, i32) {
    %c0_i32 = arith.constant 0 : i32
    %c0_i32_0 = arith.constant 0 : i32
    %c0_i32_1 = arith.constant 0 : i32
    return %c0_i32, %c0_i32_0 : i32, i32
  }
  func.func @transform_5(%arg0: i32) -> (i32, i32) {
    %c0_i32 = arith.constant 0 : i32
    %c0_i32_0 = arith.constant 0 : i32
    %c0_i32_1 = arith.constant 0 : i32
    return %c0_i32, %c0_i32_0 : i32, i32
  }
  func.func @transform_6(%arg0: i32) -> (i32, i32) {
    %c0_i32 = arith.constant 0 : i32
    %c0_i32_0 = arith.constant 0 : i32
    return %arg0, %c0_i32 : i32, i32
  }
  func.func @transform_7(%arg0: i32) -> (i32, i32) {
    %c0_i32 = arith.constant 0 : i32
    %c0_i32_0 = arith.constant 0 : i32
    return %arg0, %c0_i32 : i32, i32
  }
}

</mosaic_0001>

<sc_bundles>
// kernel: kernel.11.cloned.1.call-start
scs
__scs_entry_jumppad:
0x0: {  	(pc) =	sbr.rel $0x88, $3  }
0x1: {  	(tag) =	ssettag $0x0;
	lr =	simm.s32 $0x1  }
0x2: {  	[smem:$0x3F99] =	sst lr;
	_ =	strace $0xD0000000  }
0x3: {  	_ = 	snop  }
0x4: {  	_ = 	snop  }
0x5: {  	_ = 	snop  }
0x6: {  	_ = 	snop  }
0x7: {  	_ = 	snop  }
__scs_overlays_trampoline_lowered:
0x8: {  	[smem:$0x3FA8] =	sst s0  }
0x9: {  	[smem:$0x3FA9] =	sst s1  }
0xa: {  	[smem:$0x3FAA] =	sst s2  }
0xb: {  	[smem:$0x3FAB] =	sst s3  }
0xc: {  	[smem:$0x3FAC] =	sst s4  }
0xd: {  	[smem:$0x3FAD] =	sst s5  }
0xe: {  	[smem:$0x3FAE] =	sst s6  }
0xf: {  	[smem:$0x3FAF] =	sst s7  }
0x10: {  	[smem:$0x3FB0] =	sst s8  }
0x11: {  	[smem:$0x3FB1] =	sst s9;
	s0 =	simm.s32 @!p0 $0x0  }
0x12: {  	s1 =	sld [smem:$0x3F97];
	s0 =	simm.s32 @p0 $0x1  }
0x13: {  	[smem:$0x3FB2] =	sst s0;
	s0 =	simm.s32 @!p1 $0x0  }
0x14: {  	s2 =	sld [smem:$0x3F96];
	s0 =	simm.s32 @p1 $0x1  }
0x15: {  	[smem:$0x3FB3] =	sst s0;
	s0 =	simm.s32 @!p2 $0x0  }
0x16: {  	s3 =	sld [smem:$0x3FDB];
	s0 =	simm.s32 @p2 $0x1  }
0x17: {  	s4 =	simm.s32 $0x1BF5;
	[smem:$0x3FB5] =	sst s0  }
0x18: {  	s0 =	sld [smem:$0x3F98];
	_ =	swait.ge [sflag:s4], $0x0  }
0x19: {  	s7 =	sld [smem:$0x3F99]  }
0x1a: {  	s8 =	sadd.s32 $0xFFFFE003, lr  }
0x1b: {  	s9 =	sadd.s32 $0xFFFFFEF7, lr;
	s5 =	simm.s32 $0xFFFFFFFF;
	p2 =	slt.u32 s8, $0xFFFFF086  }
0x1c: {  	p1 =	slt.u32 s9, $0xF7A;
	s5 =	simm.s32 @!p2 $0x0  }
0x1d: {  	s5 =	simm.s32 @p1 $0x1;
	p0 =	seq.s32 s7, s2  }
0x1e: {  	s7 =	smul.u32 @!p0 $0xF7A, s2;
	p2 =	seq.s32 @!p0 s5, $0x0  }
0x1f: {  	s9 =	smul.u32 $0xF7A, s1;
	s8 =	simm.s32 @!p0 $0x1BF5;
	p2 =	por !p2, p0  }
0x20: {  	[sflag:s8] =	ssyncset.s32 @!p0 $0xFFFFF086;
	s6 =	sadd.s32 @!p0 s3, s7;
	s7 =	simm.s32 @!p0 $0x108  }
0x21: {  	s3 =	sadd.s32 s3, s9;
	s6 =	sadd.s32 @!p0 $0x88, s6;
	s7 =	simm.s32 @p2 $0x1082  }
0x22: {  	[simem:s7], [sflag:s8] =	dma.local @!p0 [hbm:s6], $0xF7A  }
0x23: {  	s9 =	sor.u32 $0xD0000000, s2;
	s6 =	simm.s32 $0x108;
	_ =	swait.ge @!p0 [sflag:s8], $0x0  }
0x24: {  	s3 =	sadd.s32 $0x88, s3;
	s6 =	simm.s32 @!p1 $0x1082;
	[sflag:s4] =	ssyncset.s32 $0xFFFFF086  }
0x25: {  	[simem:s6], [sflag:s4] =	dma.local [hbm:s3], $0xF7A  }
0x26: {  	[smem:$0x3F99] =	sst s1;
	(tag) =	ssettag s2;
	_ =	strace s9  }
0x27: {  	s1 =	sld [smem:$0x3FA9]  }
0x28: {  	s2 =	sld [smem:$0x3FAA]  }
0x29: {  	s4 =	sld [smem:$0x3FAC]  }
0x2a: {  	p0 =	seq.s32 s5, $0x0;
	s5 =	sld [smem:$0x3FAD]  }
0x2b: {  	s6 =	sld [smem:$0x3FAE]  }
0x2c: {  	s7 =	sld [smem:$0x3FAF]  }
0x2d: {  	s3 =	simm.s32 $0x108;
	s8 =	sld [smem:$0x3FB0]  }
0x2e: {  	s3 =	simm.s32 @!p0 $0x1082;
	s9 =	sld [smem:$0x3FB1]  }
0x2f: {  	lr =	sadd.s32 s0, s3;
	s0 =	sld [smem:$0x3FA8]  }
0x30: {  	s3 =	sld [smem:$0x3FAB]  }
0x31: {  	[smem:$0x3FB4] =	sst s10  }
0x32: {  	s10 =	sld [smem:$0x3FB2];
	_ =	sdelay $0x3  }
0x33: {  	p0 =	seq.s32 s10, $0x1;
	s10 =	sld [smem:$0x3FB4];
	_ =	sdelay $0x3  }
0x34: {  	[smem:$0x3FB4] =	sst s10  }
0x35: {  	s10 =	sld [smem:$0x3FB3];
	_ =	sdelay $0x3  }
0x36: {  	p1 =	seq.s32 s10, $0x1;
	s10 =	sld [smem:$0x3FB4];
	_ =	sdelay $0x3  }
0x37: {  	[smem:$0x3FB4] =	sst s10  }
0x38: {  	s10 =	sld [smem:$0x3FB5]  }
0x39: {  	_ = 	snop;
	(pc) =	sbr.ind lr, $3  }
0x3a: {  	_ = 	snop  }
0x3b: {  	_ = 	snop  }
0x3c: {  	p2 =	seq.s32 s10, $0x1;
	s10 =	sld [smem:$0x3FB4]  }
0x3d: {  	_ =	shalt  }
0x3e: {  	_ =	shalt  }
0x3f: {  	_ =	shalt  }
0x40: {  	_ =	shalt  }
0x41: {  	_ =	shalt  }
0x42: {  	_ =	shalt  }
0x43: {  	_ =	shalt  }
0x44: {  	_ =	shalt  }
0x45: {  	_ =	shalt  }
0x46: {  	_ =	shalt  }
0x47: {  	_ =	shalt  }
0x48: {  	_ =	shalt  }
0x49: {  	_ =	shalt  }
0x4a: {  	_ =	shalt  }
0x4b: {  	_ =	shalt  }
0x4c: {  	_ =	shalt  }
0x4d: {  	_ =	shalt  }
0x4e: {  	_ =	shalt  }
0x4f: {  	_ =	shalt  }
0x50: {  	_ =	shalt  }
0x51: {  	_ =	shalt  }
0x52: {  	_ =	shalt  }
0x53: {  	_ =	shalt  }
0x54: {  	_ =	shalt  }
0x55: {  	_ =	shalt  }
0x56: {  	_ =	shalt  }
0x57: {  	_ =	shalt  }
0x58: {  	_ =	shalt  }
0x59: {  	_ =	shalt  }
0x5a: {  	_ =	shalt  }
0x5b: {  	_ =	shalt  }
0x5c: {  	_ =	shalt  }
0x5d: {  	_ =	shalt  }
0x5e: {  	_ =	shalt  }
0x5f: {  	_ =	shalt  }
0x60: {  	_ =	shalt  }
0x61: {  	_ =	shalt  }
0x62: {  	_ =	shalt  }
0x63: {  	_ =	shalt  }
0x64: {  	_ =	shalt  }
0x65: {  	_ =	shalt  }
0x66: {  	_ =	shalt  }
0x67: {  	_ =	shalt  }
0x68: {  	_ =	shalt  }
0x69: {  	_ =	shalt  }
0x6a: {  	_ =	shalt  }
0x6b: {  	_ =	shalt  }
0x6c: {  	_ =	shalt  }
0x6d: {  	_ =	shalt  }
0x6e: {  	_ =	shalt  }
0x6f: {  	_ =	shalt  }
0x70: {  	_ =	shalt  }
0x71: {  	_ =	shalt  }
0x72: {  	_ =	shalt  }
0x73: {  	_ =	shalt  }
0x74: {  	_ =	shalt  }
0x75: {  	_ =	shalt  }
0x76: {  	_ =	shalt  }
0x77: {  	_ =	shalt  }
0x78: {  	_ =	shalt  }
0x79: {  	_ =	shalt  }
0x7a: {  	_ =	shalt  }
0x7b: {  	_ =	shalt  }
0x7c: {  	_ =	shalt  }
0x7d: {  	_ =	shalt  }
0x7e: {  	_ =	shalt  }
0x7f: {  	_ =	shalt  }
0x80: {  	_ =	shalt  }
0x81: {  	_ =	shalt  }
0x82: {  	_ =	shalt  }
0x83: {  	_ =	shalt  }
0x84: {  	_ =	shalt  }
0x85: {  	_ =	shalt  }
0x86: {  	_ =	shalt  }
0x87: {  	_ =	shalt  }
.Lfunc_end0:
.L_simem_size_0:
called_computation.1_lowered:
.L_overlay_start_0:
0x88: {  	s2 =	sld [smem:$0x3FD9]  }
0x89: {  	s3 =	sld [smem:$0x3FFE];
	_ =	sdelay $0x1  }
0x8a: {  	s1 =	srdreg.scid  }
0x8b: {  	s0 =	sand.u32 $0x1, s1  }
0x8c: {  	s14 =	sshll.u32 s0, $0xA;
	s2 =	sadd.s32 s3, s2  }
0x8d: {  	s2 =	sadd.s32 s2, s14  }
0x8e: {  	[smem:$0x3FC0] =	sst s2  }
0x8f: {  	_ = 	snop  }
0x90: {  	s2 =	sld [smem:$0x3FD0];
	_ =	sdelay $0x2  }
0x91: {  	s15 =	simm.s32 $0xA;
	s4 =	simm.s32 $0x10  }
0x92: {  	[smem:s4], [sflag:s15] =	dma.local [hbm:s2], $0x1  }
0x93: {  	_ =	swait.eq [sflag:s15], $0x1  }
0x94: {  	[sflag:s15] =	ssyncset.done $0x0  }
0x95: {  	s16 =	sld [smem:$0x10];
	[sflag:s15] =	ssyncadd.s32 $0xFFFFFFFF  }
0x96: {  	s17 =	sld [smem:$0x11];
	(tm) =	ssettm $0x1  }
0x97: {  	s18 =	sld [smem:$0x3FFB];
	_ =	sdelay $0x3  }
0x98: {  	_ =	strace s18  }
0x99: {  	s4 =	sld [smem:$0x3FFC];
	_ =	sdelay $0x3  }
0x9a: {  	_ =	strace s4  }
0x9b: {  	s4 =	sld [smem:$0x3FFD];
	_ =	sdelay $0x3  }
0x9c: {  	_ =	strace s4  }
0x9d: {  	_ =	strace $0x8FFFFFFF  }
0x9e: {  	s19 =	sld [smem:$0x3FDB];
	_ =	sdelay $0x1  }
0x9f: {  	s5 =	simm.s32 $_scs_section_size  }
0xa0: {  	s6 =	simm.s32 $_size__tile_overlayer_lowered;
	s7 =	simm.s32 $_tile_overlayer_lowered  }
0xa1: {  	s22 =	simm.s32 $0x1BFF;
	s21 =	sshll.u32 s7, $0x1;
	s4 =	sadd.s32 s5, s19  }
0xa2: {  	s8 =	simm.s32 $0x0;
	s20 =	sshll.u32 s6, $0x1;
	s6 =	sadd.s32 s21, s4  }
0xa3: {  	[timem:s8], [sflag:s22] =	dma.local [hbm:s6], s20  }
0xa4: {  	_ =	swait.ge [sflag:s22], s20  }
0xa5: {  	s5 =	ssub.s32 $0x0, s20;
	[sflag:s22] =	ssyncset.done $0x0  }
0xa6: {  	[sflag:s22] =	ssyncadd.s32 s5;
	_ =	sdelay $0x1  }
0xa7: {  	s23 =	simm.s32 $0x1B8B  }
0xa8: {  	_ =	swait.ge [sflag:s23], $0x1  }
0xa9: {  	[sflag:s23] =	ssyncset.done $0x0  }
0xaa: {  	s25 =	simm.s32 $0x1B8E;
	s24 =	sld [smem:$0x3FFE];
	[sflag:s23] =	ssyncadd.s32 $0xFFFFFFFF  }
0xab: {  	s26 =	simm.s32 $execute0_lowered;
	[smem:$0x3FD2] =	sst s25  }
0xac: {  	s6 =	sshll.u32 s26, $0x1;
	_ =	strace $0x80000049;
	[dreg:$0x1] =	wrdreg $0xFFFFFFFF  }
0xad: {  	s28 =	simm.s32 $_size_execute0_lowered;
	s4 =	sadd.s32 s4, s6;
	[dreg:$0x0] =	wrdreg $0x0  }
0xae: {  	s6 =	sshll.u32 s28, $0x1;
	[dreg:$0x2] =	wrdreg s4  }
0xaf: {  	[dreg:$0x3] =	wrdreg s6  }
0xb0: {  	[dreg:$0x4] =	wrdreg $0xC0  }
0xb1: {  	_ =	task [dreg:s8], $0x5FFFF  }
0xb2: {  	[dreg:$0x1] =	wrdreg $0xFFFFFFFF  }
0xb3: {  	[dreg:$0x0] =	wrdreg $0x60  }
0xb4: {  	[dreg:$0x2] =	wrdreg s17  }
0xb5: {  	[dreg:$0x3] =	wrdreg s16  }
0xb6: {  	[dreg:$0x4] =	wrdreg s24  }
0xb7: {  	[dreg:$0x5] =	wrdreg $0xA8000  }
0xb8: {  	[dreg:$0x6] =	wrdreg $0x9  }
0xb9: {  	_ =	task.clear_ibuf [dreg:s8], $0x7FFFF;
	_ =	strace $0x90000049  }
0xba: {  	s29 =	simm.s32 $0x9;
	_ =	strace $0x8000004B  }
0xbb: {  	_ =	swait.ge [sflag:s29], $0x1  }
0xbc: {  	[sflag:s29] =	ssyncadd.s32 $0xFFFFFFFF  }
0xbd: {  	_ =	strace $0x9000004B  }
0xbe: {  	_ =	sfence  }
0xbf: {  	s30 =	sld [smem:$0x0];
	_ =	sdelay $0x2  }
0xc0: {  	s31 =	sshll.u32 s1, $0xD;
	s1 =	sshrl.u32 s1, $0x2  }
0xc1: {  	s3 =	sand.u32 $0x4000, s31;
	s1 =	sadd.s32 s1, s30  }
0xc2: {  	s0 =	sor.u32 s3, s0;
	s1 =	sshll.u32 s1, $0x11  }
0xc3: {  	s0 =	sor.u32 s1, s0  }
0xc4: {  	s0 =	sadd.s32 $0x8F2B, s0  }
0xc5: {  	[sflag:s0] =	ssyncadd.remote.s32 $0x1  }
0xc6: {  	_ =	sfence.sel $0xFFFF  }
0xc7: {  	[dreg:$0x0] =	wrdreg $0xFFFFFFFF;
	(pc) =	sbr.abs _section_cstart, $3  }
0xc8: {  	[dreg:$0x1] =	wrdreg $0xFFFFFFFF  }
0xc9: {  	_ =	task.clear_ibuf [dreg:s8], $0x2FFFF;
	_ =	strace $0x9FFFFFFF  }
0xca: {  	(tm) =	ssettm $0x7FFFFFFF  }
0xcb: {  	_ =	shalt  }
tec
execute0_lowered:
.L_overlay_start_1:
0x0: {  	(tag) =	ssettag $0x1  }
0x1: {  	s0 =	rddreg [dreg:$0x0]  }
0x2: {  	s2 =	rddreg [dreg:$0x1]  }
0x3: {  	s6 =	rddreg [dreg:$0x2]  }
0x4: {  	s1 =	rddreg [dreg:$0x3];
	s3 =	simm.s32 $0x0  }
0x5: {  	s4 =	srdreg.scid;
	s5 =	stileid.u32;
	s28 =	simm.s32 $0x2  }
0x6: {  	s29 =	simm.s32 $0x2700;
	s30 =	simm.s32 $0x2780;
	s31 =	simm.s32 $0x0  }
0x7: {  	[smem:$0x7FF] =	sst s3;
	s9 =	sand.u32 $0x1, s4;
	s8 =	smul.u32 $0x50000, s5  }
0x8: {  	s4 =	sadd.s32 $0x53400, s6;
	s10 =	sadd.s32 $0x2400, s6;
	s13 =	smul.u32 $0x14000, s5  }
0x9: {  	s19 =	sadd.s32 $0x7B400, s6;
	s11 =	smul.u32 $0x2800, s5;
	_ =	strace $0x8000004A  }
0xa: {  	s7 =	ssub.s32 $0x2, s9;
	[dreg:$0x5] =	wrdreg s10;
	s24 =	smul.u32 $0x28000, s9  }
0xb: {  	s22 =	smul.u32 $0x140000, s9;
	s23 =	sshrl.u32 s7, $0x1;
	s25 =	sshrl.u32 s8, $0x2  }
0xc: {  	s14 =	sadd.s32 $0x4000, s13;
	s17 =	sadd.s32 $0x8000, s13;
	s18 =	sadd.s32 $0xC000, s13  }
0xd: {  	s21 =	sadd.s32 $0x10000, s13;
	s20 =	ssub.s32 s7, s23;
	s6 =	sadd.s32 s25, s1  }
0xe: {  	s7 =	sadd.s32 s14, s1;
	s8 =	sadd.s32 s17, s1;
	s10 =	sadd.s32 s11, s24  }
0xf: {  	s9 =	sadd.s32 s18, s1;
	s16 =	sadd.s32 s13, s22;
	s5 =	sadd.s32 s22, s14  }
0x10: {  	s24 =	sadd.s32 s22, s17;
	s25 =	sadd.s32 s22, s18;
	s15 =	sshrl.u32 s10, $0x3  }
0x11: {  	s10 =	sadd.s32 s21, s1;
	s26 =	sshrl.u32 s16, $0x3;
	s23 =	sshrl.u32 s5, $0x3  }
0x12: {  	s21 =	sadd.s32 s22, s21;
	s20 =	smax.u32 s20, $0x1;
	s22 =	simm.s32 $0x3  }
0x13: {  	s11 =	sadd.s32 s0, s15;
	s12 =	sadd.s32 s2, s15;
	s15 =	sadd.s32 $0x280, s15  }
0x14: {  	s16 =	sadd.s32 s19, s23;
	s23 =	simm.s32 $0x1400;
	s13 =	sadd.s32 s0, s15  }
0x15: {  	s14 =	sadd.s32 s2, s15;
	s15 =	sadd.s32 s19, s26;
	s0 =	sshrl.u32 s24, $0x3  }
0x16: {  	s2 =	sshrl.u32 s25, $0x3;
	s26 =	sshrl.u32 s21, $0x3;
	s21 =	simm.s32 $0x2800  }
0x17: {  	s24 =	simm.s32 $0x80;
	s25 =	simm.s32 $0x6800;
	s17 =	sadd.s32 s19, s0  }
0x18: {  	s18 =	sadd.s32 s19, s2;
	s19 =	sadd.s32 s19, s26;
	s26 =	simm.s32 $0x1  }
.LBB2_1:
0x19: {  	s0 =	rddreg [dreg:$0x5]  }
0x1a: {  	[tilespmem:s21], [sflag:$0x3] =	stream.linear.gather [hbm4b:s0+s3], $0x4000, $0x38;
	[tilespmem:$0x1E800] =	vst v63  }
0x1b: {  	_ =	swait.ge [sflag:s22], $0x4000  }
0x1c: {  	[sflag:s22] =	ssyncset.done $0x0  }
0x1d: {  	[sflag:s22] =	ssyncadd.s32 $0xFFFFC000  }
0x1e: {  	[spmem:s6] =	stream.linear.scatter [tilespmem:s21], [sflag:$0x3], $0x4000, $0x38;
	[tilespmem:$0x1E800] =	vst v63  }
0x1f: {  	_ =	swait.ge [sflag:s22], $0x4000  }
0x20: {  	[sflag:s22] =	ssyncset.done $0x0  }
0x21: {  	[sflag:s22] =	ssyncadd.s32 $0xFFFFC000  }
0x22: {  	[spmem:s7] =	stream.linear.scatter [tilespmem:s21], [sflag:$0x3], $0x4000, $0x38;
	[tilespmem:$0x1E800] =	vst v63  }
0x23: {  	_ =	swait.ge [sflag:s22], $0x4000  }
0x24: {  	[sflag:s22] =	ssyncset.done $0x0  }
0x25: {  	[sflag:s22] =	ssyncadd.s32 $0xFFFFC000  }
0x26: {  	[spmem:s8] =	stream.linear.scatter [tilespmem:s21], [sflag:$0x3], $0x4000, $0x38;
	[tilespmem:$0x1E800] =	vst v63  }
0x27: {  	_ =	swait.ge [sflag:s22], $0x4000  }
0x28: {  	[sflag:s22] =	ssyncset.done $0x0  }
0x29: {  	[sflag:s22] =	ssyncadd.s32 $0xFFFFC000  }
0x2a: {  	[spmem:s9] =	stream.linear.scatter [tilespmem:s21], [sflag:$0x3], $0x4000, $0x38;
	[tilespmem:$0x1E800] =	vst v63  }
0x2b: {  	_ =	swait.ge [sflag:s22], $0x4000  }
0x2c: {  	[sflag:s22] =	ssyncset.done $0x0  }
0x2d: {  	[sflag:s22] =	ssyncadd.s32 $0xFFFFC000  }
0x2e: {  	[spmem:s10] =	stream.linear.scatter [tilespmem:s21], [sflag:$0x3], $0x4000, $0x38;
	[tilespmem:$0x1E800] =	vst v63  }
0x2f: {  	_ =	swait.ge [sflag:s22], $0x4000  }
0x30: {  	[sflag:s22] =	ssyncset.done $0x0  }
0x31: {  	[sflag:s22] =	ssyncadd.s32 $0xFFFFC000  }
0x32: {  	[bflag:$0x0] =	sbarrier.arrive $0xFFFF  }
0x33: {  	[tilespmem:s3], [sflag:$0x3] =	stream.linear.gather [hbm4b:s11+s3], $0x1400, $0x38;
	[tilespmem:$0x1E800] =	vst v63  }
0x34: {  	_ =	swait.ge [sflag:s22], $0x1400  }
0x35: {  	[sflag:s22] =	ssyncset.done $0x0  }
0x36: {  	[sflag:s22] =	ssyncadd.s32 $0xFFFFEC00  }
0x37: {  	[tilespmem:s23], [sflag:$0x3] =	stream.linear.gather [hbm4b:s12+s3], $0x1400, $0x38;
	[tilespmem:$0x1E800] =	vst v63  }
0x38: {  	_ =	swait.ge [sflag:s22], $0x1400  }
0x39: {  	[sflag:s22] =	ssyncset.done $0x0  }
0x3a: {  	[sflag:s22] =	ssyncadd.s32 $0xFFFFEC00  }
0x3b: {  	[tilespmem:s21], [sflag:$0x1] =	stream.indirect.gather [hbm4b:s4+s24], $0x80, s3, s24, $0xb8;
	[tilespmem:$0x1E800] =	vst v63  }
0x3c: {  	_ = 	snop  }
0x3d: {  	[tilespmem:s25], [sflag:$0x1] =	stream.indirect.gather [hbm4b:s4+s24], $0x80, s24, s24, $0xb8;
	[tilespmem:$0x1E800] =	vst v63  }
0x3e: {  	_ =	swait.ge [sflag:s26], $0x4000  }
0x3f: {  	[sflag:s26] =	ssyncset.done $0x0  }
0x40: {  	s5 =	simm.s32 $0x1400;
	[sflag:s26] =	ssyncadd.s32 $0xFFFFC000  }
0x41: {  	[spmem:s1] =	stream.indirect.scatter.add.f32 [tilespmem:s21], [sflag:$0x2], $0x80, s5, s24, $0xb8;
	[tilespmem:$0x1E800] =	vst v63  }
0x42: {  	_ =	swait.ge [sflag:s26], $0x4000  }
0x43: {  	[sflag:s26] =	ssyncset.done $0x0  }
0x44: {  	s2 =	simm.s32 $0x1480;
	[sflag:s26] =	ssyncadd.s32 $0xFFFFC000  }
0x45: {  	[spmem:s1] =	stream.indirect.scatter.add.f32 [tilespmem:s25], [sflag:$0x2], $0x80, s2, s24, $0xb8;
	[tilespmem:$0x1E800] =	vst v63  }
0x46: {  	_ =	swait.ge [sflag:s28], $0x4000  }
0x47: {  	[sflag:s28] =	ssyncset.done $0x0  }
0x48: {  	[sflag:s28] =	ssyncadd.s32 $0xFFFFC000  }
0x49: {  	_ =	swait.ge [sflag:s28], $0x4000  }
0x4a: {  	s0 =	simm.s32 $0x400;
	[sflag:s28] =	ssyncset.done $0x0  }
0x4b: {  	s5 =	simm.s32 $0x100;
	s2 =	simm.s32 $0x180;
	[sflag:s28] =	ssyncadd.s32 $0xFFFFC000  }
0x4c: {  	[tilespmem:s21], [sflag:$0x1] =	stream.indirect.gather [hbm4b:s4+s24], $0x80, s5, s24, $0xb8;
	[tilespmem:$0x1E800] =	vst v63  }
.LBB2_2:
0x4d: {  	[tilespmem:s25], [sflag:$0x1] =	stream.indirect.gather [hbm4b:s4+s24], $0x80, s2, s24, $0xb8;
	[tilespmem:$0x1E800] =	vst v63  }
0x4e: {  	s2 =	smov.u32 s0  }
0x4f: {  	p0 =	sne.s32 s0, $0x4800;
	s0 =	sadd.s32 $0x400, s0;
	_ =	swait.ge [sflag:s26], $0x4000  }
0x50: {  	s2 =	sshra.s32 s2, $0x2;
	[sflag:s26] =	ssyncset.done $0x0  }
0x51: {  	s5 =	sadd.s32 $0x1400, s2;
	[sflag:s26] =	ssyncadd.s32 $0xFFFFC000  }
0x52: {  	[spmem:s1] =	stream.indirect.scatter.add.f32 [tilespmem:s21], [sflag:$0x2], $0x80, s5, s24, $0xb8;
	[tilespmem:$0x1E800] =	vst v63  }
0x53: {  	_ =	swait.ge [sflag:s26], $0x4000  }
0x54: {  	[sflag:s26] =	ssyncset.done $0x0  }
0x55: {  	s5 =	sadd.s32 $0x1480, s2;
	[sflag:s26] =	ssyncadd.s32 $0xFFFFC000  }
0x56: {  	[spmem:s1] =	stream.indirect.scatter.add.f32 [tilespmem:s25], [sflag:$0x2], $0x80, s5, s24, $0xb8;
	[tilespmem:$0x1E800] =	vst v63  }
0x57: {  	_ =	swait.ge [sflag:s28], $0x4000  }
0x58: {  	[sflag:s28] =	ssyncset.done $0x0  }
0x59: {  	[sflag:s28] =	ssyncadd.s32 $0xFFFFC000  }
.Ltmp0:
0x5a: {  	_ =	swait.ge [sflag:s28], $0x4000;
	(pc) =	sbr.rel @p0 .LBB2_2-.Ltmp0, $4  }
0x5b: {  	[sflag:s28] =	ssyncset.done $0x0  }
0x5c: {  	s5 =	sadd.s32 $0x100, s2;
	[sflag:s28] =	ssyncadd.s32 $0xFFFFC000  }
0x5d: {  	[tilespmem:s21], [sflag:$0x1] =	stream.indirect.gather [hbm4b:s4+s24], $0x80, s5, s24, $0xb8;
	[tilespmem:$0x1E800] =	vst v63  }
0x5e: {  	s2 =	sadd.s32 $0x180, s2  }
0x5f: {  	[tilespmem:s25], [sflag:$0x1] =	stream.indirect.gather [hbm4b:s4+s24], $0x80, s2, s24, $0xb8;
	[tilespmem:$0x1E800] =	vst v63  }
0x60: {  	_ =	swait.ge [sflag:s26], $0x4000  }
0x61: {  	[sflag:s26] =	ssyncset.done $0x0  }
0x62: {  	[sflag:s26] =	ssyncadd.s32 $0xFFFFC000  }
0x63: {  	[spmem:s1] =	stream.indirect.scatter.add.f32 [tilespmem:s21], [sflag:$0x2], $0x80, s29, s24, $0xb8;
	[tilespmem:$0x1E800] =	vst v63  }
0x64: {  	_ =	swait.ge [sflag:s26], $0x4000  }
0x65: {  	[sflag:s26] =	ssyncset.done $0x0  }
0x66: {  	[sflag:s26] =	ssyncadd.s32 $0xFFFFC000  }
0x67: {  	[spmem:s1] =	stream.indirect.scatter.add.f32 [tilespmem:s25], [sflag:$0x2], $0x80, s30, s24, $0xb8;
	[tilespmem:$0x1E800] =	vst v63  }
0x68: {  	_ =	swait.ge [sflag:s28], $0x4000  }
0x69: {  	[sflag:s28] =	ssyncset.done $0x0  }
0x6a: {  	[sflag:s28] =	ssyncadd.s32 $0xFFFFC000  }
0x6b: {  	_ =	swait.ge [sflag:s28], $0x4000  }
0x6c: {  	[sflag:s28] =	ssyncset.done $0x0  }
0x6d: {  	s0 =	simm.s32 $0x0;
	[sflag:s28] =	ssyncadd.s32 $0xFFFFC000  }
0x6e: {  	[tilespmem:s0], [sflag:$0x3] =	stream.linear.gather [hbm4b:s13+s0], $0x1400, $0x38;
	[tilespmem:$0x1E800] =	vst v63  }
0x6f: {  	_ =	swait.ge [sflag:s22], $0x1400  }
0x70: {  	[sflag:s22] =	ssyncset.done $0x0  }
0x71: {  	[sflag:s22] =	ssyncadd.s32 $0xFFFFEC00  }
0x72: {  	[tilespmem:s23], [sflag:$0x3] =	stream.linear.gather [hbm4b:s14+s0], $0x1400, $0x38;
	[tilespmem:$0x1E800] =	vst v63  }
0x73: {  	_ =	swait.ge [sflag:s22], $0x1400  }
0x74: {  	[sflag:s22] =	ssyncset.done $0x0  }
0x75: {  	[sflag:s22] =	ssyncadd.s32 $0xFFFFEC00  }
0x76: {  	[tilespmem:s21], [sflag:$0x1] =	stream.indirect.gather [hbm4b:s4+s24], $0x80, s0, s24, $0xb8;
	[tilespmem:$0x1E800] =	vst v63  }
0x77: {  	_ = 	snop  }
0x78: {  	[tilespmem:s25], [sflag:$0x1] =	stream.indirect.gather [hbm4b:s4+s24], $0x80, s24, s24, $0xb8;
	[tilespmem:$0x1E800] =	vst v63  }
0x79: {  	_ =	swait.ge [sflag:s26], $0x4000  }
0x7a: {  	[sflag:s26] =	ssyncset.done $0x0  }
0x7b: {  	s5 =	simm.s32 $0x1400;
	[sflag:s26] =	ssyncadd.s32 $0xFFFFC000  }
0x7c: {  	[spmem:s1] =	stream.indirect.scatter.add.f32 [tilespmem:s21], [sflag:$0x2], $0x80, s5, s24, $0xb8;
	[tilespmem:$0x1E800] =	vst v63  }
0x7d: {  	_ =	swait.ge [sflag:s26], $0x4000  }
0x7e: {  	[sflag:s26] =	ssyncset.done $0x0  }
0x7f: {  	s2 =	simm.s32 $0x1480;
	[sflag:s26] =	ssyncadd.s32 $0xFFFFC000  }
0x80: {  	[spmem:s1] =	stream.indirect.scatter.add.f32 [tilespmem:s25], [sflag:$0x2], $0x80, s2, s24, $0xb8;
	[tilespmem:$0x1E800] =	vst v63  }
0x81: {  	_ =	swait.ge [sflag:s28], $0x4000  }
0x82: {  	[sflag:s28] =	ssyncset.done $0x0  }
0x83: {  	[sflag:s28] =	ssyncadd.s32 $0xFFFFC000  }
0x84: {  	_ =	swait.ge [sflag:s28], $0x4000  }
0x85: {  	s0 =	simm.s32 $0x400;
	[sflag:s28] =	ssyncset.done $0x0  }
0x86: {  	s5 =	simm.s32 $0x100;
	s2 =	simm.s32 $0x180;
	[sflag:s28] =	ssyncadd.s32 $0xFFFFC000  }
0x87: {  	[tilespmem:s21], [sflag:$0x1] =	stream.indirect.gather [hbm4b:s4+s24], $0x80, s5, s24, $0xb8;
	[tilespmem:$0x1E800] =	vst v63  }
.LBB2_4:
0x88: {  	[tilespmem:s25], [sflag:$0x1] =	stream.indirect.gather [hbm4b:s4+s24], $0x80, s2, s24, $0xb8;
	[tilespmem:$0x1E800] =	vst v63  }
0x89: {  	s2 =	smov.u32 s0  }
0x8a: {  	p0 =	sne.s32 s0, $0x4800;
	s0 =	sadd.s32 $0x400, s0;
	_ =	swait.ge [sflag:s26], $0x4000  }
0x8b: {  	s2 =	sshra.s32 s2, $0x2;
	[sflag:s26] =	ssyncset.done $0x0  }
0x8c: {  	s5 =	sadd.s32 $0x1400, s2;
	[sflag:s26] =	ssyncadd.s32 $0xFFFFC000  }
0x8d: {  	[spmem:s1] =	stream.indirect.scatter.add.f32 [tilespmem:s21], [sflag:$0x2], $0x80, s5, s24, $0xb8;
	[tilespmem:$0x1E800] =	vst v63  }
0x8e: {  	_ =	swait.ge [sflag:s26], $0x4000  }
0x8f: {  	[sflag:s26] =	ssyncset.done $0x0  }
0x90: {  	s5 =	sadd.s32 $0x1480, s2;
	[sflag:s26] =	ssyncadd.s32 $0xFFFFC000  }
0x91: {  	[spmem:s1] =	stream.indirect.scatter.add.f32 [tilespmem:s25], [sflag:$0x2], $0x80, s5, s24, $0xb8;
	[tilespmem:$0x1E800] =	vst v63  }
0x92: {  	_ =	swait.ge [sflag:s28], $0x4000  }
0x93: {  	[sflag:s28] =	ssyncset.done $0x0  }
0x94: {  	[sflag:s28] =	ssyncadd.s32 $0xFFFFC000  }
.Ltmp1:
0x95: {  	_ =	swait.ge [sflag:s28], $0x4000;
	(pc) =	sbr.rel @p0 .LBB2_4-.Ltmp1, $4  }
0x96: {  	[sflag:s28] =	ssyncset.done $0x0  }
0x97: {  	s5 =	sadd.s32 $0x100, s2;
	[sflag:s28] =	ssyncadd.s32 $0xFFFFC000  }
0x98: {  	[tilespmem:s21], [sflag:$0x1] =	stream.indirect.gather [hbm4b:s4+s24], $0x80, s5, s24, $0xb8;
	[tilespmem:$0x1E800] =	vst v63  }
0x99: {  	s2 =	sadd.s32 $0x180, s2  }
0x9a: {  	[tilespmem:s25], [sflag:$0x1] =	stream.indirect.gather [hbm4b:s4+s24], $0x80, s2, s24, $0xb8;
	[tilespmem:$0x1E800] =	vst v63  }
0x9b: {  	_ =	swait.ge [sflag:s26], $0x4000  }
0x9c: {  	[sflag:s26] =	ssyncset.done $0x0  }
0x9d: {  	[sflag:s26] =	ssyncadd.s32 $0xFFFFC000  }
0x9e: {  	[spmem:s1] =	stream.indirect.scatter.add.f32 [tilespmem:s21], [sflag:$0x2], $0x80, s29, s24, $0xb8;
	[tilespmem:$0x1E800] =	vst v63  }
0x9f: {  	_ =	swait.ge [sflag:s26], $0x4000  }
0xa0: {  	[sflag:s26] =	ssyncset.done $0x0  }
0xa1: {  	[sflag:s26] =	ssyncadd.s32 $0xFFFFC000  }
0xa2: {  	[spmem:s1] =	stream.indirect.scatter.add.f32 [tilespmem:s25], [sflag:$0x2], $0x80, s30, s24, $0xb8;
	[tilespmem:$0x1E800] =	vst v63  }
0xa3: {  	_ =	swait.ge [sflag:s28], $0x4000  }
0xa4: {  	[sflag:s28] =	ssyncset.done $0x0  }
0xa5: {  	[sflag:s28] =	ssyncadd.s32 $0xFFFFC000  }
0xa6: {  	_ =	swait.ge [sflag:s28], $0x4000  }
0xa7: {  	[sflag:s28] =	ssyncset.done $0x0  }
0xa8: {  	[sflag:s28] =	ssyncadd.s32 $0xFFFFC000  }
0xa9: {  	[bflag:$0x0] =	sbarrier.arrive $0xFFFF  }
0xaa: {  	[tilespmem:s21], [sflag:$0x3] =	stream.linear.gather [spmem:s6], $0x4000, $0x38;
	[tilespmem:$0x1E800] =	vst v63  }
0xab: {  	_ =	swait.ge [sflag:s22], $0x4000  }
0xac: {  	[sflag:s22] =	ssyncset.done $0x0  }
0xad: {  	[sflag:s22] =	ssyncadd.s32 $0xFFFFC000  }
0xae: {  	[hbm4b:s15+s3] =	stream.linear.scatter [tilespmem:s21], [sflag:$0x3], $0x4000, $0x38;
	[tilespmem:$0x1E800] =	vst v63  }
0xaf: {  	_ =	swait.ge [sflag:s22], $0x4000  }
0xb0: {  	[sflag:s22] =	ssyncset.done $0x0  }
0xb1: {  	[sflag:s22] =	ssyncadd.s32 $0xFFFFC000  }
0xb2: {  	[tilespmem:s21], [sflag:$0x3] =	stream.linear.gather [spmem:s7], $0x4000, $0x38;
	[tilespmem:$0x1E800] =	vst v63  }
0xb3: {  	_ =	swait.ge [sflag:s22], $0x4000  }
0xb4: {  	[sflag:s22] =	ssyncset.done $0x0  }
0xb5: {  	[sflag:s22] =	ssyncadd.s32 $0xFFFFC000  }
0xb6: {  	[hbm4b:s16+s3] =	stream.linear.scatter [tilespmem:s21], [sflag:$0x3], $0x4000, $0x38;
	[tilespmem:$0x1E800] =	vst v63  }
0xb7: {  	_ =	swait.ge [sflag:s22], $0x4000  }
0xb8: {  	[sflag:s22] =	ssyncset.done $0x0  }
0xb9: {  	[sflag:s22] =	ssyncadd.s32 $0xFFFFC000  }
0xba: {  	[tilespmem:s21], [sflag:$0x3] =	stream.linear.gather [spmem:s8], $0x4000, $0x38;
	[tilespmem:$0x1E800] =	vst v63  }
0xbb: {  	_ =	swait.ge [sflag:s22], $0x4000  }
0xbc: {  	[sflag:s22] =	ssyncset.done $0x0  }
0xbd: {  	[sflag:s22] =	ssyncadd.s32 $0xFFFFC000  }
0xbe: {  	[hbm4b:s17+s3] =	stream.linear.scatter [tilespmem:s21], [sflag:$0x3], $0x4000, $0x38;
	[tilespmem:$0x1E800] =	vst v63  }
0xbf: {  	_ =	swait.ge [sflag:s22], $0x4000  }
0xc0: {  	[sflag:s22] =	ssyncset.done $0x0  }
0xc1: {  	[sflag:s22] =	ssyncadd.s32 $0xFFFFC000  }
0xc2: {  	[tilespmem:s21], [sflag:$0x3] =	stream.linear.gather [spmem:s9], $0x4000, $0x38;
	[tilespmem:$0x1E800] =	vst v63  }
0xc3: {  	_ =	swait.ge [sflag:s22], $0x4000  }
0xc4: {  	[sflag:s22] =	ssyncset.done $0x0  }
0xc5: {  	[sflag:s22] =	ssyncadd.s32 $0xFFFFC000  }
0xc6: {  	[hbm4b:s18+s3] =	stream.linear.scatter [tilespmem:s21], [sflag:$0x3], $0x4000, $0x38;
	[tilespmem:$0x1E800] =	vst v63  }
0xc7: {  	_ =	swait.ge [sflag:s22], $0x4000  }
0xc8: {  	[sflag:s22] =	ssyncset.done $0x0  }
0xc9: {  	[sflag:s22] =	ssyncadd.s32 $0xFFFFC000  }
0xca: {  	[tilespmem:s21], [sflag:$0x3] =	stream.linear.gather [spmem:s10], $0x4000, $0x38;
	[tilespmem:$0x1E800] =	vst v63  }
0xcb: {  	s31 =	sadd.s32 $0x1, s31;
	_ =	swait.ge [sflag:s22], $0x4000  }
0xcc: {  	p0 =	sne.s32 s31, s20;
	[sflag:s22] =	ssyncset.done $0x0  }
.Ltmp2:
0xcd: {  	[sflag:s22] =	ssyncadd.s32 $0xFFFFC000;
	(pc) =	sbr.rel @p0 .LBB2_1-.Ltmp2, $4  }
0xce: {  	[hbm4b:s19+s3] =	stream.linear.scatter [tilespmem:s21], [sflag:$0x3], $0x4000, $0x38;
	[tilespmem:$0x1E800] =	vst v63  }
0xcf: {  	_ =	swait.ge [sflag:s22], $0x4000  }
0xd0: {  	[sflag:s22] =	ssyncset.done $0x0  }
0xd1: {  	[sflag:s22] =	ssyncadd.s32 $0xFFFFC000  }
0xd2: {  	_ =	sfence.sel $0x180000  }
0xd3: {  	[bflag:$0x0] =	sbarrier.arrive $0xFFFF  }
0xd4: {  	_ =	strace $0x9000004A  }
0xd5: {  	s0 =	stileid.u32;
	[bflag:$0x2] =	sbarrier.arrive $0xFFFF  }
0xd6: {  	p0 =	sne.s32 s0, $0x0;
	s0 =	rddreg [dreg:$0x4]  }
0xd7: {  	s0 =	sadd.s32 @!p0 $0x100000, s0  }
0xd8: {  	[sflag:s0] =	ssyncadd.tile.s32 @!p0 $0x1;
	_ =	shalt  }
.Lfunc_end2:
_tile_overlayer_lowered:
.L_overlay_start_2:
0xd9: {  	(tag) =	ssettag $0x2  }
0xda: {  	s0 =	rddreg [dreg:$0x0];
	s2 =	stileid.u32  }
0xdb: {  	s1 =	rddreg [dreg:$0x1];
	p0 =	sne.s32 s2, $0x0  }
0xdc: {  	s3 =	rddreg [dreg:$0x2];
	[bflag:$0x3] =	sbarrier.arrive $0xFFFF;
	s2 =	simm.s32 @!p0 $0x1C03  }
0xdd: {  	[timem:s3], [sflag:s2] =	dma.local @!p0 [hbm:s0], s1  }
0xde: {  	s0 =	simm.s32 @!p0 $0x3  }
0xdf: {  	_ =	swait.ge @!p0 [sflag:s0], s1  }
0xe0: {  	s1 =	ssub.s32 @!p0 $0x0, s1;
	[sflag:s0] =	ssyncset.done @!p0 $0x0  }
0xe1: {  	[sflag:s0] =	ssyncadd.s32 @!p0 s1  }
0xe2: {  	[bflag:$0x3] =	sbarrier.arrive $0xFFFF  }
0xe3: {  	_ =	shalt  }

// kernel: kernel.14.cloned.1.call-start
scs
__scs_entry_jumppad:
0x0: {  	(pc) =	sbr.rel $0x88, $3  }
0x1: {  	(tag) =	ssettag $0x0;
	lr =	simm.s32 $0x1  }
0x2: {  	[smem:$0x3F99] =	sst lr;
	_ =	strace $0xD0000000  }
0x3: {  	_ = 	snop  }
0x4: {  	_ = 	snop  }
0x5: {  	_ = 	snop  }
0x6: {  	_ = 	snop  }
0x7: {  	_ = 	snop  }
__scs_overlays_trampoline_lowered:
0x8: {  	[smem:$0x3FA8] =	sst s0  }
0x9: {  	[smem:$0x3FA9] =	sst s1  }
0xa: {  	[smem:$0x3FAA] =	sst s2  }
0xb: {  	[smem:$0x3FAB] =	sst s3  }
0xc: {  	[smem:$0x3FAC] =	sst s4  }
0xd: {  	[smem:$0x3FAD] =	sst s5  }
0xe: {  	[smem:$0x3FAE] =	sst s6  }
0xf: {  	[smem:$0x3FAF] =	sst s7  }
0x10: {  	[smem:$0x3FB0] =	sst s8  }
0x11: {  	[smem:$0x3FB1] =	sst s9;
	s0 =	simm.s32 @!p0 $0x0  }
0x12: {  	s1 =	sld [smem:$0x3F97];
	s0 =	simm.s32 @p0 $0x1  }
0x13: {  	[smem:$0x3FB2] =	sst s0;
	s0 =	simm.s32 @!p1 $0x0  }
0x14: {  	s2 =	sld [smem:$0x3F96];
	s0 =	simm.s32 @p1 $0x1  }
0x15: {  	[smem:$0x3FB3] =	sst s0;
	s0 =	simm.s32 @!p2 $0x0  }
0x16: {  	s3 =	sld [smem:$0x3FDB];
	s0 =	simm.s32 @p2 $0x1  }
0x17: {  	s4 =	simm.s32 $0x1BF5;
	[smem:$0x3FB5] =	sst s0  }
0x18: {  	s0 =	sld [smem:$0x3F98];
	_ =	swait.ge [sflag:s4], $0x0  }
0x19: {  	s7 =	sld [smem:$0x3F99]  }
0x1a: {  	s8 =	sadd.s32 $0xFFFFE003, lr  }
0x1b: {  	s9 =	sadd.s32 $0xFFFFFEF7, lr;
	s5 =	simm.s32 $0xFFFFFFFF;
	p2 =	slt.u32 s8, $0xFFFFF086  }
0x1c: {  	p1 =	slt.u32 s9, $0xF7A;
	s5 =	simm.s32 @!p2 $0x0  }
0x1d: {  	s5 =	simm.s32 @p1 $0x1;
	p0 =	seq.s32 s7, s2  }
0x1e: {  	s7 =	smul.u32 @!p0 $0xF7A, s2;
	p2 =	seq.s32 @!p0 s5, $0x0  }
0x1f: {  	s9 =	smul.u32 $0xF7A, s1;
	s8 =	simm.s32 @!p0 $0x1BF5;
	p2 =	por !p2, p0  }
0x20: {  	[sflag:s8] =	ssyncset.s32 @!p0 $0xFFFFF086;
	s6 =	sadd.s32 @!p0 s3, s7;
	s7 =	simm.s32 @!p0 $0x108  }
0x21: {  	s3 =	sadd.s32 s3, s9;
	s6 =	sadd.s32 @!p0 $0x88, s6;
	s7 =	simm.s32 @p2 $0x1082  }
0x22: {  	[simem:s7], [sflag:s8] =	dma.local @!p0 [hbm:s6], $0xF7A  }
0x23: {  	s9 =	sor.u32 $0xD0000000, s2;
	s6 =	simm.s32 $0x108;
	_ =	swait.ge @!p0 [sflag:s8], $0x0  }
0x24: {  	s3 =	sadd.s32 $0x88, s3;
	s6 =	simm.s32 @!p1 $0x1082;
	[sflag:s4] =	ssyncset.s32 $0xFFFFF086  }
0x25: {  	[simem:s6], [sflag:s4] =	dma.local [hbm:s3], $0xF7A  }
0x26: {  	[smem:$0x3F99] =	sst s1;
	(tag) =	ssettag s2;
	_ =	strace s9  }
0x27: {  	s1 =	sld [smem:$0x3FA9]  }
0x28: {  	s2 =	sld [smem:$0x3FAA]  }
0x29: {  	s4 =	sld [smem:$0x3FAC]  }
0x2a: {  	p0 =	seq.s32 s5, $0x0;
	s5 =	sld [smem:$0x3FAD]  }
0x2b: {  	s6 =	sld [smem:$0x3FAE]  }
0x2c: {  	s7 =	sld [smem:$0x3FAF]  }
0x2d: {  	s3 =	simm.s32 $0x108;
	s8 =	sld [smem:$0x3FB0]  }
0x2e: {  	s3 =	simm.s32 @!p0 $0x1082;
	s9 =	sld [smem:$0x3FB1]  }
0x2f: {  	lr =	sadd.s32 s0, s3;
	s0 =	sld [smem:$0x3FA8]  }
0x30: {  	s3 =	sld [smem:$0x3FAB]  }
0x31: {  	[smem:$0x3FB4] =	sst s10  }
0x32: {  	s10 =	sld [smem:$0x3FB2];
	_ =	sdelay $0x3  }
0x33: {  	p0 =	seq.s32 s10, $0x1;
	s10 =	sld [smem:$0x3FB4];
	_ =	sdelay $0x3  }
0x34: {  	[smem:$0x3FB4] =	sst s10  }
0x35: {  	s10 =	sld [smem:$0x3FB3];
	_ =	sdelay $0x3  }
0x36: {  	p1 =	seq.s32 s10, $0x1;
	s10 =	sld [smem:$0x3FB4];
	_ =	sdelay $0x3  }
0x37: {  	[smem:$0x3FB4] =	sst s10  }
0x38: {  	s10 =	sld [smem:$0x3FB5]  }
0x39: {  	_ = 	snop;
	(pc) =	sbr.ind lr, $3  }
0x3a: {  	_ = 	snop  }
0x3b: {  	_ = 	snop  }
0x3c: {  	p2 =	seq.s32 s10, $0x1;
	s10 =	sld [smem:$0x3FB4]  }
0x3d: {  	_ =	shalt  }
0x3e: {  	_ =	shalt  }
0x3f: {  	_ =	shalt  }
0x40: {  	_ =	shalt  }
0x41: {  	_ =	shalt  }
0x42: {  	_ =	shalt  }
0x43: {  	_ =	shalt  }
0x44: {  	_ =	shalt  }
0x45: {  	_ =	shalt  }
0x46: {  	_ =	shalt  }
0x47: {  	_ =	shalt  }
0x48: {  	_ =	shalt  }
0x49: {  	_ =	shalt  }
0x4a: {  	_ =	shalt  }
0x4b: {  	_ =	shalt  }
0x4c: {  	_ =	shalt  }
0x4d: {  	_ =	shalt  }
0x4e: {  	_ =	shalt  }
0x4f: {  	_ =	shalt  }
0x50: {  	_ =	shalt  }
0x51: {  	_ =	shalt  }
0x52: {  	_ =	shalt  }
0x53: {  	_ =	shalt  }
0x54: {  	_ =	shalt  }
0x55: {  	_ =	shalt  }
0x56: {  	_ =	shalt  }
0x57: {  	_ =	shalt  }
0x58: {  	_ =	shalt  }
0x59: {  	_ =	shalt  }
0x5a: {  	_ =	shalt  }
0x5b: {  	_ =	shalt  }
0x5c: {  	_ =	shalt  }
0x5d: {  	_ =	shalt  }
0x5e: {  	_ =	shalt  }
0x5f: {  	_ =	shalt  }
0x60: {  	_ =	shalt  }
0x61: {  	_ =	shalt  }
0x62: {  	_ =	shalt  }
0x63: {  	_ =	shalt  }
0x64: {  	_ =	shalt  }
0x65: {  	_ =	shalt  }
0x66: {  	_ =	shalt  }
0x67: {  	_ =	shalt  }
0x68: {  	_ =	shalt  }
0x69: {  	_ =	shalt  }
0x6a: {  	_ =	shalt  }
0x6b: {  	_ =	shalt  }
0x6c: {  	_ =	shalt  }
0x6d: {  	_ =	shalt  }
0x6e: {  	_ =	shalt  }
0x6f: {  	_ =	shalt  }
0x70: {  	_ =	shalt  }
0x71: {  	_ =	shalt  }
0x72: {  	_ =	shalt  }
0x73: {  	_ =	shalt  }
0x74: {  	_ =	shalt  }
0x75: {  	_ =	shalt  }
0x76: {  	_ =	shalt  }
0x77: {  	_ =	shalt  }
0x78: {  	_ =	shalt  }
0x79: {  	_ =	shalt  }
0x7a: {  	_ =	shalt  }
0x7b: {  	_ =	shalt  }
0x7c: {  	_ =	shalt  }
0x7d: {  	_ =	shalt  }
0x7e: {  	_ =	shalt  }
0x7f: {  	_ =	shalt  }
0x80: {  	_ =	shalt  }
0x81: {  	_ =	shalt  }
0x82: {  	_ =	shalt  }
0x83: {  	_ =	shalt  }
0x84: {  	_ =	shalt  }
0x85: {  	_ =	shalt  }
0x86: {  	_ =	shalt  }
0x87: {  	_ =	shalt  }
.Lfunc_end0:
.L_simem_size_0:
called_computation.2_lowered:
.L_overlay_start_0:
0x88: {  	s2 =	sld [smem:$0x3FD9]  }
0x89: {  	s3 =	sld [smem:$0x3FFE];
	_ =	sdelay $0x1  }
0x8a: {  	s1 =	srdreg.scid  }
0x8b: {  	s0 =	sand.u32 $0x1, s1  }
0x8c: {  	s14 =	sshll.u32 s0, $0xA;
	s2 =	sadd.s32 s3, s2  }
0x8d: {  	s2 =	sadd.s32 s2, s14  }
0x8e: {  	[smem:$0x3FC0] =	sst s2  }
0x8f: {  	_ = 	snop  }
0x90: {  	s2 =	sld [smem:$0x3FD0];
	_ =	sdelay $0x2  }
0x91: {  	s15 =	simm.s32 $0xA;
	s4 =	simm.s32 $0x10  }
0x92: {  	[smem:s4], [sflag:s15] =	dma.local [hbm:s2], $0x1  }
0x93: {  	_ =	swait.eq [sflag:s15], $0x1  }
0x94: {  	[sflag:s15] =	ssyncset.done $0x0  }
0x95: {  	s16 =	sld [smem:$0x10];
	[sflag:s15] =	ssyncadd.s32 $0xFFFFFFFF  }
0x96: {  	s17 =	sld [smem:$0x11];
	(tm) =	ssettm $0x1  }
0x97: {  	s18 =	sld [smem:$0x3FFB];
	_ =	sdelay $0x3  }
0x98: {  	_ =	strace s18  }
0x99: {  	s4 =	sld [smem:$0x3FFC];
	_ =	sdelay $0x3  }
0x9a: {  	_ =	strace s4  }
0x9b: {  	s4 =	sld [smem:$0x3FFD];
	_ =	sdelay $0x3  }
0x9c: {  	_ =	strace s4  }
0x9d: {  	_ =	strace $0x8FFFFFFF  }
0x9e: {  	s19 =	sld [smem:$0x3FDB];
	_ =	sdelay $0x1  }
0x9f: {  	s5 =	simm.s32 $_scs_section_size  }
0xa0: {  	s6 =	simm.s32 $_size__tile_overlayer_lowered;
	s7 =	simm.s32 $_tile_overlayer_lowered  }
0xa1: {  	s22 =	simm.s32 $0x1BFF;
	s21 =	sshll.u32 s7, $0x1;
	s4 =	sadd.s32 s5, s19  }
0xa2: {  	s8 =	simm.s32 $0x0;
	s20 =	sshll.u32 s6, $0x1;
	s6 =	sadd.s32 s21, s4  }
0xa3: {  	[timem:s8], [sflag:s22] =	dma.local [hbm:s6], s20  }
0xa4: {  	_ =	swait.ge [sflag:s22], s20  }
0xa5: {  	s5 =	ssub.s32 $0x0, s20;
	[sflag:s22] =	ssyncset.done $0x0  }
0xa6: {  	[sflag:s22] =	ssyncadd.s32 s5;
	_ =	sdelay $0x1  }
0xa7: {  	s23 =	simm.s32 $0x1B8B  }
0xa8: {  	_ =	swait.ge [sflag:s23], $0x1  }
0xa9: {  	[sflag:s23] =	ssyncset.done $0x0  }
0xaa: {  	s25 =	simm.s32 $0x1B8E;
	s24 =	sld [smem:$0x3FFE];
	[sflag:s23] =	ssyncadd.s32 $0xFFFFFFFF  }
0xab: {  	s26 =	simm.s32 $execute0_lowered;
	[smem:$0x3FD2] =	sst s25  }
0xac: {  	s6 =	sshll.u32 s26, $0x1;
	_ =	strace $0x8000004C;
	[dreg:$0x1] =	wrdreg $0xFFFFFFFF  }
0xad: {  	s28 =	simm.s32 $_size_execute0_lowered;
	s4 =	sadd.s32 s4, s6;
	[dreg:$0x0] =	wrdreg $0x0  }
0xae: {  	s6 =	sshll.u32 s28, $0x1;
	[dreg:$0x2] =	wrdreg s4  }
0xaf: {  	[dreg:$0x3] =	wrdreg s6  }
0xb0: {  	[dreg:$0x4] =	wrdreg $0xC0  }
0xb1: {  	_ =	task [dreg:s8], $0x5FFFF  }
0xb2: {  	[dreg:$0x1] =	wrdreg $0xFFFFFFFF  }
0xb3: {  	[dreg:$0x0] =	wrdreg $0x60  }
0xb4: {  	[dreg:$0x2] =	wrdreg s17  }
0xb5: {  	[dreg:$0x3] =	wrdreg s16  }
0xb6: {  	[dreg:$0x4] =	wrdreg s24  }
0xb7: {  	[dreg:$0x5] =	wrdreg $0xA8000  }
0xb8: {  	[dreg:$0x6] =	wrdreg $0x9  }
0xb9: {  	_ =	task.clear_ibuf [dreg:s8], $0x7FFFF;
	_ =	strace $0x9000004C  }
0xba: {  	s29 =	simm.s32 $0x9;
	_ =	strace $0x8000004E  }
0xbb: {  	_ =	swait.ge [sflag:s29], $0x1  }
0xbc: {  	[sflag:s29] =	ssyncadd.s32 $0xFFFFFFFF  }
0xbd: {  	_ =	strace $0x9000004E  }
0xbe: {  	_ =	sfence  }
0xbf: {  	s30 =	sld [smem:$0x0];
	_ =	sdelay $0x2  }
0xc0: {  	s31 =	sshll.u32 s1, $0xD;
	s1 =	sshrl.u32 s1, $0x2  }
0xc1: {  	s3 =	sand.u32 $0x4000, s31;
	s1 =	sadd.s32 s1, s30  }
0xc2: {  	s0 =	sor.u32 s3, s0;
	s1 =	sshll.u32 s1, $0x11  }
0xc3: {  	s0 =	sor.u32 s1, s0  }
0xc4: {  	s0 =	sadd.s32 $0x8F2B, s0  }
0xc5: {  	[sflag:s0] =	ssyncadd.remote.s32 $0x1  }
0xc6: {  	_ =	sfence.sel $0xFFFF  }
0xc7: {  	[dreg:$0x0] =	wrdreg $0xFFFFFFFF;
	(pc) =	sbr.abs _section_cstart, $3  }
0xc8: {  	[dreg:$0x1] =	wrdreg $0xFFFFFFFF  }
0xc9: {  	_ =	task.clear_ibuf [dreg:s8], $0x2FFFF;
	_ =	strace $0x9FFFFFFF  }
0xca: {  	(tm) =	ssettm $0x7FFFFFFF  }
0xcb: {  	_ =	shalt  }
tec
execute0_lowered:
.L_overlay_start_1:
0x0: {  	(tag) =	ssettag $0x1  }
0x1: {  	s0 =	rddreg [dreg:$0x0]  }
0x2: {  	s2 =	rddreg [dreg:$0x1]  }
0x3: {  	s6 =	rddreg [dreg:$0x2]  }
0x4: {  	s1 =	rddreg [dreg:$0x3];
	s3 =	simm.s32 $0x0  }
0x5: {  	s4 =	srdreg.scid;
	s5 =	stileid.u32;
	s28 =	simm.s32 $0x2  }
0x6: {  	s29 =	simm.s32 $0x2700;
	s30 =	simm.s32 $0x2780;
	s31 =	simm.s32 $0x0  }
0x7: {  	[smem:$0x7FF] =	sst s3;
	s9 =	sand.u32 $0x1, s4;
	s8 =	smul.u32 $0x50000, s5  }
0x8: {  	s4 =	sadd.s32 $0x53400, s6;
	s10 =	sadd.s32 $0x2400, s6;
	s13 =	smul.u32 $0x14000, s5  }
0x9: {  	s19 =	sadd.s32 $0x7B400, s6;
	s11 =	smul.u32 $0x2800, s5;
	_ =	strace $0x8000004D  }
0xa: {  	s7 =	ssub.s32 $0x2, s9;
	[dreg:$0x5] =	wrdreg s10;
	s24 =	smul.u32 $0x28000, s9  }
0xb: {  	s22 =	smul.u32 $0x140000, s9;
	s23 =	sshrl.u32 s7, $0x1;
	s25 =	sshrl.u32 s8, $0x2  }
0xc: {  	s14 =	sadd.s32 $0x4000, s13;
	s17 =	sadd.s32 $0x8000, s13;
	s18 =	sadd.s32 $0xC000, s13  }
0xd: {  	s21 =	sadd.s32 $0x10000, s13;
	s20 =	ssub.s32 s7, s23;
	s6 =	sadd.s32 s25, s1  }
0xe: {  	s7 =	sadd.s32 s14, s1;
	s8 =	sadd.s32 s17, s1;
	s10 =	sadd.s32 s11, s24  }
0xf: {  	s9 =	sadd.s32 s18, s1;
	s16 =	sadd.s32 s13, s22;
	s5 =	sadd.s32 s22, s14  }
0x10: {  	s24 =	sadd.s32 s22, s17;
	s25 =	sadd.s32 s22, s18;
	s15 =	sshrl.u32 s10, $0x3  }
0x11: {  	s10 =	sadd.s32 s21, s1;
	s26 =	sshrl.u32 s16, $0x3;
	s23 =	sshrl.u32 s5, $0x3  }
0x12: {  	s21 =	sadd.s32 s22, s21;
	s20 =	smax.u32 s20, $0x1;
	s22 =	simm.s32 $0x3  }
0x13: {  	s11 =	sadd.s32 s0, s15;
	s12 =	sadd.s32 s2, s15;
	s15 =	sadd.s32 $0x280, s15  }
0x14: {  	s16 =	sadd.s32 s19, s23;
	s23 =	simm.s32 $0x1400;
	s13 =	sadd.s32 s0, s15  }
0x15: {  	s14 =	sadd.s32 s2, s15;
	s15 =	sadd.s32 s19, s26;
	s0 =	sshrl.u32 s24, $0x3  }
0x16: {  	s2 =	sshrl.u32 s25, $0x3;
	s26 =	sshrl.u32 s21, $0x3;
	s21 =	simm.s32 $0x2800  }
0x17: {  	s24 =	simm.s32 $0x80;
	s25 =	simm.s32 $0x6800;
	s17 =	sadd.s32 s19, s0  }
0x18: {  	s18 =	sadd.s32 s19, s2;
	s19 =	sadd.s32 s19, s26;
	s26 =	simm.s32 $0x1  }
.LBB2_1:
0x19: {  	s0 =	rddreg [dreg:$0x5]  }
0x1a: {  	[tilespmem:s21], [sflag:$0x3] =	stream.linear.gather [hbm4b:s0+s3], $0x4000, $0x38;
	[tilespmem:$0x1E800] =	vst v63  }
0x1b: {  	_ =	swait.ge [sflag:s22], $0x4000  }
0x1c: {  	[sflag:s22] =	ssyncset.done $0x0  }
0x1d: {  	[sflag:s22] =	ssyncadd.s32 $0xFFFFC000  }
0x1e: {  	[spmem:s6] =	stream.linear.scatter [tilespmem:s21], [sflag:$0x3], $0x4000, $0x38;
	[tilespmem:$0x1E800] =	vst v63  }
0x1f: {  	_ =	swait.ge [sflag:s22], $0x4000  }
0x20: {  	[sflag:s22] =	ssyncset.done $0x0  }
0x21: {  	[sflag:s22] =	ssyncadd.s32 $0xFFFFC000  }
0x22: {  	[spmem:s7] =	stream.linear.scatter [tilespmem:s21], [sflag:$0x3], $0x4000, $0x38;
	[tilespmem:$0x1E800] =	vst v63  }
0x23: {  	_ =	swait.ge [sflag:s22], $0x4000  }
0x24: {  	[sflag:s22] =	ssyncset.done $0x0  }
0x25: {  	[sflag:s22] =	ssyncadd.s32 $0xFFFFC000  }
0x26: {  	[spmem:s8] =	stream.linear.scatter [tilespmem:s21], [sflag:$0x3], $0x4000, $0x38;
	[tilespmem:$0x1E800] =	vst v63  }
0x27: {  	_ =	swait.ge [sflag:s22], $0x4000  }
0x28: {  	[sflag:s22] =	ssyncset.done $0x0  }
0x29: {  	[sflag:s22] =	ssyncadd.s32 $0xFFFFC000  }
0x2a: {  	[spmem:s9] =	stream.linear.scatter [tilespmem:s21], [sflag:$0x3], $0x4000, $0x38;
	[tilespmem:$0x1E800] =	vst v63  }
0x2b: {  	_ =	swait.ge [sflag:s22], $0x4000  }
0x2c: {  	[sflag:s22] =	ssyncset.done $0x0  }
0x2d: {  	[sflag:s22] =	ssyncadd.s32 $0xFFFFC000  }
0x2e: {  	[spmem:s10] =	stream.linear.scatter [tilespmem:s21], [sflag:$0x3], $0x4000, $0x38;
	[tilespmem:$0x1E800] =	vst v63  }
0x2f: {  	_ =	swait.ge [sflag:s22], $0x4000  }
0x30: {  	[sflag:s22] =	ssyncset.done $0x0  }
0x31: {  	[sflag:s22] =	ssyncadd.s32 $0xFFFFC000  }
0x32: {  	[bflag:$0x0] =	sbarrier.arrive $0xFFFF  }
0x33: {  	[tilespmem:s3], [sflag:$0x3] =	stream.linear.gather [hbm4b:s11+s3], $0x1400, $0x38;
	[tilespmem:$0x1E800] =	vst v63  }
0x34: {  	_ =	swait.ge [sflag:s22], $0x1400  }
0x35: {  	[sflag:s22] =	ssyncset.done $0x0  }
0x36: {  	[sflag:s22] =	ssyncadd.s32 $0xFFFFEC00  }
0x37: {  	[tilespmem:s23], [sflag:$0x3] =	stream.linear.gather [hbm4b:s12+s3], $0x1400, $0x38;
	[tilespmem:$0x1E800] =	vst v63  }
0x38: {  	_ =	swait.ge [sflag:s22], $0x1400  }
0x39: {  	[sflag:s22] =	ssyncset.done $0x0  }
0x3a: {  	[sflag:s22] =	ssyncadd.s32 $0xFFFFEC00  }
0x3b: {  	[tilespmem:s21], [sflag:$0x1] =	stream.indirect.gather [hbm4b:s4+s24], $0x80, s3, s24, $0xb8;
	[tilespmem:$0x1E800] =	vst v63  }
0x3c: {  	_ = 	snop  }
0x3d: {  	[tilespmem:s25], [sflag:$0x1] =	stream.indirect.gather [hbm4b:s4+s24], $0x80, s24, s24, $0xb8;
	[tilespmem:$0x1E800] =	vst v63  }
0x3e: {  	_ =	swait.ge [sflag:s26], $0x4000  }
0x3f: {  	[sflag:s26] =	ssyncset.done $0x0  }
0x40: {  	s5 =	simm.s32 $0x1400;
	[sflag:s26] =	ssyncadd.s32 $0xFFFFC000  }
0x41: {  	[spmem:s1] =	stream.indirect.scatter.add.f32 [tilespmem:s21], [sflag:$0x2], $0x80, s5, s24, $0xb8;
	[tilespmem:$0x1E800] =	vst v63  }
0x42: {  	_ =	swait.ge [sflag:s26], $0x4000  }
0x43: {  	[sflag:s26] =	ssyncset.done $0x0  }
0x44: {  	s2 =	simm.s32 $0x1480;
	[sflag:s26] =	ssyncadd.s32 $0xFFFFC000  }
0x45: {  	[spmem:s1] =	stream.indirect.scatter.add.f32 [tilespmem:s25], [sflag:$0x2], $0x80, s2, s24, $0xb8;
	[tilespmem:$0x1E800] =	vst v63  }
0x46: {  	_ =	swait.ge [sflag:s28], $0x4000  }
0x47: {  	[sflag:s28] =	ssyncset.done $0x0  }
0x48: {  	[sflag:s28] =	ssyncadd.s32 $0xFFFFC000  }
0x49: {  	_ =	swait.ge [sflag:s28], $0x4000  }
0x4a: {  	s0 =	simm.s32 $0x400;
	[sflag:s28] =	ssyncset.done $0x0  }
0x4b: {  	s5 =	simm.s32 $0x100;
	s2 =	simm.s32 $0x180;
	[sflag:s28] =	ssyncadd.s32 $0xFFFFC000  }
0x4c: {  	[tilespmem:s21], [sflag:$0x1] =	stream.indirect.gather [hbm4b:s4+s24], $0x80, s5, s24, $0xb8;
	[tilespmem:$0x1E800] =	vst v63  }
.LBB2_2:
0x4d: {  	[tilespmem:s25], [sflag:$0x1] =	stream.indirect.gather [hbm4b:s4+s24], $0x80, s2, s24, $0xb8;
	[tilespmem:$0x1E800] =	vst v63  }
0x4e: {  	s2 =	smov.u32 s0  }
0x4f: {  	p0 =	sne.s32 s0, $0x4800;
	s0 =	sadd.s32 $0x400, s0;
	_ =	swait.ge [sflag:s26], $0x4000  }
0x50: {  	s2 =	sshra.s32 s2, $0x2;
	[sflag:s26] =	ssyncset.done $0x0  }
0x51: {  	s5 =	sadd.s32 $0x1400, s2;
	[sflag:s26] =	ssyncadd.s32 $0xFFFFC000  }
0x52: {  	[spmem:s1] =	stream.indirect.scatter.add.f32 [tilespmem:s21], [sflag:$0x2], $0x80, s5, s24, $0xb8;
	[tilespmem:$0x1E800] =	vst v63  }
0x53: {  	_ =	swait.ge [sflag:s26], $0x4000  }
0x54: {  	[sflag:s26] =	ssyncset.done $0x0  }
0x55: {  	s5 =	sadd.s32 $0x1480, s2;
	[sflag:s26] =	ssyncadd.s32 $0xFFFFC000  }
0x56: {  	[spmem:s1] =	stream.indirect.scatter.add.f32 [tilespmem:s25], [sflag:$0x2], $0x80, s5, s24, $0xb8;
	[tilespmem:$0x1E800] =	vst v63  }
0x57: {  	_ =	swait.ge [sflag:s28], $0x4000  }
0x58: {  	[sflag:s28] =	ssyncset.done $0x0  }
0x59: {  	[sflag:s28] =	ssyncadd.s32 $0xFFFFC000  }
.Ltmp0:
0x5a: {  	_ =	swait.ge [sflag:s28], $0x4000;
	(pc) =	sbr.rel @p0 .LBB2_2-.Ltmp0, $4  }
0x5b: {  	[sflag:s28] =	ssyncset.done $0x0  }
0x5c: {  	s5 =	sadd.s32 $0x100, s2;
	[sflag:s28] =	ssyncadd.s32 $0xFFFFC000  }
0x5d: {  	[tilespmem:s21], [sflag:$0x1] =	stream.indirect.gather [hbm4b:s4+s24], $0x80, s5, s24, $0xb8;
	[tilespmem:$0x1E800] =	vst v63  }
0x5e: {  	s2 =	sadd.s32 $0x180, s2  }
0x5f: {  	[tilespmem:s25], [sflag:$0x1] =	stream.indirect.gather [hbm4b:s4+s24], $0x80, s2, s24, $0xb8;
	[tilespmem:$0x1E800] =	vst v63  }
0x60: {  	_ =	swait.ge [sflag:s26], $0x4000  }
0x61: {  	[sflag:s26] =	ssyncset.done $0x0  }
0x62: {  	[sflag:s26] =	ssyncadd.s32 $0xFFFFC000  }
0x63: {  	[spmem:s1] =	stream.indirect.scatter.add.f32 [tilespmem:s21], [sflag:$0x2], $0x80, s29, s24, $0xb8;
	[tilespmem:$0x1E800] =	vst v63  }
0x64: {  	_ =	swait.ge [sflag:s26], $0x4000  }
0x65: {  	[sflag:s26] =	ssyncset.done $0x0  }
0x66: {  	[sflag:s26] =	ssyncadd.s32 $0xFFFFC000  }
0x67: {  	[spmem:s1] =	stream.indirect.scatter.add.f32 [tilespmem:s25], [sflag:$0x2], $0x80, s30, s24, $0xb8;
	[tilespmem:$0x1E800] =	vst v63  }
0x68: {  	_ =	swait.ge [sflag:s28], $0x4000  }
0x69: {  	[sflag:s28] =	ssyncset.done $0x0  }
0x6a: {  	[sflag:s28] =	ssyncadd.s32 $0xFFFFC000  }
0x6b: {  	_ =	swait.ge [sflag:s28], $0x4000  }
0x6c: {  	[sflag:s28] =	ssyncset.done $0x0  }
0x6d: {  	s0 =	simm.s32 $0x0;
	[sflag:s28] =	ssyncadd.s32 $0xFFFFC000  }
0x6e: {  	[tilespmem:s0], [sflag:$0x3] =	stream.linear.gather [hbm4b:s13+s0], $0x1400, $0x38;
	[tilespmem:$0x1E800] =	vst v63  }
0x6f: {  	_ =	swait.ge [sflag:s22], $0x1400  }
0x70: {  	[sflag:s22] =	ssyncset.done $0x0  }
0x71: {  	[sflag:s22] =	ssyncadd.s32 $0xFFFFEC00  }
0x72: {  	[tilespmem:s23], [sflag:$0x3] =	stream.linear.gather [hbm4b:s14+s0], $0x1400, $0x38;
	[tilespmem:$0x1E800] =	vst v63  }
0x73: {  	_ =	swait.ge [sflag:s22], $0x1400  }
0x74: {  	[sflag:s22] =	ssyncset.done $0x0  }
0x75: {  	[sflag:s22] =	ssyncadd.s32 $0xFFFFEC00  }
0x76: {  	[tilespmem:s21], [sflag:$0x1] =	stream.indirect.gather [hbm4b:s4+s24], $0x80, s0, s24, $0xb8;
	[tilespmem:$0x1E800] =	vst v63  }
0x77: {  	_ = 	snop  }
0x78: {  	[tilespmem:s25], [sflag:$0x1] =	stream.indirect.gather [hbm4b:s4+s24], $0x80, s24, s24, $0xb8;
	[tilespmem:$0x1E800] =	vst v63  }
0x79: {  	_ =	swait.ge [sflag:s26], $0x4000  }
0x7a: {  	[sflag:s26] =	ssyncset.done $0x0  }
0x7b: {  	s5 =	simm.s32 $0x1400;
	[sflag:s26] =	ssyncadd.s32 $0xFFFFC000  }
0x7c: {  	[spmem:s1] =	stream.indirect.scatter.add.f32 [tilespmem:s21], [sflag:$0x2], $0x80, s5, s24, $0xb8;
	[tilespmem:$0x1E800] =	vst v63  }
0x7d: {  	_ =	swait.ge [sflag:s26], $0x4000  }
0x7e: {  	[sflag:s26] =	ssyncset.done $0x0  }
0x7f: {  	s2 =	simm.s32 $0x1480;
	[sflag:s26] =	ssyncadd.s32 $0xFFFFC000  }
0x80: {  	[spmem:s1] =	stream.indirect.scatter.add.f32 [tilespmem:s25], [sflag:$0x2], $0x80, s2, s24, $0xb8;
	[tilespmem:$0x1E800] =	vst v63  }
0x81: {  	_ =	swait.ge [sflag:s28], $0x4000  }
0x82: {  	[sflag:s28] =	ssyncset.done $0x0  }
0x83: {  	[sflag:s28] =	ssyncadd.s32 $0xFFFFC000  }
0x84: {  	_ =	swait.ge [sflag:s28], $0x4000  }
0x85: {  	s0 =	simm.s32 $0x400;
	[sflag:s28] =	ssyncset.done $0x0  }
0x86: {  	s5 =	simm.s32 $0x100;
	s2 =	simm.s32 $0x180;
	[sflag:s28] =	ssyncadd.s32 $0xFFFFC000  }
0x87: {  	[tilespmem:s21], [sflag:$0x1] =	stream.indirect.gather [hbm4b:s4+s24], $0x80, s5, s24, $0xb8;
	[tilespmem:$0x1E800] =	vst v63  }
.LBB2_4:
0x88: {  	[tilespmem:s25], [sflag:$0x1] =	stream.indirect.gather [hbm4b:s4+s24], $0x80, s2, s24, $0xb8;
	[tilespmem:$0x1E800] =	vst v63  }
0x89: {  	s2 =	smov.u32 s0  }
0x8a: {  	p0 =	sne.s32 s0, $0x4800;
	s0 =	sadd.s32 $0x400, s0;
	_ =	swait.ge [sflag:s26], $0x4000  }
0x8b: {  	s2 =	sshra.s32 s2, $0x2;
	[sflag:s26] =	ssyncset.done $0x0  }
0x8c: {  	s5 =	sadd.s32 $0x1400, s2;
	[sflag:s26] =	ssyncadd.s32 $0xFFFFC000  }
0x8d: {  	[spmem:s1] =	stream.indirect.scatter.add.f32 [tilespmem:s21], [sflag:$0x2], $0x80, s5, s24, $0xb8;
	[tilespmem:$0x1E800] =	vst v63  }
0x8e: {  	_ =	swait.ge [sflag:s26], $0x4000  }
0x8f: {  	[sflag:s26] =	ssyncset.done $0x0  }
0x90: {  	s5 =	sadd.s32 $0x1480, s2;
	[sflag:s26] =	ssyncadd.s32 $0xFFFFC000  }
0x91: {  	[spmem:s1] =	stream.indirect.scatter.add.f32 [tilespmem:s25], [sflag:$0x2], $0x80, s5, s24, $0xb8;
	[tilespmem:$0x1E800] =	vst v63  }
0x92: {  	_ =	swait.ge [sflag:s28], $0x4000  }
0x93: {  	[sflag:s28] =	ssyncset.done $0x0  }
0x94: {  	[sflag:s28] =	ssyncadd.s32 $0xFFFFC000  }
.Ltmp1:
0x95: {  	_ =	swait.ge [sflag:s28], $0x4000;
	(pc) =	sbr.rel @p0 .LBB2_4-.Ltmp1, $4  }
0x96: {  	[sflag:s28] =	ssyncset.done $0x0  }
0x97: {  	s5 =	sadd.s32 $0x100, s2;
	[sflag:s28] =	ssyncadd.s32 $0xFFFFC000  }
0x98: {  	[tilespmem:s21], [sflag:$0x1] =	stream.indirect.gather [hbm4b:s4+s24], $0x80, s5, s24, $0xb8;
	[tilespmem:$0x1E800] =	vst v63  }
0x99: {  	s2 =	sadd.s32 $0x180, s2  }
0x9a: {  	[tilespmem:s25], [sflag:$0x1] =	stream.indirect.gather [hbm4b:s4+s24], $0x80, s2, s24, $0xb8;
	[tilespmem:$0x1E800] =	vst v63  }
0x9b: {  	_ =	swait.ge [sflag:s26], $0x4000  }
0x9c: {  	[sflag:s26] =	ssyncset.done $0x0  }
0x9d: {  	[sflag:s26] =	ssyncadd.s32 $0xFFFFC000  }
0x9e: {  	[spmem:s1] =	stream.indirect.scatter.add.f32 [tilespmem:s21], [sflag:$0x2], $0x80, s29, s24, $0xb8;
	[tilespmem:$0x1E800] =	vst v63  }
0x9f: {  	_ =	swait.ge [sflag:s26], $0x4000  }
0xa0: {  	[sflag:s26] =	ssyncset.done $0x0  }
0xa1: {  	[sflag:s26] =	ssyncadd.s32 $0xFFFFC000  }
0xa2: {  	[spmem:s1] =	stream.indirect.scatter.add.f32 [tilespmem:s25], [sflag:$0x2], $0x80, s30, s24, $0xb8;
	[tilespmem:$0x1E800] =	vst v63  }
0xa3: {  	_ =	swait.ge [sflag:s28], $0x4000  }
0xa4: {  	[sflag:s28] =	ssyncset.done $0x0  }
0xa5: {  	[sflag:s28] =	ssyncadd.s32 $0xFFFFC000  }
0xa6: {  	_ =	swait.ge [sflag:s28], $0x4000  }
0xa7: {  	[sflag:s28] =	ssyncset.done $0x0  }
0xa8: {  	[sflag:s28] =	ssyncadd.s32 $0xFFFFC000  }
0xa9: {  	[bflag:$0x0] =	sbarrier.arrive $0xFFFF  }
0xaa: {  	[tilespmem:s21], [sflag:$0x3] =	stream.linear.gather [spmem:s6], $0x4000, $0x38;
	[tilespmem:$0x1E800] =	vst v63  }
0xab: {  	_ =	swait.ge [sflag:s22], $0x4000  }
0xac: {  	[sflag:s22] =	ssyncset.done $0x0  }
0xad: {  	[sflag:s22] =	ssyncadd.s32 $0xFFFFC000  }
0xae: {  	[hbm4b:s15+s3] =	stream.linear.scatter [tilespmem:s21], [sflag:$0x3], $0x4000, $0x38;
	[tilespmem:$0x1E800] =	vst v63  }
0xaf: {  	_ =	swait.ge [sflag:s22], $0x4000  }
0xb0: {  	[sflag:s22] =	ssyncset.done $0x0  }
0xb1: {  	[sflag:s22] =	ssyncadd.s32 $0xFFFFC000  }
0xb2: {  	[tilespmem:s21], [sflag:$0x3] =	stream.linear.gather [spmem:s7], $0x4000, $0x38;
	[tilespmem:$0x1E800] =	vst v63  }
0xb3: {  	_ =	swait.ge [sflag:s22], $0x4000  }
0xb4: {  	[sflag:s22] =	ssyncset.done $0x0  }
0xb5: {  	[sflag:s22] =	ssyncadd.s32 $0xFFFFC000  }
0xb6: {  	[hbm4b:s16+s3] =	stream.linear.scatter [tilespmem:s21], [sflag:$0x3], $0x4000, $0x38;
	[tilespmem:$0x1E800] =	vst v63  }
0xb7: {  	_ =	swait.ge [sflag:s22], $0x4000  }
0xb8: {  	[sflag:s22] =	ssyncset.done $0x0  }
0xb9: {  	[sflag:s22] =	ssyncadd.s32 $0xFFFFC000  }
0xba: {  	[tilespmem:s21], [sflag:$0x3] =	stream.linear.gather [spmem:s8], $0x4000, $0x38;
	[tilespmem:$0x1E800] =	vst v63  }
0xbb: {  	_ =	swait.ge [sflag:s22], $0x4000  }
0xbc: {  	[sflag:s22] =	ssyncset.done $0x0  }
0xbd: {  	[sflag:s22] =	ssyncadd.s32 $0xFFFFC000  }
0xbe: {  	[hbm4b:s17+s3] =	stream.linear.scatter [tilespmem:s21], [sflag:$0x3], $0x4000, $0x38;
	[tilespmem:$0x1E800] =	vst v63  }
0xbf: {  	_ =	swait.ge [sflag:s22], $0x4000  }
0xc0: {  	[sflag:s22] =	ssyncset.done $0x0  }
0xc1: {  	[sflag:s22] =	ssyncadd.s32 $0xFFFFC000  }
0xc2: {  	[tilespmem:s21], [sflag:$0x3] =	stream.linear.gather [spmem:s9], $0x4000, $0x38;
	[tilespmem:$0x1E800] =	vst v63  }
0xc3: {  	_ =	swait.ge [sflag:s22], $0x4000  }
0xc4: {  	[sflag:s22] =	ssyncset.done $0x0  }
0xc5: {  	[sflag:s22] =	ssyncadd.s32 $0xFFFFC000  }
0xc6: {  	[hbm4b:s18+s3] =	stream.linear.scatter [tilespmem:s21], [sflag:$0x3], $0x4000, $0x38;
	[tilespmem:$0x1E800] =	vst v63  }
0xc7: {  	_ =	swait.ge [sflag:s22], $0x4000  }
0xc8: {  	[sflag:s22] =	ssyncset.done $0x0  }
0xc9: {  	[sflag:s22] =	ssyncadd.s32 $0xFFFFC000  }
0xca: {  	[tilespmem:s21], [sflag:$0x3] =	stream.linear.gather [spmem:s10], $0x4000, $0x38;
	[tilespmem:$0x1E800] =	vst v63  }
0xcb: {  	s31 =	sadd.s32 $0x1, s31;
	_ =	swait.ge [sflag:s22], $0x4000  }
0xcc: {  	p0 =	sne.s32 s31, s20;
	[sflag:s22] =	ssyncset.done $0x0  }
.Ltmp2:
0xcd: {  	[sflag:s22] =	ssyncadd.s32 $0xFFFFC000;
	(pc) =	sbr.rel @p0 .LBB2_1-.Ltmp2, $4  }
0xce: {  	[hbm4b:s19+s3] =	stream.linear.scatter [tilespmem:s21], [sflag:$0x3], $0x4000, $0x38;
	[tilespmem:$0x1E800] =	vst v63  }
0xcf: {  	_ =	swait.ge [sflag:s22], $0x4000  }
0xd0: {  	[sflag:s22] =	ssyncset.done $0x0  }
0xd1: {  	[sflag:s22] =	ssyncadd.s32 $0xFFFFC000  }
0xd2: {  	_ =	sfence.sel $0x180000  }
0xd3: {  	[bflag:$0x0] =	sbarrier.arrive $0xFFFF  }
0xd4: {  	_ =	strace $0x9000004D  }
0xd5: {  	s0 =	stileid.u32;
	[bflag:$0x2] =	sbarrier.arrive $0xFFFF  }
0xd6: {  	p0 =	sne.s32 s0, $0x0;
	s0 =	rddreg [dreg:$0x4]  }
0xd7: {  	s0 =	sadd.s32 @!p0 $0x100000, s0  }
0xd8: {  	[sflag:s0] =	ssyncadd.tile.s32 @!p0 $0x1;
	_ =	shalt  }
.Lfunc_end2:
_tile_overlayer_lowered:
.L_overlay_start_2:
0xd9: {  	(tag) =	ssettag $0x2  }
0xda: {  	s0 =	rddreg [dreg:$0x0];
	s2 =	stileid.u32  }
0xdb: {  	s1 =	rddreg [dreg:$0x1];
	p0 =	sne.s32 s2, $0x0  }
0xdc: {  	s3 =	rddreg [dreg:$0x2];
	[bflag:$0x3] =	sbarrier.arrive $0xFFFF;
	s2 =	simm.s32 @!p0 $0x1C03  }
0xdd: {  	[timem:s3], [sflag:s2] =	dma.local @!p0 [hbm:s0], s1  }
0xde: {  	s0 =	simm.s32 @!p0 $0x3  }
0xdf: {  	_ =	swait.ge @!p0 [sflag:s0], s1  }
0xe0: {  	s1 =	ssub.s32 @!p0 $0x0, s1;
	[sflag:s0] =	ssyncset.done @!p0 $0x0  }
0xe1: {  	[sflag:s0] =	ssyncadd.s32 @!p0 s1  }
0xe2: {  	[bflag:$0x3] =	sbarrier.arrive $0xFFFF  }
0xe3: {  	_ =	shalt  }

// kernel: kernel.8.cloned.1.call-start
scs
__scs_entry_jumppad:
0x0: {  	(pc) =	sbr.rel $0x88, $3  }
0x1: {  	(tag) =	ssettag $0x0;
	lr =	simm.s32 $0x1  }
0x2: {  	[smem:$0x3F99] =	sst lr;
	_ =	strace $0xD0000000  }
0x3: {  	_ = 	snop  }
0x4: {  	_ = 	snop  }
0x5: {  	_ = 	snop  }
0x6: {  	_ = 	snop  }
0x7: {  	_ = 	snop  }
__scs_overlays_trampoline_lowered:
0x8: {  	[smem:$0x3FA8] =	sst s0  }
0x9: {  	[smem:$0x3FA9] =	sst s1  }
0xa: {  	[smem:$0x3FAA] =	sst s2  }
0xb: {  	[smem:$0x3FAB] =	sst s3  }
0xc: {  	[smem:$0x3FAC] =	sst s4  }
0xd: {  	[smem:$0x3FAD] =	sst s5  }
0xe: {  	[smem:$0x3FAE] =	sst s6  }
0xf: {  	[smem:$0x3FAF] =	sst s7  }
0x10: {  	[smem:$0x3FB0] =	sst s8  }
0x11: {  	[smem:$0x3FB1] =	sst s9;
	s0 =	simm.s32 @!p0 $0x0  }
0x12: {  	s1 =	sld [smem:$0x3F97];
	s0 =	simm.s32 @p0 $0x1  }
0x13: {  	[smem:$0x3FB2] =	sst s0;
	s0 =	simm.s32 @!p1 $0x0  }
0x14: {  	s2 =	sld [smem:$0x3F96];
	s0 =	simm.s32 @p1 $0x1  }
0x15: {  	[smem:$0x3FB3] =	sst s0;
	s0 =	simm.s32 @!p2 $0x0  }
0x16: {  	s3 =	sld [smem:$0x3FDB];
	s0 =	simm.s32 @p2 $0x1  }
0x17: {  	s4 =	simm.s32 $0x1BF5;
	[smem:$0x3FB5] =	sst s0  }
0x18: {  	s0 =	sld [smem:$0x3F98];
	_ =	swait.ge [sflag:s4], $0x0  }
0x19: {  	s7 =	sld [smem:$0x3F99]  }
0x1a: {  	s8 =	sadd.s32 $0xFFFFE003, lr  }
0x1b: {  	s9 =	sadd.s32 $0xFFFFFEF7, lr;
	s5 =	simm.s32 $0xFFFFFFFF;
	p2 =	slt.u32 s8, $0xFFFFF086  }
0x1c: {  	p1 =	slt.u32 s9, $0xF7A;
	s5 =	simm.s32 @!p2 $0x0  }
0x1d: {  	s5 =	simm.s32 @p1 $0x1;
	p0 =	seq.s32 s7, s2  }
0x1e: {  	s7 =	smul.u32 @!p0 $0xF7A, s2;
	p2 =	seq.s32 @!p0 s5, $0x0  }
0x1f: {  	s9 =	smul.u32 $0xF7A, s1;
	s8 =	simm.s32 @!p0 $0x1BF5;
	p2 =	por !p2, p0  }
0x20: {  	[sflag:s8] =	ssyncset.s32 @!p0 $0xFFFFF086;
	s6 =	sadd.s32 @!p0 s3, s7;
	s7 =	simm.s32 @!p0 $0x108  }
0x21: {  	s3 =	sadd.s32 s3, s9;
	s6 =	sadd.s32 @!p0 $0x88, s6;
	s7 =	simm.s32 @p2 $0x1082  }
0x22: {  	[simem:s7], [sflag:s8] =	dma.local @!p0 [hbm:s6], $0xF7A  }
0x23: {  	s9 =	sor.u32 $0xD0000000, s2;
	s6 =	simm.s32 $0x108;
	_ =	swait.ge @!p0 [sflag:s8], $0x0  }
0x24: {  	s3 =	sadd.s32 $0x88, s3;
	s6 =	simm.s32 @!p1 $0x1082;
	[sflag:s4] =	ssyncset.s32 $0xFFFFF086  }
0x25: {  	[simem:s6], [sflag:s4] =	dma.local [hbm:s3], $0xF7A  }
0x26: {  	[smem:$0x3F99] =	sst s1;
	(tag) =	ssettag s2;
	_ =	strace s9  }
0x27: {  	s1 =	sld [smem:$0x3FA9]  }
0x28: {  	s2 =	sld [smem:$0x3FAA]  }
0x29: {  	s4 =	sld [smem:$0x3FAC]  }
0x2a: {  	p0 =	seq.s32 s5, $0x0;
	s5 =	sld [smem:$0x3FAD]  }
0x2b: {  	s6 =	sld [smem:$0x3FAE]  }
0x2c: {  	s7 =	sld [smem:$0x3FAF]  }
0x2d: {  	s3 =	simm.s32 $0x108;
	s8 =	sld [smem:$0x3FB0]  }
0x2e: {  	s3 =	simm.s32 @!p0 $0x1082;
	s9 =	sld [smem:$0x3FB1]  }
0x2f: {  	lr =	sadd.s32 s0, s3;
	s0 =	sld [smem:$0x3FA8]  }
0x30: {  	s3 =	sld [smem:$0x3FAB]  }
0x31: {  	[smem:$0x3FB4] =	sst s10  }
0x32: {  	s10 =	sld [smem:$0x3FB2];
	_ =	sdelay $0x3  }
0x33: {  	p0 =	seq.s32 s10, $0x1;
	s10 =	sld [smem:$0x3FB4];
	_ =	sdelay $0x3  }
0x34: {  	[smem:$0x3FB4] =	sst s10  }
0x35: {  	s10 =	sld [smem:$0x3FB3];
	_ =	sdelay $0x3  }
0x36: {  	p1 =	seq.s32 s10, $0x1;
	s10 =	sld [smem:$0x3FB4];
	_ =	sdelay $0x3  }
0x37: {  	[smem:$0x3FB4] =	sst s10  }
0x38: {  	s10 =	sld [smem:$0x3FB5]  }
0x39: {  	_ = 	snop;
	(pc) =	sbr.ind lr, $3  }
0x3a: {  	_ = 	snop  }
0x3b: {  	_ = 	snop  }
0x3c: {  	p2 =	seq.s32 s10, $0x1;
	s10 =	sld [smem:$0x3FB4]  }
0x3d: {  	_ =	shalt  }
0x3e: {  	_ =	shalt  }
0x3f: {  	_ =	shalt  }
0x40: {  	_ =	shalt  }
0x41: {  	_ =	shalt  }
0x42: {  	_ =	shalt  }
0x43: {  	_ =	shalt  }
0x44: {  	_ =	shalt  }
0x45: {  	_ =	shalt  }
0x46: {  	_ =	shalt  }
0x47: {  	_ =	shalt  }
0x48: {  	_ =	shalt  }
0x49: {  	_ =	shalt  }
0x4a: {  	_ =	shalt  }
0x4b: {  	_ =	shalt  }
0x4c: {  	_ =	shalt  }
0x4d: {  	_ =	shalt  }
0x4e: {  	_ =	shalt  }
0x4f: {  	_ =	shalt  }
0x50: {  	_ =	shalt  }
0x51: {  	_ =	shalt  }
0x52: {  	_ =	shalt  }
0x53: {  	_ =	shalt  }
0x54: {  	_ =	shalt  }
0x55: {  	_ =	shalt  }
0x56: {  	_ =	shalt  }
0x57: {  	_ =	shalt  }
0x58: {  	_ =	shalt  }
0x59: {  	_ =	shalt  }
0x5a: {  	_ =	shalt  }
0x5b: {  	_ =	shalt  }
0x5c: {  	_ =	shalt  }
0x5d: {  	_ =	shalt  }
0x5e: {  	_ =	shalt  }
0x5f: {  	_ =	shalt  }
0x60: {  	_ =	shalt  }
0x61: {  	_ =	shalt  }
0x62: {  	_ =	shalt  }
0x63: {  	_ =	shalt  }
0x64: {  	_ =	shalt  }
0x65: {  	_ =	shalt  }
0x66: {  	_ =	shalt  }
0x67: {  	_ =	shalt  }
0x68: {  	_ =	shalt  }
0x69: {  	_ =	shalt  }
0x6a: {  	_ =	shalt  }
0x6b: {  	_ =	shalt  }
0x6c: {  	_ =	shalt  }
0x6d: {  	_ =	shalt  }
0x6e: {  	_ =	shalt  }
0x6f: {  	_ =	shalt  }
0x70: {  	_ =	shalt  }
0x71: {  	_ =	shalt  }
0x72: {  	_ =	shalt  }
0x73: {  	_ =	shalt  }
0x74: {  	_ =	shalt  }
0x75: {  	_ =	shalt  }
0x76: {  	_ =	shalt  }
0x77: {  	_ =	shalt  }
0x78: {  	_ =	shalt  }
0x79: {  	_ =	shalt  }
0x7a: {  	_ =	shalt  }
0x7b: {  	_ =	shalt  }
0x7c: {  	_ =	shalt  }
0x7d: {  	_ =	shalt  }
0x7e: {  	_ =	shalt  }
0x7f: {  	_ =	shalt  }
0x80: {  	_ =	shalt  }
0x81: {  	_ =	shalt  }
0x82: {  	_ =	shalt  }
0x83: {  	_ =	shalt  }
0x84: {  	_ =	shalt  }
0x85: {  	_ =	shalt  }
0x86: {  	_ =	shalt  }
0x87: {  	_ =	shalt  }
.Lfunc_end0:
.L_simem_size_0:
called_computation_lowered:
.L_overlay_start_0:
0x88: {  	s2 =	sld [smem:$0x3FD9]  }
0x89: {  	s3 =	sld [smem:$0x3FFE];
	_ =	sdelay $0x1  }
0x8a: {  	s1 =	srdreg.scid  }
0x8b: {  	s0 =	sand.u32 $0x1, s1  }
0x8c: {  	s14 =	sshll.u32 s0, $0xA;
	s2 =	sadd.s32 s3, s2  }
0x8d: {  	s2 =	sadd.s32 s2, s14  }
0x8e: {  	[smem:$0x3FC0] =	sst s2  }
0x8f: {  	_ = 	snop  }
0x90: {  	s2 =	sld [smem:$0x3FD0];
	_ =	sdelay $0x2  }
0x91: {  	s15 =	simm.s32 $0xA;
	s4 =	simm.s32 $0x10  }
0x92: {  	[smem:s4], [sflag:s15] =	dma.local [hbm:s2], $0x1  }
0x93: {  	_ =	swait.eq [sflag:s15], $0x1  }
0x94: {  	[sflag:s15] =	ssyncset.done $0x0  }
0x95: {  	[sflag:s15] =	ssyncadd.s32 $0xFFFFFFFF  }
0x96: {  	s16 =	sld [smem:$0x10];
	(tm) =	ssettm $0x1  }
0x97: {  	s17 =	sld [smem:$0x3FFB];
	_ =	sdelay $0x3  }
0x98: {  	_ =	strace s17  }
0x99: {  	s3 =	sld [smem:$0x3FFC];
	_ =	sdelay $0x3  }
0x9a: {  	_ =	strace s3  }
0x9b: {  	s3 =	sld [smem:$0x3FFD];
	_ =	sdelay $0x3  }
0x9c: {  	_ =	strace s3  }
0x9d: {  	_ =	strace $0x8FFFFFFF  }
0x9e: {  	s18 =	sld [smem:$0x3FDB];
	_ =	sdelay $0x1  }
0x9f: {  	s19 =	simm.s32 $_scs_section_size  }
0xa0: {  	s5 =	simm.s32 $_size__tile_overlayer_lowered;
	s6 =	simm.s32 $_tile_overlayer_lowered  }
0xa1: {  	s22 =	simm.s32 $0x1BFF;
	s21 =	sshll.u32 s6, $0x1;
	s3 =	sadd.s32 s19, s18  }
0xa2: {  	s7 =	simm.s32 $0x0;
	s20 =	sshll.u32 s5, $0x1;
	s5 =	sadd.s32 s21, s3  }
0xa3: {  	[timem:s7], [sflag:s22] =	dma.local [hbm:s5], s20  }
0xa4: {  	_ =	swait.ge [sflag:s22], s20  }
0xa5: {  	s4 =	ssub.s32 $0x0, s20;
	[sflag:s22] =	ssyncset.done $0x0  }
0xa6: {  	[sflag:s22] =	ssyncadd.s32 s4;
	_ =	sdelay $0x1  }
0xa7: {  	s23 =	simm.s32 $0x1B8B  }
0xa8: {  	_ =	swait.ge [sflag:s23], $0x1  }
0xa9: {  	[sflag:s23] =	ssyncset.done $0x0  }
0xaa: {  	s25 =	simm.s32 $0x1B8E;
	s24 =	sld [smem:$0x3FFE];
	[sflag:s23] =	ssyncadd.s32 $0xFFFFFFFF  }
0xab: {  	s26 =	simm.s32 $execute0_lowered;
	[smem:$0x3FD2] =	sst s25  }
0xac: {  	s5 =	sshll.u32 s26, $0x1;
	_ =	strace $0x80000046;
	[dreg:$0x1] =	wrdreg $0xFFFFFFFF  }
0xad: {  	s28 =	simm.s32 $_size_execute0_lowered;
	s3 =	sadd.s32 s3, s5;
	[dreg:$0x0] =	wrdreg $0x0  }
0xae: {  	s5 =	sshll.u32 s28, $0x1;
	[dreg:$0x2] =	wrdreg s3  }
0xaf: {  	[dreg:$0x3] =	wrdreg s5  }
0xb0: {  	[dreg:$0x4] =	wrdreg $0xC0  }
0xb1: {  	_ =	task [dreg:s7], $0x5FFFF  }
0xb2: {  	[dreg:$0x1] =	wrdreg $0xFFFFFFFF  }
0xb3: {  	[dreg:$0x0] =	wrdreg $0x60  }
0xb4: {  	[dreg:$0x2] =	wrdreg s16  }
0xb5: {  	[dreg:$0x3] =	wrdreg s24  }
0xb6: {  	[dreg:$0x4] =	wrdreg $0xA8000  }
0xb7: {  	[dreg:$0x5] =	wrdreg $0x9  }
0xb8: {  	_ =	task.clear_ibuf [dreg:s7], $0x6FFFF;
	_ =	strace $0x90000046  }
0xb9: {  	s29 =	simm.s32 $0x9;
	_ =	strace $0x80000048  }
0xba: {  	_ =	swait.ge [sflag:s29], $0x1  }
0xbb: {  	[sflag:s29] =	ssyncadd.s32 $0xFFFFFFFF  }
0xbc: {  	_ =	strace $0x90000048  }
0xbd: {  	_ =	sfence  }
0xbe: {  	s30 =	sld [smem:$0x0];
	_ =	sdelay $0x2  }
0xbf: {  	s31 =	sshll.u32 s1, $0xD;
	s1 =	sshrl.u32 s1, $0x2  }
0xc0: {  	s3 =	sand.u32 $0x4000, s31;
	s1 =	sadd.s32 s1, s30  }
0xc1: {  	s0 =	sor.u32 s3, s0;
	s1 =	sshll.u32 s1, $0x11  }
0xc2: {  	s0 =	sor.u32 s1, s0  }
0xc3: {  	s0 =	sadd.s32 $0x8F2B, s0  }
0xc4: {  	[sflag:s0] =	ssyncadd.remote.s32 $0x1  }
0xc5: {  	_ =	sfence.sel $0xFFFF  }
0xc6: {  	[dreg:$0x0] =	wrdreg $0xFFFFFFFF;
	(pc) =	sbr.abs _section_cstart, $3  }
0xc7: {  	[dreg:$0x1] =	wrdreg $0xFFFFFFFF  }
0xc8: {  	_ =	task.clear_ibuf [dreg:s7], $0x2FFFF;
	_ =	strace $0x9FFFFFFF  }
0xc9: {  	(tm) =	ssettm $0x7FFFFFFF  }
tec
execute0_lowered:
.L_overlay_start_1:
0x0: {  	(tag) =	ssettag $0x1  }
0x1: {  	s6 =	rddreg [dreg:$0x0]  }
0x2: {  	s7 =	rddreg [dreg:$0x1]  }
0x3: {  	s1 =	rddreg [dreg:$0x2];
	s2 =	srdreg.scid  }
0x4: {  	s0 =	rddreg [dreg:$0x3];
	s3 =	simm.s32 $0x0;
	s8 =	sand.u32 $0x1, s2  }
0x5: {  	s20 =	simm.s32 $0x6800;
	s2 =	stileid.u32;
	s9 =	smul.u32 $0x28000, s8  }
0x6: {  	s21 =	simm.s32 $0x80;
	s22 =	simm.s32 $0x0;
	s10 =	smul.u32 $0x2800, s2  }
0x7: {  	[smem:$0x7FF] =	sst s3;
	s4 =	sadd.s32 $0x2C00, s7;
	s12 =	smul.u32 $0x50000, s2  }
0x8: {  	s5 =	sadd.s32 $0x2400, s7;
	s16 =	sadd.s32 $0x3400, s7;
	s28 =	smul.u32 $0x14000, s2  }
0x9: {  	_ =	strace $0x80000047;
	s11 =	ssub.s32 $0x2, s8;
	s15 =	smul.u32 $0x140000, s8  }
0xa: {  	s25 =	sshrl.u32 s11, $0x1;
	s9 =	sadd.s32 s10, s9;
	s26 =	sshrl.u32 s12, $0x2  }
0xb: {  	s17 =	ssub.s32 s11, s25;
	s29 =	sadd.s32 $0x4000, s28;
	s14 =	sadd.s32 $0x8000, s28  }
0xc: {  	s18 =	sadd.s32 $0xC000, s28;
	s13 =	sadd.s32 s28, s15;
	s19 =	sadd.s32 $0x10000, s28  }
0xd: {  	s9 =	sshrl.u32 s9, $0x3;
	s7 =	sadd.s32 s26, s1;
	s8 =	sadd.s32 s29, s1  }
0xe: {  	s10 =	sadd.s32 s18, s1;
	s11 =	sadd.s32 s15, s29;
	s30 =	sshrl.u32 s13, $0x3  }
0xf: {  	s18 =	sadd.s32 s15, s18;
	s17 =	smax.u32 s17, $0x1;
	s6 =	sadd.s32 s6, s9  }
0x10: {  	s9 =	sadd.s32 s14, s1;
	s31 =	sshrl.u32 s11, $0x3;
	s11 =	sadd.s32 s19, s1  }
0x11: {  	s12 =	sadd.s32 s16, s30;
	s14 =	sadd.s32 s15, s14;
	s15 =	sadd.s32 s15, s19  }
0x12: {  	s18 =	sshrl.u32 s18, $0x3;
	s13 =	sadd.s32 s16, s31;
	s14 =	sshrl.u32 s14, $0x3  }
0x13: {  	s19 =	sshrl.u32 s15, $0x3;
	s15 =	sadd.s32 s16, s18;
	s18 =	simm.s32 $0x1  }
0x14: {  	s14 =	sadd.s32 s16, s14;
	s16 =	sadd.s32 s16, s19;
	s19 =	simm.s32 $0x2800  }
.LBB2_1:
0x15: {  	[tilespmem:s3], [sflag:$0x1] =	stream.linear.gather [hbm4b:s6+s3], $0x2800, $0x38;
	[tilespmem:$0x1E800] =	vst v63  }
0x16: {  	_ =	swait.ge [sflag:s18], $0x2800  }
0x17: {  	[sflag:s18] =	ssyncset.done $0x0  }
0x18: {  	[sflag:s18] =	ssyncadd.s32 $0xFFFFD800  }
0x19: {  	[tilespmem:s19], [sflag:$0x1] =	stream.linear.gather [hbm4b:s4+s3], $0x4000, $0x38;
	[tilespmem:$0x1E800] =	vst v63  }
0x1a: {  	_ =	swait.ge [sflag:s18], $0x4000  }
0x1b: {  	[sflag:s18] =	ssyncset.done $0x0  }
0x1c: {  	[sflag:s18] =	ssyncadd.s32 $0xFFFFC000  }
0x1d: {  	[tilespmem:s20], [sflag:$0x1] =	stream.linear.gather [hbm4b:s5+s3], $0x4000, $0x38;
	[tilespmem:$0x1E800] =	vst v63  }
0x1e: {  	_ =	swait.ge [sflag:s18], $0x4000  }
0x1f: {  	[sflag:s18] =	ssyncset.done $0x0  }
0x20: {  	[sflag:s18] =	ssyncadd.s32 $0xFFFFC000  }
0x21: {  	[spmem:s7] =	stream.linear.scatter [tilespmem:s20], [sflag:$0x1], $0x4000, $0x38;
	[tilespmem:$0x1E800] =	vst v63  }
0x22: {  	_ =	swait.ge [sflag:s18], $0x4000  }
0x23: {  	[sflag:s18] =	ssyncset.done $0x0  }
0x24: {  	[sflag:s18] =	ssyncadd.s32 $0xFFFFC000  }
0x25: {  	[spmem:s8] =	stream.linear.scatter [tilespmem:s20], [sflag:$0x1], $0x4000, $0x38;
	[tilespmem:$0x1E800] =	vst v63  }
0x26: {  	_ =	swait.ge [sflag:s18], $0x4000  }
0x27: {  	[sflag:s18] =	ssyncset.done $0x0  }
0x28: {  	[sflag:s18] =	ssyncadd.s32 $0xFFFFC000  }
0x29: {  	[spmem:s9] =	stream.linear.scatter [tilespmem:s20], [sflag:$0x1], $0x4000, $0x38;
	[tilespmem:$0x1E800] =	vst v63  }
0x2a: {  	_ =	swait.ge [sflag:s18], $0x4000  }
0x2b: {  	[sflag:s18] =	ssyncset.done $0x0  }
0x2c: {  	[sflag:s18] =	ssyncadd.s32 $0xFFFFC000  }
0x2d: {  	[spmem:s10] =	stream.linear.scatter [tilespmem:s20], [sflag:$0x1], $0x4000, $0x38;
	[tilespmem:$0x1E800] =	vst v63  }
0x2e: {  	_ =	swait.ge [sflag:s18], $0x4000  }
0x2f: {  	[sflag:s18] =	ssyncset.done $0x0  }
0x30: {  	[sflag:s18] =	ssyncadd.s32 $0xFFFFC000  }
0x31: {  	[spmem:s11] =	stream.linear.scatter [tilespmem:s20], [sflag:$0x1], $0x4000, $0x38;
	[tilespmem:$0x1E800] =	vst v63  }
0x32: {  	_ =	swait.ge [sflag:s18], $0x4000  }
0x33: {  	[sflag:s18] =	ssyncset.done $0x0  }
0x34: {  	[sflag:s18] =	ssyncadd.s32 $0xFFFFC000  }
0x35: {  	s23 =	simm.s32 $0x0;
	[bflag:$0x0] =	sbarrier.arrive $0xFFFF  }
0x36: {  	[spmem:s1] =	stream.indirect.scatter.add.f32 [tilespmem:s19], [sflag:$0x1], $0x80, s23, s21, $0xb8;
	[tilespmem:$0x1E800] =	vst v63  }
0x37: {  	_ =	swait.ge [sflag:s18], $0x4000  }
0x38: {  	s23 =	simm.s32 $0x200;
	[sflag:s18] =	ssyncset.done $0x0  }
.LBB2_2:
0x39: {  	s24 =	sshra.s32 s23, $0x2;
	[sflag:s18] =	ssyncadd.s32 $0xFFFFC000;
	p0 =	sne.s32 s23, $0x9E00  }
0x3a: {  	[spmem:s1] =	stream.indirect.scatter.add.f32 [tilespmem:s19], [sflag:$0x1], $0x80, s24, s21, $0xb8;
	[tilespmem:$0x1E800] =	vst v63  }
.Ltmp0:
0x3b: {  	_ = 	snop;
	(pc) =	sbr.rel @p0 .LBB2_2-.Ltmp0, $4  }
0x3c: {  	_ = 	snop  }
0x3d: {  	s23 =	sadd.s32 $0x200, s23  }
0x3e: {  	_ =	swait.ge [sflag:s18], $0x4000  }
0x3f: {  	[sflag:s18] =	ssyncset.done $0x0  }
0x40: {  	[sflag:s18] =	ssyncadd.s32 $0xFFFFC000  }
0x41: {  	[bflag:$0x0] =	sbarrier.arrive $0xFFFF  }
0x42: {  	[tilespmem:s20], [sflag:$0x1] =	stream.linear.gather [spmem:s7], $0x4000, $0x38;
	[tilespmem:$0x1E800] =	vst v63  }
0x43: {  	_ =	swait.ge [sflag:s18], $0x4000  }
0x44: {  	[sflag:s18] =	ssyncset.done $0x0  }
0x45: {  	[sflag:s18] =	ssyncadd.s32 $0xFFFFC000  }
0x46: {  	[hbm4b:s12+s3] =	stream.linear.scatter [tilespmem:s20], [sflag:$0x1], $0x4000, $0x38;
	[tilespmem:$0x1E800] =	vst v63  }
0x47: {  	_ =	swait.ge [sflag:s18], $0x4000  }
0x48: {  	[sflag:s18] =	ssyncset.done $0x0  }
0x49: {  	[sflag:s18] =	ssyncadd.s32 $0xFFFFC000  }
0x4a: {  	[tilespmem:s20], [sflag:$0x1] =	stream.linear.gather [spmem:s8], $0x4000, $0x38;
	[tilespmem:$0x1E800] =	vst v63  }
0x4b: {  	_ =	swait.ge [sflag:s18], $0x4000  }
0x4c: {  	[sflag:s18] =	ssyncset.done $0x0  }
0x4d: {  	[sflag:s18] =	ssyncadd.s32 $0xFFFFC000  }
0x4e: {  	[hbm4b:s13+s3] =	stream.linear.scatter [tilespmem:s20], [sflag:$0x1], $0x4000, $0x38;
	[tilespmem:$0x1E800] =	vst v63  }
0x4f: {  	_ =	swait.ge [sflag:s18], $0x4000  }
0x50: {  	[sflag:s18] =	ssyncset.done $0x0  }
0x51: {  	[sflag:s18] =	ssyncadd.s32 $0xFFFFC000  }
0x52: {  	[tilespmem:s20], [sflag:$0x1] =	stream.linear.gather [spmem:s9], $0x4000, $0x38;
	[tilespmem:$0x1E800] =	vst v63  }
0x53: {  	_ =	swait.ge [sflag:s18], $0x4000  }
0x54: {  	[sflag:s18] =	ssyncset.done $0x0  }
0x55: {  	[sflag:s18] =	ssyncadd.s32 $0xFFFFC000  }
0x56: {  	[hbm4b:s14+s3] =	stream.linear.scatter [tilespmem:s20], [sflag:$0x1], $0x4000, $0x38;
	[tilespmem:$0x1E800] =	vst v63  }
0x57: {  	_ =	swait.ge [sflag:s18], $0x4000  }
0x58: {  	[sflag:s18] =	ssyncset.done $0x0  }
0x59: {  	[sflag:s18] =	ssyncadd.s32 $0xFFFFC000  }
0x5a: {  	[tilespmem:s20], [sflag:$0x1] =	stream.linear.gather [spmem:s10], $0x4000, $0x38;
	[tilespmem:$0x1E800] =	vst v63  }
0x5b: {  	_ =	swait.ge [sflag:s18], $0x4000  }
0x5c: {  	[sflag:s18] =	ssyncset.done $0x0  }
0x5d: {  	[sflag:s18] =	ssyncadd.s32 $0xFFFFC000  }
0x5e: {  	[hbm4b:s15+s3] =	stream.linear.scatter [tilespmem:s20], [sflag:$0x1], $0x4000, $0x38;
	[tilespmem:$0x1E800] =	vst v63  }
0x5f: {  	_ =	swait.ge [sflag:s18], $0x4000  }
0x60: {  	[sflag:s18] =	ssyncset.done $0x0  }
0x61: {  	[sflag:s18] =	ssyncadd.s32 $0xFFFFC000  }
0x62: {  	[tilespmem:s20], [sflag:$0x1] =	stream.linear.gather [spmem:s11], $0x4000, $0x38;
	[tilespmem:$0x1E800] =	vst v63  }
0x63: {  	s22 =	sadd.s32 $0x1, s22;
	_ =	swait.ge [sflag:s18], $0x4000  }
0x64: {  	p0 =	sne.s32 s22, s17;
	[sflag:s18] =	ssyncset.done $0x0  }
.Ltmp1:
0x65: {  	[sflag:s18] =	ssyncadd.s32 $0xFFFFC000;
	(pc) =	sbr.rel @p0 .LBB2_1-.Ltmp1, $4  }
0x66: {  	[hbm4b:s16+s3] =	stream.linear.scatter [tilespmem:s20], [sflag:$0x1], $0x4000, $0x38;
	[tilespmem:$0x1E800] =	vst v63  }
0x67: {  	_ =	swait.ge [sflag:s18], $0x4000  }
0x68: {  	[sflag:s18] =	ssyncset.done $0x0  }
0x69: {  	[sflag:s18] =	ssyncadd.s32 $0xFFFFC000  }
0x6a: {  	_ =	sfence.sel $0x180000  }
0x6b: {  	[bflag:$0x0] =	sbarrier.arrive $0xFFFF  }
0x6c: {  	p0 =	sne.s32 s2, $0x0;
	_ =	strace $0x90000047  }
0x6d: {  	s0 =	sadd.s32 @!p0 $0x100000, s0;
	[bflag:$0x2] =	sbarrier.arrive $0xFFFF  }
0x6e: {  	[sflag:s0] =	ssyncadd.tile.s32 @!p0 $0x1;
	_ =	shalt  }
.Lfunc_end2:
_tile_overlayer_lowered:
.L_overlay_start_2:
0x6f: {  	(tag) =	ssettag $0x2  }
0x70: {  	s0 =	rddreg [dreg:$0x0];
	s2 =	stileid.u32  }
0x71: {  	s1 =	rddreg [dreg:$0x1];
	p0 =	sne.s32 s2, $0x0  }
0x72: {  	s3 =	rddreg [dreg:$0x2];
	[bflag:$0x3] =	sbarrier.arrive $0xFFFF;
	s2 =	simm.s32 @!p0 $0x1C01  }
0x73: {  	[timem:s3], [sflag:s2] =	dma.local @!p0 [hbm:s0], s1  }
0x74: {  	s0 =	simm.s32 @!p0 $0x1  }
0x75: {  	_ =	swait.ge @!p0 [sflag:s0], s1  }
0x76: {  	s1 =	ssub.s32 @!p0 $0x0, s1;
	[sflag:s0] =	ssyncset.done @!p0 $0x0  }
0x77: {  	[sflag:s0] =	ssyncadd.s32 @!p0 s1  }
0x78: {  	[bflag:$0x3] =	sbarrier.arrive $0xFFFF  }
0x79: {  	_ =	shalt  }

</sc_bundles>
